<compile_context>
chip_gen: v7x
topology: tpu7x:2x2x1
jax: 0.10.2.dev20260603
libtpu: 0.0.44.dev20260713+nightly
codegen_flags: <defaults>
</compile_context>

<pallas_src>
import functools

import jax
import jax.numpy as jnp
from jax import lax
from jax.experimental import pallas as pl
from jax.experimental.pallas import tpu as pltpu
from jax.experimental.pallas import tpu_sc as plsc

NC = 2
NS = 16
NW = NC * NS
CHUNK = 80
RPT = 632
F_CHUNKS = 172
S_CHUNKS = 80



def _fill_2d(buf, rows, cols, value):
    per_row = cols // 16

    def body(t, carry):
        r = t // per_row
        k = t % per_row
        buf[r, pl.ds(k * 16, 16)] = jnp.full((16,), value, jnp.float32)
        return carry

    lax.fori_loop(0, rows * per_row, body, 0)


def _zero_acc_slice(zbuf, acc, sid):
    base = sid * RPT
    n_full = RPT // CHUNK
    rem = RPT % CHUNK
    for k in range(n_full):
        pltpu.sync_copy(zbuf, acc.at[pl.ds(base + k * CHUNK, CHUNK)])
    if rem:
        pltpu.sync_copy(zbuf.at[pl.ds(0, rem)],
                        acc.at[pl.ds(base + n_full * CHUNK, rem)])


def _make_deg_kernel(n_edges):
    n_iters = n_edges // (CHUNK * NW)
    n_pad = NS * RPT
    DW = 128

    mesh = plsc.VectorSubcoreMesh(core_axis_name="c", subcore_axis_name="s",
                                  num_cores=NC, num_subcores=NS)

    @functools.partial(
        pl.kernel,
        out_type=jax.ShapeDtypeStruct((NC, NS, RPT, DW), jnp.float32),
        mesh=mesh,
        scratch_types=[
            pltpu.VMEM((n_iters * CHUNK,), jnp.int32),
            pltpu.VMEM((CHUNK, DW), jnp.float32),
            pltpu.VMEM((CHUNK, DW), jnp.float32),
            pltpu.VMEM_SHARED((n_pad, DW), jnp.float32),
        ],
    )
    def deg_kernel(dst_hbm, out_hbm, dst_i, ones_v, zbuf, acc):
        cid = lax.axis_index("c")
        sid = lax.axis_index("s")
        wid = sid * NC + cid
        epw = n_iters * CHUNK
        pltpu.sync_copy(dst_hbm.at[pl.ds(wid * epw, epw)], dst_i)
        _fill_2d(ones_v, CHUNK, DW, 1.0)
        _fill_2d(zbuf, CHUNK, DW, 0.0)
        _zero_acc_slice(zbuf, acc, sid)
        plsc.subcore_barrier()

        def body(i, carry):
            pltpu.sync_copy(ones_v, acc.at[dst_i.at[pl.ds(i * CHUNK, CHUNK)]],
                            add=True)
            return carry

        lax.fori_loop(0, n_iters, body, 0)
        plsc.subcore_barrier()
        pltpu.sync_copy(acc.at[pl.ds(sid * RPT, RPT)], out_hbm.at[cid, sid])

    return deg_kernel


def _make_agg_kernel(n_edges, d):
    assert n_edges >= 16 * (F_CHUNKS + S_CHUNKS) * CHUNK
    assert F_CHUNKS % 2 == 0 and S_CHUNKS % 2 == 0
    n_pad = NS * RPT

    mesh = plsc.VectorSubcoreMesh(core_axis_name="c", subcore_axis_name="s",
                                  num_cores=NC, num_subcores=NS)

    @functools.partial(
        pl.kernel,
        out_type=jax.ShapeDtypeStruct((NC, NS, RPT, d), jnp.float32),
        mesh=mesh,
        scratch_types=[
            pltpu.VMEM((F_CHUNKS * CHUNK,), jnp.int32),
            pltpu.VMEM((F_CHUNKS * CHUNK,), jnp.int32),
            pltpu.VMEM((CHUNK, d), jnp.float32),
            pltpu.VMEM((CHUNK, d), jnp.float32),
            pltpu.SemaphoreType.DMA,
            pltpu.SemaphoreType.DMA,
            pltpu.VMEM_SHARED((n_pad, d), jnp.float32),
        ],
    )
    def agg_kernel(y_hbm, src_hbm, dst_hbm, out_hbm,
                   src_i, dst_i, rows0, rows1, semg0, semg1, acc):
        cid = lax.axis_index("c")
        sid = lax.axis_index("s")
        start = jnp.where(cid == 0, sid * F_CHUNKS,
                          NS * F_CHUNKS + sid * S_CHUNKS) * CHUNK
        n_w = jnp.where(cid == 0, F_CHUNKS, S_CHUNKS)
        pltpu.sync_copy(src_hbm.at[pl.ds(start, F_CHUNKS * CHUNK)], src_i)
        pltpu.sync_copy(dst_hbm.at[pl.ds(start, F_CHUNKS * CHUNK)], dst_i)
        _fill_2d(rows0, CHUNK, d, 0.0)
        _zero_acc_slice(rows0, acc, sid)
        plsc.subcore_barrier()

        def s_at(i):
            return src_i.at[pl.ds(i * CHUNK, CHUNK)]

        def d_at(i):
            return dst_i.at[pl.ds(i * CHUNK, CHUNK)]

        last = n_w - 1
        pltpu.async_copy(y_hbm.at[s_at(0)], rows0, semg0)

        def body(j, carry):
            i0 = 2 * j
            i1 = 2 * j + 1
            i2 = jnp.minimum(i0 + 2, last)
            pltpu.async_copy(y_hbm.at[s_at(i1)], rows1, semg1)
            pltpu.make_async_copy(y_hbm.at[s_at(i0)], rows0, semg0).wait()
            pltpu.sync_copy(rows0, acc.at[d_at(i0)], add=True)
            pltpu.async_copy(y_hbm.at[s_at(i2)], rows0, semg0)
            pltpu.make_async_copy(y_hbm.at[s_at(i1)], rows1, semg1).wait()
            pltpu.sync_copy(rows1, acc.at[d_at(i1)], add=True)
            return carry

        lax.fori_loop(0, n_w // 2, body, 0)
        pltpu.make_async_copy(y_hbm.at[s_at(last)], rows0, semg0).wait()
        plsc.subcore_barrier()
        pltpu.sync_copy(acc.at[pl.ds(sid * RPT, RPT)], out_hbm.at[cid, sid])

    return agg_kernel



_BR = 1264


def _tc_first(x, w, deg0, deg1):
    n, d_in = x.shape
    d_out = w.shape[1]

    def body(x_ref, w_ref, d0_ref, d1_ref, y_ref, dinv_ref):
        deg = d0_ref[:, :1] + d1_ref[:, :1] + 1.0
        dinv = lax.rsqrt(deg)
        xw = jnp.dot(x_ref[...], w_ref[...],
                     preferred_element_type=jnp.float32)
        y_ref[...] = xw * dinv
        dinv_ref[...] = dinv

    return pl.pallas_call(
        body,
        grid=(n // _BR,),
        in_specs=[
            pl.BlockSpec((_BR, d_in), lambda i: (i, 0)),
            pl.BlockSpec((d_in, d_out), lambda i: (0, 0)),
            pl.BlockSpec((_BR, 128), lambda i: (i, 0)),
            pl.BlockSpec((_BR, 128), lambda i: (i, 0)),
        ],
        out_specs=[
            pl.BlockSpec((_BR, d_out), lambda i: (i, 0)),
            pl.BlockSpec((_BR, 1), lambda i: (i, 0)),
        ],
        out_shape=[
            jax.ShapeDtypeStruct((n, d_out), jnp.float32),
            jax.ShapeDtypeStruct((n, 1), jnp.float32),
        ],
    )(x, w, deg0, deg1)


def _tc_mid(p0, p1, y_prev, dinv2, b, w):
    n, d = y_prev.shape
    d_out = w.shape[1]

    def body(p0_ref, p1_ref, y_ref, dinv_ref, b_ref, w_ref, out_ref):
        agg = p0_ref[...] + p1_ref[...] + y_ref[...]
        h = jnp.maximum(agg * dinv_ref[...] + b_ref[...], 0.0)
        hw = jnp.dot(h, w_ref[...], preferred_element_type=jnp.float32)
        out_ref[...] = hw * dinv_ref[...]

    return pl.pallas_call(
        body,
        grid=(n // _BR,),
        in_specs=[
            pl.BlockSpec((_BR, d), lambda i: (i, 0)),
            pl.BlockSpec((_BR, d), lambda i: (i, 0)),
            pl.BlockSpec((_BR, d), lambda i: (i, 0)),
            pl.BlockSpec((_BR, 1), lambda i: (i, 0)),
            pl.BlockSpec((1, d), lambda i: (0, 0)),
            pl.BlockSpec((d, d_out), lambda i: (0, 0)),
        ],
        out_specs=pl.BlockSpec((_BR, d_out), lambda i: (i, 0)),
        out_shape=jax.ShapeDtypeStruct((n, d_out), jnp.float32),
    )(p0, p1, y_prev, dinv2, b, w)


def _tc_scale(p0, p1, y_prev, dinv2, b):
    n, d = y_prev.shape

    def body(p0_ref, p1_ref, y_ref, dinv_ref, b_ref, out_ref):
        agg = p0_ref[...] + p1_ref[...] + y_ref[...]
        h = jnp.maximum(agg * dinv_ref[...] + b_ref[...], 0.0)
        out_ref[...] = h * dinv_ref[...]

    return pl.pallas_call(
        body,
        grid=(n // _BR,),
        in_specs=[
            pl.BlockSpec((_BR, d), lambda i: (i, 0)),
            pl.BlockSpec((_BR, d), lambda i: (i, 0)),
            pl.BlockSpec((_BR, d), lambda i: (i, 0)),
            pl.BlockSpec((_BR, 1), lambda i: (i, 0)),
            pl.BlockSpec((1, d), lambda i: (0, 0)),
        ],
        out_specs=pl.BlockSpec((_BR, d), lambda i: (i, 0)),
        out_shape=jax.ShapeDtypeStruct((n, d), jnp.float32),
    )(p0, p1, y_prev, dinv2, b)


def _tc_final(p0, p1, t_prev, dinv2, w, b):
    n, d = t_prev.shape
    d_out = w.shape[1]

    def body(p0_ref, p1_ref, t_ref, dinv_ref, w_ref, b_ref, out_ref):
        agg = (p0_ref[...] + p1_ref[...] + t_ref[...]) * dinv_ref[...]
        z = jnp.dot(agg, w_ref[...],
                    preferred_element_type=jnp.float32) + b_ref[...]
        m = jnp.max(z, axis=1, keepdims=True)
        e = jnp.exp(z - m)
        s = jnp.sum(e, axis=1, keepdims=True)
        out_ref[...] = z - m - jnp.log(s)

    return pl.pallas_call(
        body,
        grid=(n // _BR,),
        in_specs=[
            pl.BlockSpec((_BR, d), lambda i: (i, 0)),
            pl.BlockSpec((_BR, d), lambda i: (i, 0)),
            pl.BlockSpec((_BR, d), lambda i: (i, 0)),
            pl.BlockSpec((_BR, 1), lambda i: (i, 0)),
            pl.BlockSpec((d, d_out), lambda i: (0, 0)),
            pl.BlockSpec((1, d_out), lambda i: (0, 0)),
        ],
        out_specs=pl.BlockSpec((_BR, d_out), lambda i: (i, 0)),
        out_shape=jax.ShapeDtypeStruct((n, d_out), jnp.float32),
    )(p0, p1, t_prev, dinv2, w, b)



def kernel(x, edge_index, W_in, b_in, W_h, b_h, W_out, b_out):
    n, d_in = x.shape
    n_edges = edge_index.shape[1]
    d_h = W_h.shape[0]
    d_out = W_out.shape[1]
    n_pad = NS * RPT

    ei = edge_index.astype(jnp.int32)
    e_pad = NS * (F_CHUNKS + S_CHUNKS) * CHUNK
    e_arr = e_pad + (F_CHUNKS - S_CHUNKS) * CHUNK
    src = jnp.concatenate(
        [ei[0], jnp.zeros((e_arr - n_edges,), jnp.int32)])
    dst = jnp.concatenate(
        [ei[1], jnp.full((e_arr - n_edges,), n_pad - 1, jnp.int32)])
    x_pad = jnp.concatenate(
        [x, jnp.zeros((n_pad - n, d_in), jnp.float32)])

    degp = _make_deg_kernel(e_pad)(dst).reshape(NC, n_pad, 128)

    agg_h = _make_agg_kernel(e_pad, d_h)

    y1, dinv2 = _tc_first(x_pad, W_in, degp[0], degp[1])
    p = agg_h(y1, src, dst).reshape(NC, n_pad, d_h)
    y2 = _tc_mid(p[0], p[1], y1, dinv2, b_in.reshape(1, -1), W_h)
    p = agg_h(y2, src, dst).reshape(NC, n_pad, d_h)
    t3 = _tc_scale(p[0], p[1], y2, dinv2, b_h.reshape(1, -1))
    p = agg_h(t3, src, dst).reshape(NC, n_pad, d_h)
    out = _tc_final(p[0], p[1], t3, dinv2, W_out, b_out.reshape(1, -1))
    return out[:n]

# --- scband reference (transcript-rebuilt; emitter-appended) ---
"""Pipeline reference for scband-gcn-19464791786077 (READ-ONLY COPY).

The authoritative reference and input builder live on the scoring server;
editing this copy changes nothing except your own understanding.
"""

import jax, jax.numpy as jnp
import numpy as np

N_NODES = 10000
N_EDGES = 320000
D_IN = 128
D_H = 128
D_OUT = 64


def gcn_conv(x, edge_index, W, b):
    # Faithful GCNConv: add self-loops, symmetric deg^{-1/2} normalization,
    # linear transform, gather messages by src, scatter-add by dst.
    n = x.shape[0]
    loops = jnp.arange(n, dtype=edge_index.dtype)
    src = jnp.concatenate([edge_index[0], loops])
    dst = jnp.concatenate([edge_index[1], loops])
    deg = jax.ops.segment_sum(jnp.ones_like(src, dtype=x.dtype), dst, num_segments=n)
    dinv = jnp.where(deg > 0, deg ** -0.5, 0.0)
    norm = dinv[src] * dinv[dst]
    xw = x @ W
    msg = xw[src] * norm[:, None]
    out = jax.ops.segment_sum(msg, dst, num_segments=n)
    return out + b


def setup_inputs(seed: int = 0) -> dict:
    key = jax.random.key(seed)
    ks = jax.random.split(key, 8)
    x = jax.random.normal(ks[0], (N_NODES, D_IN), dtype=jnp.float32)
    edge_index = jax.random.randint(ks[1], (2, N_EDGES), 0, N_NODES)
    W_in = jax.random.normal(ks[2], (D_IN, D_H), dtype=jnp.float32) * (1.0 / np.sqrt(D_IN))
    b_in = jnp.zeros((D_H,), dtype=jnp.float32)
    W_h = jax.random.normal(ks[3], (D_H, D_H), dtype=jnp.float32) * (1.0 / np.sqrt(D_H))
    b_h = jnp.zeros((D_H,), dtype=jnp.float32)
    W_out = jax.random.normal(ks[4], (D_H, D_OUT), dtype=jnp.float32) * (1.0 / np.sqrt(D_H))
    b_out = jnp.zeros((D_OUT,), dtype=jnp.float32)
    return {"x": x, "edge_index": edge_index, "W_in": W_in, "b_in": b_in,
            "W_h": W_h, "b_h": b_h, "W_out": W_out, "b_out": b_out}


def reference(x, edge_index, W_in, b_in, W_h, b_h, W_out, b_out):
    # dropout is identity in deterministic/eval reference
    h = jax.nn.relu(gcn_conv(x, edge_index, W_in, b_in))
    h = jax.nn.relu(gcn_conv(h, edge_index, W_h, b_h))
    h = gcn_conv(h, edge_index, W_out, b_out)
    return jax.nn.log_softmax(h, axis=1)

if __name__ == "__main__":
    import jax
    _d = setup_inputs()
    print(jax.jit(kernel)(*tuple(_d.values())))

</pallas_src>

<mosaic_0001>
#map = affine_map<(d0, d1) -> (0, 0)>
#map1 = affine_map<(d0, d1) -> (0)>
#map2 = affine_map<(d0, d1) -> (0, 0, 0, 0)>
module attributes {stable_mosaic.version = 14 : i64} {
  func.func @agg_kernel(%arg0: i32, %arg1: i32, %arg2: memref<10112x128xf32, #tpu.memory_space<hbm>>, %arg3: memref<329920xi32, #tpu.memory_space<hbm>>, %arg4: memref<329920xi32, #tpu.memory_space<hbm>>, %arg5: memref<2x16x632x128xf32, #tpu.memory_space<hbm>>, %arg6: memref<13760xi32, #tpu.memory_space<vmem>>, %arg7: memref<13760xi32, #tpu.memory_space<vmem>>, %arg8: memref<80x128xf32, #tpu.memory_space<vmem>>, %arg9: memref<80x128xf32, #tpu.memory_space<vmem>>, %arg10: memref<!tpu.dma_semaphore, #tpu.memory_space<semaphore_mem>>, %arg11: memref<!tpu.dma_semaphore, #tpu.memory_space<semaphore_mem>>, %arg12: memref<10112x128xf32, #tpu.memory_space<vmem_shared>>) attributes {dimension_semantics = [#tpu.dimension_semantics<core_parallel>, #tpu.dimension_semantics<subcore_parallel>], iteration_bounds = array<i64: 2, 16>, scalar_prefetch = 0 : i64, scratch_operands = 7 : i64, tpu.core_type = #tpu.core_type<sc_vector_subcore>, window_params = [{transform_indices = #map}, {transform_indices = #map1}, {transform_indices = #map1}, {transform_indices = #map2}]} {
    %eq3A = arith.constant 0 : i32
    %eq3A_0 = arith.cmpi eq, %arg0, %eq3A : i32
    %mul3A = arith.constant 172 : i32
    %mul3A_1 = arith.muli %arg1, %mul3A : i32
    %mul3A_2 = arith.constant 80 : i32
    %mul3A_3 = arith.muli %arg1, %mul3A_2 : i32
    %add3A = arith.constant 2752 : i32
    %add3A_4 = arith.addi %add3A, %mul3A_3 : i32
    %select_n3A = arith.select %eq3A_0, %mul3A_1, %add3A_4 : i32
    %mul3A_5 = arith.constant 80 : i32
    %mul3A_6 = arith.muli %select_n3A, %mul3A_5 : i32
    %eq3A_7 = arith.constant 0 : i32
    %eq3A_8 = arith.cmpi eq, %arg0, %eq3A_7 : i32
    %jit3A = arith.constant 172 : i32
    %jit3A_9 = arith.constant 80 : i32
    %select_n3A_10 = arith.select %eq3A_8, %jit3A, %jit3A_9 : i32
    "tpu.region"() ({
      %run_scoped3A = tpu.sem_alloc : memref<!tpu.dma_semaphore, #tpu.memory_space<semaphore_mem>>
      %dma_start3A_75 = tpu.memref_slice %arg3[%mul3A_6] : memref<329920xi32, #tpu.memory_space<hbm>> -> memref<13760xi32, #tpu.memory_space<hbm>>
      %dma_start3A_76 = tpu.memref_slice %arg3[%mul3A_6] : memref<329920xi32, #tpu.memory_space<hbm>> -> memref<13760xi32, #tpu.memory_space<hbm>>
      tpu.enqueue_dma source(%dma_start3A_76 : memref<13760xi32, #tpu.memory_space<hbm>>) target(%arg6 : memref<13760xi32, #tpu.memory_space<vmem>>) target_semaphore(%run_scoped3A : memref<!tpu.dma_semaphore, #tpu.memory_space<semaphore_mem>>)
      %dma_wait3A_77 = tpu.memref_slice %arg3[%mul3A_6] : memref<329920xi32, #tpu.memory_space<hbm>> -> memref<13760xi32, #tpu.memory_space<hbm>>
      %dma_wait3A_78 = tpu.memref_slice %arg3[%mul3A_6] : memref<329920xi32, #tpu.memory_space<hbm>> -> memref<13760xi32, #tpu.memory_space<hbm>>
      tpu.wait_dma2 semaphore(%run_scoped3A : memref<!tpu.dma_semaphore, #tpu.memory_space<semaphore_mem>>) src(%dma_wait3A_78 : memref<13760xi32, #tpu.memory_space<hbm>>) dst(%arg6 : memref<13760xi32, #tpu.memory_space<vmem>>)
      tpu.yield
    }) : () -> ()
    "tpu.region"() ({
      %run_scoped3A = tpu.sem_alloc : memref<!tpu.dma_semaphore, #tpu.memory_space<semaphore_mem>>
      %dma_start3A_75 = tpu.memref_slice %arg4[%mul3A_6] : memref<329920xi32, #tpu.memory_space<hbm>> -> memref<13760xi32, #tpu.memory_space<hbm>>
      %dma_start3A_76 = tpu.memref_slice %arg4[%mul3A_6] : memref<329920xi32, #tpu.memory_space<hbm>> -> memref<13760xi32, #tpu.memory_space<hbm>>
      tpu.enqueue_dma source(%dma_start3A_76 : memref<13760xi32, #tpu.memory_space<hbm>>) target(%arg7 : memref<13760xi32, #tpu.memory_space<vmem>>) target_semaphore(%run_scoped3A : memref<!tpu.dma_semaphore, #tpu.memory_space<semaphore_mem>>)
      %dma_wait3A_77 = tpu.memref_slice %arg4[%mul3A_6] : memref<329920xi32, #tpu.memory_space<hbm>> -> memref<13760xi32, #tpu.memory_space<hbm>>
      %dma_wait3A_78 = tpu.memref_slice %arg4[%mul3A_6] : memref<329920xi32, #tpu.memory_space<hbm>> -> memref<13760xi32, #tpu.memory_space<hbm>>
      tpu.wait_dma2 semaphore(%run_scoped3A : memref<!tpu.dma_semaphore, #tpu.memory_space<semaphore_mem>>) src(%dma_wait3A_78 : memref<13760xi32, #tpu.memory_space<hbm>>) dst(%arg7 : memref<13760xi32, #tpu.memory_space<vmem>>)
      tpu.yield
    }) : () -> ()
    %scan3A = arith.constant 0 : i32
    %scan3A_11 = arith.constant 0 : i32
    %scan3A_12 = arith.constant 640 : i32
    %scan3A_13 = arith.addi %scan3A_11, %scan3A_12 : i32
    %scan3A_14 = arith.constant 1 : i32
    scf.for %scan3A_75 = %scan3A_11 to %scan3A_13 step %scan3A_14  : i32 {
      %jit3A_76 = arith.constant 8 : i32
      %div3A_77 = arith.divsi %scan3A_75, %jit3A_76 : i32
      %sign3A_78 = arith.constant 0 : i32
      %sign3A_79 = arith.cmpi sgt, %scan3A_75, %sign3A_78 : i32
      %sign3A_80 = arith.extui %sign3A_79 : i1 to i32
      %sign3A_81 = arith.constant 0 : i32
      %sign3A_82 = arith.cmpi slt, %scan3A_75, %sign3A_81 : i32
      %sign3A_83 = arith.extui %sign3A_82 : i1 to i32
      %sign3A_84 = arith.subi %sign3A_80, %sign3A_83 : i32
      %sign3A_85 = arith.constant 0 : i32
      %sign3A_86 = arith.cmpi sgt, %jit3A_76, %sign3A_85 : i32
      %sign3A_87 = arith.extui %sign3A_86 : i1 to i32
      %sign3A_88 = arith.constant 0 : i32
      %sign3A_89 = arith.cmpi slt, %jit3A_76, %sign3A_88 : i32
      %sign3A_90 = arith.extui %sign3A_89 : i1 to i32
      %sign3A_91 = arith.subi %sign3A_87, %sign3A_90 : i32
      %ne3A_92 = arith.cmpi ne, %sign3A_84, %sign3A_91 : i32
      %rem3A_93 = arith.remsi %scan3A_75, %jit3A_76 : i32
      %ne3A_94 = arith.constant 0 : i32
      %ne3A_95 = arith.cmpi ne, %rem3A_93, %ne3A_94 : i32
      %and3A_96 = arith.andi %ne3A_92, %ne3A_95 : i1
      %sub3A_97 = arith.constant 1 : i32
      %sub3A_98 = arith.subi %div3A_77, %sub3A_97 : i32
      %select_n3A_99 = arith.select %and3A_96, %sub3A_98, %div3A_77 : i32
      %jit3A_100 = arith.constant 8 : i32
      %eq3A_101 = arith.constant 0 : i32
      %eq3A_102 = arith.cmpi eq, %jit3A_100, %eq3A_101 : i32
      %jit3A_103 = arith.constant 1 : i32
      %select_n3A_104 = arith.select %eq3A_102, %jit3A_103, %jit3A_100 : i32
      %rem3A_105 = arith.remsi %scan3A_75, %select_n3A_104 : i32
      %ne3A_106 = arith.constant 0 : i32
      %ne3A_107 = arith.cmpi ne, %rem3A_105, %ne3A_106 : i32
      %lt3A = arith.constant 0 : i32
      %lt3A_108 = arith.cmpi slt, %rem3A_105, %lt3A : i32
      %lt3A_109 = arith.constant 0 : i32
      %lt3A_110 = arith.cmpi slt, %select_n3A_104, %lt3A_109 : i32
      %ne3A_111 = arith.xori %lt3A_108, %lt3A_110 : i1
      %and3A_112 = arith.andi %ne3A_111, %ne3A_107 : i1
      %add3A_113 = arith.addi %rem3A_105, %select_n3A_104 : i32
      %select_n3A_114 = arith.select %and3A_112, %add3A_113, %rem3A_105 : i32
      %broadcast_in_dim3A = arith.constant 0.000000e+00 : f32
      %broadcast_in_dim3A_115 = vector.broadcast %broadcast_in_dim3A : f32 to vector<16xf32>
      %mul3A_116 = arith.constant 16 : i32
      %mul3A_117 = arith.muli %select_n3A_114, %mul3A_116 : i32
      %swap3A = arith.index_cast %select_n3A_99 : i32 to index
      %swap3A_118 = arith.index_cast %mul3A_117 : i32 to index
      %swap3A_119 = tpu.vector_load %arg8[%swap3A, %swap3A_118] {strides = array<i32>} : memref<80x128xf32, #tpu.memory_space<vmem>>, vector<1x16xf32>,
      %swap3A_120 = vector.shape_cast %swap3A_119 : vector<1x16xf32> to vector<16xf32>
      %swap3A_121 = vector.shape_cast %broadcast_in_dim3A_115 : vector<16xf32> to vector<1x16xf32>
      tpu.vector_store %arg8[%swap3A, %swap3A_118], %swap3A_121 {strides = array<i32>} : memref<80x128xf32, #tpu.memory_space<vmem>>, vector<1x16xf32>,
    }
    %scan3A_15 = arith.constant 640 : i32
    %mul3A_16 = arith.constant 632 : i32
    %mul3A_17 = arith.muli %arg1, %mul3A_16 : i32
    %add3A_18 = arith.constant 0 : i32
    %add3A_19 = arith.addi %mul3A_17, %add3A_18 : i32
    "tpu.region"() ({
      %run_scoped3A = tpu.sem_alloc : memref<!tpu.dma_semaphore, #tpu.memory_space<semaphore_mem>>
      %dma_start3A_75 = arith.constant 0 : i32
      %dma_start3A_76 = tpu.memref_slice %arg12[%add3A_19, %dma_start3A_75] : memref<10112x128xf32, #tpu.memory_space<vmem_shared>> -> memref<80x128xf32, #tpu.memory_space<vmem_shared>>
      %dma_start3A_77 = arith.constant 0 : i32
      %dma_start3A_78 = tpu.memref_slice %arg12[%add3A_19, %dma_start3A_77] : memref<10112x128xf32, #tpu.memory_space<vmem_shared>> -> memref<80x128xf32, #tpu.memory_space<vmem_shared>>
      tpu.enqueue_dma source(%arg8 : memref<80x128xf32, #tpu.memory_space<vmem>>) target(%dma_start3A_78 : memref<80x128xf32, #tpu.memory_space<vmem_shared>>) target_semaphore(%run_scoped3A : memref<!tpu.dma_semaphore, #tpu.memory_space<semaphore_mem>>)
      %dma_wait3A_79 = arith.constant 0 : i32
      %dma_wait3A_80 = tpu.memref_slice %arg12[%add3A_19, %dma_wait3A_79] : memref<10112x128xf32, #tpu.memory_space<vmem_shared>> -> memref<80x128xf32, #tpu.memory_space<vmem_shared>>
      %dma_wait3A_81 = arith.constant 0 : i32
      %dma_wait3A_82 = tpu.memref_slice %arg12[%add3A_19, %dma_wait3A_81] : memref<10112x128xf32, #tpu.memory_space<vmem_shared>> -> memref<80x128xf32, #tpu.memory_space<vmem_shared>>
      tpu.wait_dma2 semaphore(%run_scoped3A : memref<!tpu.dma_semaphore, #tpu.memory_space<semaphore_mem>>) src(%arg8 : memref<80x128xf32, #tpu.memory_space<vmem>>) dst(%dma_wait3A_82 : memref<80x128xf32, #tpu.memory_space<vmem_shared>>)
      tpu.yield
    }) : () -> ()
    %add3A_20 = arith.constant 80 : i32
    %add3A_21 = arith.addi %mul3A_17, %add3A_20 : i32
    "tpu.region"() ({
      %run_scoped3A = tpu.sem_alloc : memref<!tpu.dma_semaphore, #tpu.memory_space<semaphore_mem>>
      %dma_start3A_75 = arith.constant 0 : i32
      %dma_start3A_76 = tpu.memref_slice %arg12[%add3A_21, %dma_start3A_75] : memref<10112x128xf32, #tpu.memory_space<vmem_shared>> -> memref<80x128xf32, #tpu.memory_space<vmem_shared>>
      %dma_start3A_77 = arith.constant 0 : i32
      %dma_start3A_78 = tpu.memref_slice %arg12[%add3A_21, %dma_start3A_77] : memref<10112x128xf32, #tpu.memory_space<vmem_shared>> -> memref<80x128xf32, #tpu.memory_space<vmem_shared>>
      tpu.enqueue_dma source(%arg8 : memref<80x128xf32, #tpu.memory_space<vmem>>) target(%dma_start3A_78 : memref<80x128xf32, #tpu.memory_space<vmem_shared>>) target_semaphore(%run_scoped3A : memref<!tpu.dma_semaphore, #tpu.memory_space<semaphore_mem>>)
      %dma_wait3A_79 = arith.constant 0 : i32
      %dma_wait3A_80 = tpu.memref_slice %arg12[%add3A_21, %dma_wait3A_79] : memref<10112x128xf32, #tpu.memory_space<vmem_shared>> -> memref<80x128xf32, #tpu.memory_space<vmem_shared>>
      %dma_wait3A_81 = arith.constant 0 : i32
      %dma_wait3A_82 = tpu.memref_slice %arg12[%add3A_21, %dma_wait3A_81] : memref<10112x128xf32, #tpu.memory_space<vmem_shared>> -> memref<80x128xf32, #tpu.memory_space<vmem_shared>>
      tpu.wait_dma2 semaphore(%run_scoped3A : memref<!tpu.dma_semaphore, #tpu.memory_space<semaphore_mem>>) src(%arg8 : memref<80x128xf32, #tpu.memory_space<vmem>>) dst(%dma_wait3A_82 : memref<80x128xf32, #tpu.memory_space<vmem_shared>>)
      tpu.yield
    }) : () -> ()
    %add3A_22 = arith.constant 160 : i32
    %add3A_23 = arith.addi %mul3A_17, %add3A_22 : i32
    "tpu.region"() ({
      %run_scoped3A = tpu.sem_alloc : memref<!tpu.dma_semaphore, #tpu.memory_space<semaphore_mem>>
      %dma_start3A_75 = arith.constant 0 : i32
      %dma_start3A_76 = tpu.memref_slice %arg12[%add3A_23, %dma_start3A_75] : memref<10112x128xf32, #tpu.memory_space<vmem_shared>> -> memref<80x128xf32, #tpu.memory_space<vmem_shared>>
      %dma_start3A_77 = arith.constant 0 : i32
      %dma_start3A_78 = tpu.memref_slice %arg12[%add3A_23, %dma_start3A_77] : memref<10112x128xf32, #tpu.memory_space<vmem_shared>> -> memref<80x128xf32, #tpu.memory_space<vmem_shared>>
      tpu.enqueue_dma source(%arg8 : memref<80x128xf32, #tpu.memory_space<vmem>>) target(%dma_start3A_78 : memref<80x128xf32, #tpu.memory_space<vmem_shared>>) target_semaphore(%run_scoped3A : memref<!tpu.dma_semaphore, #tpu.memory_space<semaphore_mem>>)
      %dma_wait3A_79 = arith.constant 0 : i32
      %dma_wait3A_80 = tpu.memref_slice %arg12[%add3A_23, %dma_wait3A_79] : memref<10112x128xf32, #tpu.memory_space<vmem_shared>> -> memref<80x128xf32, #tpu.memory_space<vmem_shared>>
      %dma_wait3A_81 = arith.constant 0 : i32
      %dma_wait3A_82 = tpu.memref_slice %arg12[%add3A_23, %dma_wait3A_81] : memref<10112x128xf32, #tpu.memory_space<vmem_shared>> -> memref<80x128xf32, #tpu.memory_space<vmem_shared>>
      tpu.wait_dma2 semaphore(%run_scoped3A : memref<!tpu.dma_semaphore, #tpu.memory_space<semaphore_mem>>) src(%arg8 : memref<80x128xf32, #tpu.memory_space<vmem>>) dst(%dma_wait3A_82 : memref<80x128xf32, #tpu.memory_space<vmem_shared>>)
      tpu.yield
    }) : () -> ()
    %add3A_24 = arith.constant 240 : i32
    %add3A_25 = arith.addi %mul3A_17, %add3A_24 : i32
    "tpu.region"() ({
      %run_scoped3A = tpu.sem_alloc : memref<!tpu.dma_semaphore, #tpu.memory_space<semaphore_mem>>
      %dma_start3A_75 = arith.constant 0 : i32
      %dma_start3A_76 = tpu.memref_slice %arg12[%add3A_25, %dma_start3A_75] : memref<10112x128xf32, #tpu.memory_space<vmem_shared>> -> memref<80x128xf32, #tpu.memory_space<vmem_shared>>
      %dma_start3A_77 = arith.constant 0 : i32
      %dma_start3A_78 = tpu.memref_slice %arg12[%add3A_25, %dma_start3A_77] : memref<10112x128xf32, #tpu.memory_space<vmem_shared>> -> memref<80x128xf32, #tpu.memory_space<vmem_shared>>
      tpu.enqueue_dma source(%arg8 : memref<80x128xf32, #tpu.memory_space<vmem>>) target(%dma_start3A_78 : memref<80x128xf32, #tpu.memory_space<vmem_shared>>) target_semaphore(%run_scoped3A : memref<!tpu.dma_semaphore, #tpu.memory_space<semaphore_mem>>)
      %dma_wait3A_79 = arith.constant 0 : i32
      %dma_wait3A_80 = tpu.memref_slice %arg12[%add3A_25, %dma_wait3A_79] : memref<10112x128xf32, #tpu.memory_space<vmem_shared>> -> memref<80x128xf32, #tpu.memory_space<vmem_shared>>
      %dma_wait3A_81 = arith.constant 0 : i32
      %dma_wait3A_82 = tpu.memref_slice %arg12[%add3A_25, %dma_wait3A_81] : memref<10112x128xf32, #tpu.memory_space<vmem_shared>> -> memref<80x128xf32, #tpu.memory_space<vmem_shared>>
      tpu.wait_dma2 semaphore(%run_scoped3A : memref<!tpu.dma_semaphore, #tpu.memory_space<semaphore_mem>>) src(%arg8 : memref<80x128xf32, #tpu.memory_space<vmem>>) dst(%dma_wait3A_82 : memref<80x128xf32, #tpu.memory_space<vmem_shared>>)
      tpu.yield
    }) : () -> ()
    %add3A_26 = arith.constant 320 : i32
    %add3A_27 = arith.addi %mul3A_17, %add3A_26 : i32
    "tpu.region"() ({
      %run_scoped3A = tpu.sem_alloc : memref<!tpu.dma_semaphore, #tpu.memory_space<semaphore_mem>>
      %dma_start3A_75 = arith.constant 0 : i32
      %dma_start3A_76 = tpu.memref_slice %arg12[%add3A_27, %dma_start3A_75] : memref<10112x128xf32, #tpu.memory_space<vmem_shared>> -> memref<80x128xf32, #tpu.memory_space<vmem_shared>>
      %dma_start3A_77 = arith.constant 0 : i32
      %dma_start3A_78 = tpu.memref_slice %arg12[%add3A_27, %dma_start3A_77] : memref<10112x128xf32, #tpu.memory_space<vmem_shared>> -> memref<80x128xf32, #tpu.memory_space<vmem_shared>>
      tpu.enqueue_dma source(%arg8 : memref<80x128xf32, #tpu.memory_space<vmem>>) target(%dma_start3A_78 : memref<80x128xf32, #tpu.memory_space<vmem_shared>>) target_semaphore(%run_scoped3A : memref<!tpu.dma_semaphore, #tpu.memory_space<semaphore_mem>>)
      %dma_wait3A_79 = arith.constant 0 : i32
      %dma_wait3A_80 = tpu.memref_slice %arg12[%add3A_27, %dma_wait3A_79] : memref<10112x128xf32, #tpu.memory_space<vmem_shared>> -> memref<80x128xf32, #tpu.memory_space<vmem_shared>>
      %dma_wait3A_81 = arith.constant 0 : i32
      %dma_wait3A_82 = tpu.memref_slice %arg12[%add3A_27, %dma_wait3A_81] : memref<10112x128xf32, #tpu.memory_space<vmem_shared>> -> memref<80x128xf32, #tpu.memory_space<vmem_shared>>
      tpu.wait_dma2 semaphore(%run_scoped3A : memref<!tpu.dma_semaphore, #tpu.memory_space<semaphore_mem>>) src(%arg8 : memref<80x128xf32, #tpu.memory_space<vmem>>) dst(%dma_wait3A_82 : memref<80x128xf32, #tpu.memory_space<vmem_shared>>)
      tpu.yield
    }) : () -> ()
    %add3A_28 = arith.constant 400 : i32
    %add3A_29 = arith.addi %mul3A_17, %add3A_28 : i32
    "tpu.region"() ({
      %run_scoped3A = tpu.sem_alloc : memref<!tpu.dma_semaphore, #tpu.memory_space<semaphore_mem>>
      %dma_start3A_75 = arith.constant 0 : i32
      %dma_start3A_76 = tpu.memref_slice %arg12[%add3A_29, %dma_start3A_75] : memref<10112x128xf32, #tpu.memory_space<vmem_shared>> -> memref<80x128xf32, #tpu.memory_space<vmem_shared>>
      %dma_start3A_77 = arith.constant 0 : i32
      %dma_start3A_78 = tpu.memref_slice %arg12[%add3A_29, %dma_start3A_77] : memref<10112x128xf32, #tpu.memory_space<vmem_shared>> -> memref<80x128xf32, #tpu.memory_space<vmem_shared>>
      tpu.enqueue_dma source(%arg8 : memref<80x128xf32, #tpu.memory_space<vmem>>) target(%dma_start3A_78 : memref<80x128xf32, #tpu.memory_space<vmem_shared>>) target_semaphore(%run_scoped3A : memref<!tpu.dma_semaphore, #tpu.memory_space<semaphore_mem>>)
      %dma_wait3A_79 = arith.constant 0 : i32
      %dma_wait3A_80 = tpu.memref_slice %arg12[%add3A_29, %dma_wait3A_79] : memref<10112x128xf32, #tpu.memory_space<vmem_shared>> -> memref<80x128xf32, #tpu.memory_space<vmem_shared>>
      %dma_wait3A_81 = arith.constant 0 : i32
      %dma_wait3A_82 = tpu.memref_slice %arg12[%add3A_29, %dma_wait3A_81] : memref<10112x128xf32, #tpu.memory_space<vmem_shared>> -> memref<80x128xf32, #tpu.memory_space<vmem_shared>>
      tpu.wait_dma2 semaphore(%run_scoped3A : memref<!tpu.dma_semaphore, #tpu.memory_space<semaphore_mem>>) src(%arg8 : memref<80x128xf32, #tpu.memory_space<vmem>>) dst(%dma_wait3A_82 : memref<80x128xf32, #tpu.memory_space<vmem_shared>>)
      tpu.yield
    }) : () -> ()
    %add3A_30 = arith.constant 480 : i32
    %add3A_31 = arith.addi %mul3A_17, %add3A_30 : i32
    "tpu.region"() ({
      %run_scoped3A = tpu.sem_alloc : memref<!tpu.dma_semaphore, #tpu.memory_space<semaphore_mem>>
      %dma_start3A_75 = arith.constant 0 : i32
      %dma_start3A_76 = tpu.memref_slice %arg12[%add3A_31, %dma_start3A_75] : memref<10112x128xf32, #tpu.memory_space<vmem_shared>> -> memref<80x128xf32, #tpu.memory_space<vmem_shared>>
      %dma_start3A_77 = arith.constant 0 : i32
      %dma_start3A_78 = tpu.memref_slice %arg12[%add3A_31, %dma_start3A_77] : memref<10112x128xf32, #tpu.memory_space<vmem_shared>> -> memref<80x128xf32, #tpu.memory_space<vmem_shared>>
      tpu.enqueue_dma source(%arg8 : memref<80x128xf32, #tpu.memory_space<vmem>>) target(%dma_start3A_78 : memref<80x128xf32, #tpu.memory_space<vmem_shared>>) target_semaphore(%run_scoped3A : memref<!tpu.dma_semaphore, #tpu.memory_space<semaphore_mem>>)
      %dma_wait3A_79 = arith.constant 0 : i32
      %dma_wait3A_80 = tpu.memref_slice %arg12[%add3A_31, %dma_wait3A_79] : memref<10112x128xf32, #tpu.memory_space<vmem_shared>> -> memref<80x128xf32, #tpu.memory_space<vmem_shared>>
      %dma_wait3A_81 = arith.constant 0 : i32
      %dma_wait3A_82 = tpu.memref_slice %arg12[%add3A_31, %dma_wait3A_81] : memref<10112x128xf32, #tpu.memory_space<vmem_shared>> -> memref<80x128xf32, #tpu.memory_space<vmem_shared>>
      tpu.wait_dma2 semaphore(%run_scoped3A : memref<!tpu.dma_semaphore, #tpu.memory_space<semaphore_mem>>) src(%arg8 : memref<80x128xf32, #tpu.memory_space<vmem>>) dst(%dma_wait3A_82 : memref<80x128xf32, #tpu.memory_space<vmem_shared>>)
      tpu.yield
    }) : () -> ()
    %add3A_32 = arith.constant 560 : i32
    %add3A_33 = arith.addi %mul3A_17, %add3A_32 : i32
    "tpu.region"() ({
      %run_scoped3A = tpu.sem_alloc : memref<!tpu.dma_semaphore, #tpu.memory_space<semaphore_mem>>
      %dma_start3A_75 = arith.constant 0 : i32
      %dma_start3A_76 = arith.constant 0 : i32
      %dma_start3A_77 = tpu.memref_slice %arg8[%dma_start3A_75, %dma_start3A_76] : memref<80x128xf32, #tpu.memory_space<vmem>> -> memref<72x128xf32, #tpu.memory_space<vmem>>
      %dma_start3A_78 = arith.constant 0 : i32
      %dma_start3A_79 = tpu.memref_slice %arg12[%add3A_33, %dma_start3A_78] : memref<10112x128xf32, #tpu.memory_space<vmem_shared>> -> memref<72x128xf32, #tpu.memory_space<vmem_shared>>
      %dma_start3A_80 = arith.constant 0 : i32
      %dma_start3A_81 = tpu.memref_slice %arg12[%add3A_33, %dma_start3A_80] : memref<10112x128xf32, #tpu.memory_space<vmem_shared>> -> memref<72x128xf32, #tpu.memory_space<vmem_shared>>
      %dma_start3A_82 = arith.constant 0 : i32
      %dma_start3A_83 = arith.constant 0 : i32
      %dma_start3A_84 = tpu.memref_slice %arg8[%dma_start3A_82, %dma_start3A_83] : memref<80x128xf32, #tpu.memory_space<vmem>> -> memref<72x128xf32, #tpu.memory_space<vmem>>
      tpu.enqueue_dma source(%dma_start3A_84 : memref<72x128xf32, #tpu.memory_space<vmem>>) target(%dma_start3A_81 : memref<72x128xf32, #tpu.memory_space<vmem_shared>>) target_semaphore(%run_scoped3A : memref<!tpu.dma_semaphore, #tpu.memory_space<semaphore_mem>>)
      %dma_wait3A_85 = arith.constant 0 : i32
      %dma_wait3A_86 = arith.constant 0 : i32
      %dma_wait3A_87 = tpu.memref_slice %arg8[%dma_wait3A_85, %dma_wait3A_86] : memref<80x128xf32, #tpu.memory_space<vmem>> -> memref<72x128xf32, #tpu.memory_space<vmem>>
      %dma_wait3A_88 = arith.constant 0 : i32
      %dma_wait3A_89 = tpu.memref_slice %arg12[%add3A_33, %dma_wait3A_88] : memref<10112x128xf32, #tpu.memory_space<vmem_shared>> -> memref<72x128xf32, #tpu.memory_space<vmem_shared>>
      %dma_wait3A_90 = arith.constant 0 : i32
      %dma_wait3A_91 = tpu.memref_slice %arg12[%add3A_33, %dma_wait3A_90] : memref<10112x128xf32, #tpu.memory_space<vmem_shared>> -> memref<72x128xf32, #tpu.memory_space<vmem_shared>>
      %dma_wait3A_92 = arith.constant 0 : i32
      %dma_wait3A_93 = arith.constant 0 : i32
      %dma_wait3A_94 = tpu.memref_slice %arg8[%dma_wait3A_92, %dma_wait3A_93] : memref<80x128xf32, #tpu.memory_space<vmem>> -> memref<72x128xf32, #tpu.memory_space<vmem>>
      tpu.wait_dma2 semaphore(%run_scoped3A : memref<!tpu.dma_semaphore, #tpu.memory_space<semaphore_mem>>) src(%dma_wait3A_94 : memref<72x128xf32, #tpu.memory_space<vmem>>) dst(%dma_wait3A_91 : memref<72x128xf32, #tpu.memory_space<vmem_shared>>)
      tpu.yield
    }) : () -> ()
    %barrier3A = arith.constant 0 : index
    tpu.barrier barrier_id(%barrier3A)
    %sub3A = arith.constant 1 : i32
    %sub3A_34 = arith.subi %select_n3A_10, %sub3A : i32
    %dma_start3A = arith.constant 0 : i32
    %dma_start3A_35 = tpu.memref_slice %arg6[%dma_start3A] : memref<13760xi32, #tpu.memory_space<vmem>> -> memref<80xi32, #tpu.memory_space<vmem>>
    %dma_start3A_36 = arith.constant 0 : i32
    %dma_start3A_37 = arith.constant 0 : i32
    %dma_start3A_38 = tpu.memref_slice %arg2[%dma_start3A_36, %dma_start3A_37] : memref<10112x128xf32, #tpu.memory_space<hbm>> -> memref<10112x128xf32, #tpu.memory_space<hbm>>
    tpu.enqueue_indirect_dma source(%dma_start3A_38 : memref<10112x128xf32, #tpu.memory_space<hbm>>) target(%arg8 : memref<80x128xf32, #tpu.memory_space<vmem>>) offsets(%dma_start3A_35 : memref<80xi32, #tpu.memory_space<vmem>>) semaphore(%arg10 : memref<!tpu.dma_semaphore, #tpu.memory_space<semaphore_mem>>)
    %jit3A_39 = arith.constant 2 : i32
    %div3A = arith.divsi %select_n3A_10, %jit3A_39 : i32
    %sign3A = arith.constant 0 : i32
    %sign3A_40 = arith.cmpi sgt, %select_n3A_10, %sign3A : i32
    %sign3A_41 = arith.extui %sign3A_40 : i1 to i32
    %sign3A_42 = arith.constant 0 : i32
    %sign3A_43 = arith.cmpi slt, %select_n3A_10, %sign3A_42 : i32
    %sign3A_44 = arith.extui %sign3A_43 : i1 to i32
    %sign3A_45 = arith.subi %sign3A_41, %sign3A_44 : i32
    %sign3A_46 = arith.constant 0 : i32
    %sign3A_47 = arith.cmpi sgt, %jit3A_39, %sign3A_46 : i32
    %sign3A_48 = arith.extui %sign3A_47 : i1 to i32
    %sign3A_49 = arith.constant 0 : i32
    %sign3A_50 = arith.cmpi slt, %jit3A_39, %sign3A_49 : i32
    %sign3A_51 = arith.extui %sign3A_50 : i1 to i32
    %sign3A_52 = arith.subi %sign3A_48, %sign3A_51 : i32
    %ne3A = arith.cmpi ne, %sign3A_45, %sign3A_52 : i32
    %rem3A = arith.remsi %select_n3A_10, %jit3A_39 : i32
    %ne3A_53 = arith.constant 0 : i32
    %ne3A_54 = arith.cmpi ne, %rem3A, %ne3A_53 : i32
    %and3A = arith.andi %ne3A, %ne3A_54 : i1
    %sub3A_55 = arith.constant 1 : i32
    %sub3A_56 = arith.subi %div3A, %sub3A_55 : i32
    %select_n3A_57 = arith.select %and3A, %sub3A_56, %div3A : i32
    %while3A = arith.constant 0 : i32
    %while3A_58 = arith.constant 0 : i32
    %while3A_59 = arith.subi %select_n3A_57, %while3A_58 : i32
    %while3A_60 = arith.addi %while3A_58, %while3A_59 : i32
    %while3A_61 = arith.constant 1 : i32
    %while3A_62 = arith.divsi %while3A_59, %while3A_61 : i32
    %while3A_63 = arith.muli %while3A_62, %while3A_61 : i32
    %while3A_64 = arith.addi %while3A_58, %while3A_63 : i32
    %while3A_65 = arith.constant 1 : i32
    scf.for %while3A_75 = %while3A_58 to %while3A_64 step %while3A_65  : i32 {
      %mul3A_76 = arith.constant 2 : i32
      %mul3A_77 = arith.muli %mul3A_76, %while3A_75 : i32
      %mul3A_78 = arith.constant 2 : i32
      %mul3A_79 = arith.muli %mul3A_78, %while3A_75 : i32
      %add3A_80 = arith.constant 1 : i32
      %add3A_81 = arith.addi %mul3A_79, %add3A_80 : i32
      %add3A_82 = arith.constant 2 : i32
      %add3A_83 = arith.addi %mul3A_77, %add3A_82 : i32
      %min3A = arith.minsi %add3A_83, %sub3A_34 : i32
      %mul3A_84 = arith.constant 80 : i32
      %mul3A_85 = arith.muli %add3A_81, %mul3A_84 : i32
      %dma_start3A_86 = tpu.memref_slice %arg6[%mul3A_85] : memref<13760xi32, #tpu.memory_space<vmem>> -> memref<80xi32, #tpu.memory_space<vmem>>
      %dma_start3A_87 = arith.constant 0 : i32
      %dma_start3A_88 = arith.constant 0 : i32
      %dma_start3A_89 = tpu.memref_slice %arg2[%dma_start3A_87, %dma_start3A_88] : memref<10112x128xf32, #tpu.memory_space<hbm>> -> memref<10112x128xf32, #tpu.memory_space<hbm>>
      tpu.enqueue_indirect_dma source(%dma_start3A_89 : memref<10112x128xf32, #tpu.memory_space<hbm>>) target(%arg9 : memref<80x128xf32, #tpu.memory_space<vmem>>) offsets(%dma_start3A_86 : memref<80xi32, #tpu.memory_space<vmem>>) semaphore(%arg11 : memref<!tpu.dma_semaphore, #tpu.memory_space<semaphore_mem>>)
      %mul3A_90 = arith.constant 80 : i32
      %mul3A_91 = arith.muli %mul3A_77, %mul3A_90 : i32
      %dma_wait3A_92 = tpu.memref_slice %arg6[%mul3A_91] : memref<13760xi32, #tpu.memory_space<vmem>> -> memref<80xi32, #tpu.memory_space<vmem>>
      %dma_wait3A_93 = arith.constant 0 : i32
      %dma_wait3A_94 = arith.constant 0 : i32
      %dma_wait3A_95 = tpu.memref_slice %arg2[%dma_wait3A_93, %dma_wait3A_94] : memref<10112x128xf32, #tpu.memory_space<hbm>> -> memref<10112x128xf32, #tpu.memory_space<hbm>>
      tpu.wait_indirect_dma semaphore(%arg10 : memref<!tpu.dma_semaphore, #tpu.memory_space<semaphore_mem>>) src(%dma_wait3A_95 : memref<10112x128xf32, #tpu.memory_space<hbm>>) dst(%arg8 : memref<80x128xf32, #tpu.memory_space<vmem>>)
      %mul3A_96 = arith.constant 80 : i32
      %mul3A_97 = arith.muli %mul3A_77, %mul3A_96 : i32
      "tpu.region"() ({
        %run_scoped3A = tpu.sem_alloc : memref<!tpu.dma_semaphore, #tpu.memory_space<semaphore_mem>>
        %dma_start3A_112 = tpu.memref_slice %arg7[%mul3A_97] : memref<13760xi32, #tpu.memory_space<vmem>> -> memref<80xi32, #tpu.memory_space<vmem>>
        %dma_start3A_113 = arith.constant 0 : i32
        %dma_start3A_114 = arith.constant 0 : i32
        %dma_start3A_115 = tpu.memref_slice %arg12[%dma_start3A_113, %dma_start3A_114] : memref<10112x128xf32, #tpu.memory_space<vmem_shared>> -> memref<10112x128xf32, #tpu.memory_space<vmem_shared>>
        tpu.enqueue_indirect_dma source(%arg8 : memref<80x128xf32, #tpu.memory_space<vmem>>) target(%dma_start3A_115 : memref<10112x128xf32, #tpu.memory_space<vmem_shared>>) offsets(%dma_start3A_112 : memref<80xi32, #tpu.memory_space<vmem>>) semaphore(%run_scoped3A : memref<!tpu.dma_semaphore, #tpu.memory_space<semaphore_mem>>) {add = true}
        %dma_wait3A_116 = tpu.memref_slice %arg7[%mul3A_97] : memref<13760xi32, #tpu.memory_space<vmem>> -> memref<80xi32, #tpu.memory_space<vmem>>
        %dma_wait3A_117 = arith.constant 0 : i32
        %dma_wait3A_118 = arith.constant 0 : i32
        %dma_wait3A_119 = tpu.memref_slice %arg12[%dma_wait3A_117, %dma_wait3A_118] : memref<10112x128xf32, #tpu.memory_space<vmem_shared>> -> memref<10112x128xf32, #tpu.memory_space<vmem_shared>>
        tpu.wait_indirect_dma semaphore(%run_scoped3A : memref<!tpu.dma_semaphore, #tpu.memory_space<semaphore_mem>>) src(%arg8 : memref<80x128xf32, #tpu.memory_space<vmem>>) dst(%dma_wait3A_119 : memref<10112x128xf32, #tpu.memory_space<vmem_shared>>)
        tpu.yield
      }) : () -> ()
      %mul3A_98 = arith.constant 80 : i32
      %mul3A_99 = arith.muli %min3A, %mul3A_98 : i32
      %dma_start3A_100 = tpu.memref_slice %arg6[%mul3A_99] : memref<13760xi32, #tpu.memory_space<vmem>> -> memref<80xi32, #tpu.memory_space<vmem>>
      %dma_start3A_101 = arith.constant 0 : i32
      %dma_start3A_102 = arith.constant 0 : i32
      %dma_start3A_103 = tpu.memref_slice %arg2[%dma_start3A_101, %dma_start3A_102] : memref<10112x128xf32, #tpu.memory_space<hbm>> -> memref<10112x128xf32, #tpu.memory_space<hbm>>
      tpu.enqueue_indirect_dma source(%dma_start3A_103 : memref<10112x128xf32, #tpu.memory_space<hbm>>) target(%arg8 : memref<80x128xf32, #tpu.memory_space<vmem>>) offsets(%dma_start3A_100 : memref<80xi32, #tpu.memory_space<vmem>>) semaphore(%arg10 : memref<!tpu.dma_semaphore, #tpu.memory_space<semaphore_mem>>)
      %mul3A_104 = arith.constant 80 : i32
      %mul3A_105 = arith.muli %add3A_81, %mul3A_104 : i32
      %dma_wait3A_106 = tpu.memref_slice %arg6[%mul3A_105] : memref<13760xi32, #tpu.memory_space<vmem>> -> memref<80xi32, #tpu.memory_space<vmem>>
      %dma_wait3A_107 = arith.constant 0 : i32
      %dma_wait3A_108 = arith.constant 0 : i32
      %dma_wait3A_109 = tpu.memref_slice %arg2[%dma_wait3A_107, %dma_wait3A_108] : memref<10112x128xf32, #tpu.memory_space<hbm>> -> memref<10112x128xf32, #tpu.memory_space<hbm>>
      tpu.wait_indirect_dma semaphore(%arg11 : memref<!tpu.dma_semaphore, #tpu.memory_space<semaphore_mem>>) src(%dma_wait3A_109 : memref<10112x128xf32, #tpu.memory_space<hbm>>) dst(%arg9 : memref<80x128xf32, #tpu.memory_space<vmem>>)
      %mul3A_110 = arith.constant 80 : i32
      %mul3A_111 = arith.muli %add3A_81, %mul3A_110 : i32
      "tpu.region"() ({
        %run_scoped3A = tpu.sem_alloc : memref<!tpu.dma_semaphore, #tpu.memory_space<semaphore_mem>>
        %dma_start3A_112 = tpu.memref_slice %arg7[%mul3A_111] : memref<13760xi32, #tpu.memory_space<vmem>> -> memref<80xi32, #tpu.memory_space<vmem>>
        %dma_start3A_113 = arith.constant 0 : i32
        %dma_start3A_114 = arith.constant 0 : i32
        %dma_start3A_115 = tpu.memref_slice %arg12[%dma_start3A_113, %dma_start3A_114] : memref<10112x128xf32, #tpu.memory_space<vmem_shared>> -> memref<10112x128xf32, #tpu.memory_space<vmem_shared>>
        tpu.enqueue_indirect_dma source(%arg9 : memref<80x128xf32, #tpu.memory_space<vmem>>) target(%dma_start3A_115 : memref<10112x128xf32, #tpu.memory_space<vmem_shared>>) offsets(%dma_start3A_112 : memref<80xi32, #tpu.memory_space<vmem>>) semaphore(%run_scoped3A : memref<!tpu.dma_semaphore, #tpu.memory_space<semaphore_mem>>) {add = true}
        %dma_wait3A_116 = tpu.memref_slice %arg7[%mul3A_111] : memref<13760xi32, #tpu.memory_space<vmem>> -> memref<80xi32, #tpu.memory_space<vmem>>
        %dma_wait3A_117 = arith.constant 0 : i32
        %dma_wait3A_118 = arith.constant 0 : i32
        %dma_wait3A_119 = tpu.memref_slice %arg12[%dma_wait3A_117, %dma_wait3A_118] : memref<10112x128xf32, #tpu.memory_space<vmem_shared>> -> memref<10112x128xf32, #tpu.memory_space<vmem_shared>>
        tpu.wait_indirect_dma semaphore(%run_scoped3A : memref<!tpu.dma_semaphore, #tpu.memory_space<semaphore_mem>>) src(%arg9 : memref<80x128xf32, #tpu.memory_space<vmem>>) dst(%dma_wait3A_119 : memref<10112x128xf32, #tpu.memory_space<vmem_shared>>)
        tpu.yield
      }) : () -> ()
    }
    %while3A_66 = arith.constant 1 : i32
    scf.for %while3A_75 = %while3A_64 to %while3A_60 step %while3A_66  : i32 {
      %mul3A_76 = arith.constant 2 : i32
      %mul3A_77 = arith.muli %mul3A_76, %while3A_75 : i32
      %mul3A_78 = arith.constant 2 : i32
      %mul3A_79 = arith.muli %mul3A_78, %while3A_75 : i32
      %add3A_80 = arith.constant 1 : i32
      %add3A_81 = arith.addi %mul3A_79, %add3A_80 : i32
      %add3A_82 = arith.constant 2 : i32
      %add3A_83 = arith.addi %mul3A_77, %add3A_82 : i32
      %min3A = arith.minsi %add3A_83, %sub3A_34 : i32
      %mul3A_84 = arith.constant 80 : i32
      %mul3A_85 = arith.muli %add3A_81, %mul3A_84 : i32
      %dma_start3A_86 = tpu.memref_slice %arg6[%mul3A_85] : memref<13760xi32, #tpu.memory_space<vmem>> -> memref<80xi32, #tpu.memory_space<vmem>>
      %dma_start3A_87 = arith.constant 0 : i32
      %dma_start3A_88 = arith.constant 0 : i32
      %dma_start3A_89 = tpu.memref_slice %arg2[%dma_start3A_87, %dma_start3A_88] : memref<10112x128xf32, #tpu.memory_space<hbm>> -> memref<10112x128xf32, #tpu.memory_space<hbm>>
      tpu.enqueue_indirect_dma source(%dma_start3A_89 : memref<10112x128xf32, #tpu.memory_space<hbm>>) target(%arg9 : memref<80x128xf32, #tpu.memory_space<vmem>>) offsets(%dma_start3A_86 : memref<80xi32, #tpu.memory_space<vmem>>) semaphore(%arg11 : memref<!tpu.dma_semaphore, #tpu.memory_space<semaphore_mem>>)
      %mul3A_90 = arith.constant 80 : i32
      %mul3A_91 = arith.muli %mul3A_77, %mul3A_90 : i32
      %dma_wait3A_92 = tpu.memref_slice %arg6[%mul3A_91] : memref<13760xi32, #tpu.memory_space<vmem>> -> memref<80xi32, #tpu.memory_space<vmem>>
      %dma_wait3A_93 = arith.constant 0 : i32
      %dma_wait3A_94 = arith.constant 0 : i32
      %dma_wait3A_95 = tpu.memref_slice %arg2[%dma_wait3A_93, %dma_wait3A_94] : memref<10112x128xf32, #tpu.memory_space<hbm>> -> memref<10112x128xf32, #tpu.memory_space<hbm>>
      tpu.wait_indirect_dma semaphore(%arg10 : memref<!tpu.dma_semaphore, #tpu.memory_space<semaphore_mem>>) src(%dma_wait3A_95 : memref<10112x128xf32, #tpu.memory_space<hbm>>) dst(%arg8 : memref<80x128xf32, #tpu.memory_space<vmem>>)
      %mul3A_96 = arith.constant 80 : i32
      %mul3A_97 = arith.muli %mul3A_77, %mul3A_96 : i32
      "tpu.region"() ({
        %run_scoped3A = tpu.sem_alloc : memref<!tpu.dma_semaphore, #tpu.memory_space<semaphore_mem>>
        %dma_start3A_112 = tpu.memref_slice %arg7[%mul3A_97] : memref<13760xi32, #tpu.memory_space<vmem>> -> memref<80xi32, #tpu.memory_space<vmem>>
        %dma_start3A_113 = arith.constant 0 : i32
        %dma_start3A_114 = arith.constant 0 : i32
        %dma_start3A_115 = tpu.memref_slice %arg12[%dma_start3A_113, %dma_start3A_114] : memref<10112x128xf32, #tpu.memory_space<vmem_shared>> -> memref<10112x128xf32, #tpu.memory_space<vmem_shared>>
        tpu.enqueue_indirect_dma source(%arg8 : memref<80x128xf32, #tpu.memory_space<vmem>>) target(%dma_start3A_115 : memref<10112x128xf32, #tpu.memory_space<vmem_shared>>) offsets(%dma_start3A_112 : memref<80xi32, #tpu.memory_space<vmem>>) semaphore(%run_scoped3A : memref<!tpu.dma_semaphore, #tpu.memory_space<semaphore_mem>>) {add = true}
        %dma_wait3A_116 = tpu.memref_slice %arg7[%mul3A_97] : memref<13760xi32, #tpu.memory_space<vmem>> -> memref<80xi32, #tpu.memory_space<vmem>>
        %dma_wait3A_117 = arith.constant 0 : i32
        %dma_wait3A_118 = arith.constant 0 : i32
        %dma_wait3A_119 = tpu.memref_slice %arg12[%dma_wait3A_117, %dma_wait3A_118] : memref<10112x128xf32, #tpu.memory_space<vmem_shared>> -> memref<10112x128xf32, #tpu.memory_space<vmem_shared>>
        tpu.wait_indirect_dma semaphore(%run_scoped3A : memref<!tpu.dma_semaphore, #tpu.memory_space<semaphore_mem>>) src(%arg8 : memref<80x128xf32, #tpu.memory_space<vmem>>) dst(%dma_wait3A_119 : memref<10112x128xf32, #tpu.memory_space<vmem_shared>>)
        tpu.yield
      }) : () -> ()
      %mul3A_98 = arith.constant 80 : i32
      %mul3A_99 = arith.muli %min3A, %mul3A_98 : i32
      %dma_start3A_100 = tpu.memref_slice %arg6[%mul3A_99] : memref<13760xi32, #tpu.memory_space<vmem>> -> memref<80xi32, #tpu.memory_space<vmem>>
      %dma_start3A_101 = arith.constant 0 : i32
      %dma_start3A_102 = arith.constant 0 : i32
      %dma_start3A_103 = tpu.memref_slice %arg2[%dma_start3A_101, %dma_start3A_102] : memref<10112x128xf32, #tpu.memory_space<hbm>> -> memref<10112x128xf32, #tpu.memory_space<hbm>>
      tpu.enqueue_indirect_dma source(%dma_start3A_103 : memref<10112x128xf32, #tpu.memory_space<hbm>>) target(%arg8 : memref<80x128xf32, #tpu.memory_space<vmem>>) offsets(%dma_start3A_100 : memref<80xi32, #tpu.memory_space<vmem>>) semaphore(%arg10 : memref<!tpu.dma_semaphore, #tpu.memory_space<semaphore_mem>>)
      %mul3A_104 = arith.constant 80 : i32
      %mul3A_105 = arith.muli %add3A_81, %mul3A_104 : i32
      %dma_wait3A_106 = tpu.memref_slice %arg6[%mul3A_105] : memref<13760xi32, #tpu.memory_space<vmem>> -> memref<80xi32, #tpu.memory_space<vmem>>
      %dma_wait3A_107 = arith.constant 0 : i32
      %dma_wait3A_108 = arith.constant 0 : i32
      %dma_wait3A_109 = tpu.memref_slice %arg2[%dma_wait3A_107, %dma_wait3A_108] : memref<10112x128xf32, #tpu.memory_space<hbm>> -> memref<10112x128xf32, #tpu.memory_space<hbm>>
      tpu.wait_indirect_dma semaphore(%arg11 : memref<!tpu.dma_semaphore, #tpu.memory_space<semaphore_mem>>) src(%dma_wait3A_109 : memref<10112x128xf32, #tpu.memory_space<hbm>>) dst(%arg9 : memref<80x128xf32, #tpu.memory_space<vmem>>)
      %mul3A_110 = arith.constant 80 : i32
      %mul3A_111 = arith.muli %add3A_81, %mul3A_110 : i32
      "tpu.region"() ({
        %run_scoped3A = tpu.sem_alloc : memref<!tpu.dma_semaphore, #tpu.memory_space<semaphore_mem>>
        %dma_start3A_112 = tpu.memref_slice %arg7[%mul3A_111] : memref<13760xi32, #tpu.memory_space<vmem>> -> memref<80xi32, #tpu.memory_space<vmem>>
        %dma_start3A_113 = arith.constant 0 : i32
        %dma_start3A_114 = arith.constant 0 : i32
        %dma_start3A_115 = tpu.memref_slice %arg12[%dma_start3A_113, %dma_start3A_114] : memref<10112x128xf32, #tpu.memory_space<vmem_shared>> -> memref<10112x128xf32, #tpu.memory_space<vmem_shared>>
        tpu.enqueue_indirect_dma source(%arg9 : memref<80x128xf32, #tpu.memory_space<vmem>>) target(%dma_start3A_115 : memref<10112x128xf32, #tpu.memory_space<vmem_shared>>) offsets(%dma_start3A_112 : memref<80xi32, #tpu.memory_space<vmem>>) semaphore(%run_scoped3A : memref<!tpu.dma_semaphore, #tpu.memory_space<semaphore_mem>>) {add = true}
        %dma_wait3A_116 = tpu.memref_slice %arg7[%mul3A_111] : memref<13760xi32, #tpu.memory_space<vmem>> -> memref<80xi32, #tpu.memory_space<vmem>>
        %dma_wait3A_117 = arith.constant 0 : i32
        %dma_wait3A_118 = arith.constant 0 : i32
        %dma_wait3A_119 = tpu.memref_slice %arg12[%dma_wait3A_117, %dma_wait3A_118] : memref<10112x128xf32, #tpu.memory_space<vmem_shared>> -> memref<10112x128xf32, #tpu.memory_space<vmem_shared>>
        tpu.wait_indirect_dma semaphore(%run_scoped3A : memref<!tpu.dma_semaphore, #tpu.memory_space<semaphore_mem>>) src(%arg9 : memref<80x128xf32, #tpu.memory_space<vmem>>) dst(%dma_wait3A_119 : memref<10112x128xf32, #tpu.memory_space<vmem_shared>>)
        tpu.yield
      }) : () -> ()
    }
    %mul3A_67 = arith.constant 80 : i32
    %mul3A_68 = arith.muli %sub3A_34, %mul3A_67 : i32
    %dma_wait3A = tpu.memref_slice %arg6[%mul3A_68] : memref<13760xi32, #tpu.memory_space<vmem>> -> memref<80xi32, #tpu.memory_space<vmem>>
    %dma_wait3A_69 = arith.constant 0 : i32
    %dma_wait3A_70 = arith.constant 0 : i32
    %dma_wait3A_71 = tpu.memref_slice %arg2[%dma_wait3A_69, %dma_wait3A_70] : memref<10112x128xf32, #tpu.memory_space<hbm>> -> memref<10112x128xf32, #tpu.memory_space<hbm>>
    tpu.wait_indirect_dma semaphore(%arg10 : memref<!tpu.dma_semaphore, #tpu.memory_space<semaphore_mem>>) src(%dma_wait3A_71 : memref<10112x128xf32, #tpu.memory_space<hbm>>) dst(%arg8 : memref<80x128xf32, #tpu.memory_space<vmem>>)
    %barrier3A_72 = arith.constant 0 : index
    tpu.barrier barrier_id(%barrier3A_72)
    %mul3A_73 = arith.constant 632 : i32
    %mul3A_74 = arith.muli %arg1, %mul3A_73 : i32
    "tpu.region"() ({
      %run_scoped3A = tpu.sem_alloc : memref<!tpu.dma_semaphore, #tpu.memory_space<semaphore_mem>>
      %dma_start3A_75 = arith.constant 0 : i32
      %dma_start3A_76 = arith.constant 0 : i32
      %dma_start3A_77 = tpu.memref_slice %arg5[%arg0, %arg1, %dma_start3A_75, %dma_start3A_76] : memref<2x16x632x128xf32, #tpu.memory_space<hbm>> -> memref<1x1x632x128xf32, #tpu.memory_space<hbm>>
      %dma_start3A_78 = tpu.memref_squeeze %dma_start3A_77 : memref<1x1x632x128xf32, #tpu.memory_space<hbm>> -> memref<632x128xf32, #tpu.memory_space<hbm>>
      %dma_start3A_79 = arith.constant 0 : i32
      %dma_start3A_80 = tpu.memref_slice %arg12[%mul3A_74, %dma_start3A_79] : memref<10112x128xf32, #tpu.memory_space<vmem_shared>> -> memref<632x128xf32, #tpu.memory_space<vmem_shared>>
      tpu.enqueue_dma source(%dma_start3A_80 : memref<632x128xf32, #tpu.memory_space<vmem_shared>>) target(%dma_start3A_78 : memref<632x128xf32, #tpu.memory_space<hbm>>) target_semaphore(%run_scoped3A : memref<!tpu.dma_semaphore, #tpu.memory_space<semaphore_mem>>)
      %dma_wait3A_81 = arith.constant 0 : i32
      %dma_wait3A_82 = arith.constant 0 : i32
      %dma_wait3A_83 = tpu.memref_slice %arg5[%arg0, %arg1, %dma_wait3A_81, %dma_wait3A_82] : memref<2x16x632x128xf32, #tpu.memory_space<hbm>> -> memref<1x1x632x128xf32, #tpu.memory_space<hbm>>
      %dma_wait3A_84 = tpu.memref_squeeze %dma_wait3A_83 : memref<1x1x632x128xf32, #tpu.memory_space<hbm>> -> memref<632x128xf32, #tpu.memory_space<hbm>>
      %dma_wait3A_85 = arith.constant 0 : i32
      %dma_wait3A_86 = tpu.memref_slice %arg12[%mul3A_74, %dma_wait3A_85] : memref<10112x128xf32, #tpu.memory_space<vmem_shared>> -> memref<632x128xf32, #tpu.memory_space<vmem_shared>>
      tpu.wait_dma2 semaphore(%run_scoped3A : memref<!tpu.dma_semaphore, #tpu.memory_space<semaphore_mem>>) src(%dma_wait3A_86 : memref<632x128xf32, #tpu.memory_space<vmem_shared>>) dst(%dma_wait3A_84 : memref<632x128xf32, #tpu.memory_space<hbm>>)
      tpu.yield
    }) : () -> ()
    return
  }
}

#map = affine_map<(d0, d1) -> (0, 0)>
#map1 = affine_map<(d0, d1) -> (0)>
#map2 = affine_map<(d0, d1) -> (0, 0, 0, 0)>
module attributes {stable_mosaic.version = 14 : i64} {
  func.func @agg_kernel(%arg0: i32, %arg1: i32, %arg2: memref<10112x128xf32, #tpu.memory_space<hbm>>, %arg3: memref<329920xi32, #tpu.memory_space<hbm>>, %arg4: memref<329920xi32, #tpu.memory_space<hbm>>, %arg5: memref<2x16x632x128xf32, #tpu.memory_space<hbm>>, %arg6: memref<13760xi32, #tpu.memory_space<vmem>>, %arg7: memref<13760xi32, #tpu.memory_space<vmem>>, %arg8: memref<80x128xf32, #tpu.memory_space<vmem>>, %arg9: memref<80x128xf32, #tpu.memory_space<vmem>>, %arg10: memref<!tpu.dma_semaphore, #tpu.memory_space<semaphore_mem>>, %arg11: memref<!tpu.dma_semaphore, #tpu.memory_space<semaphore_mem>>, %arg12: memref<10112x128xf32, #tpu.memory_space<vmem_shared>>) attributes {dimension_semantics = [#tpu.dimension_semantics<core_parallel>, #tpu.dimension_semantics<subcore_parallel>], iteration_bounds = array<i64: 2, 16>, scalar_prefetch = 0 : i64, scratch_operands = 7 : i64, tpu.core_type = #tpu.core_type<sc_vector_subcore>, window_params = [{transform_indices = #map}, {transform_indices = #map1}, {transform_indices = #map1}, {transform_indices = #map2}]} {
    %eq3A = arith.constant 0 : i32
    %eq3A_0 = arith.cmpi eq, %arg0, %eq3A : i32
    %mul3A = arith.constant 172 : i32
    %mul3A_1 = arith.muli %arg1, %mul3A : i32
    %mul3A_2 = arith.constant 80 : i32
    %mul3A_3 = arith.muli %arg1, %mul3A_2 : i32
    %add3A = arith.constant 2752 : i32
    %add3A_4 = arith.addi %add3A, %mul3A_3 : i32
    %select_n3A = arith.select %eq3A_0, %mul3A_1, %add3A_4 : i32
    %mul3A_5 = arith.constant 80 : i32
    %mul3A_6 = arith.muli %select_n3A, %mul3A_5 : i32
    %eq3A_7 = arith.constant 0 : i32
    %eq3A_8 = arith.cmpi eq, %arg0, %eq3A_7 : i32
    %jit3A = arith.constant 172 : i32
    %jit3A_9 = arith.constant 80 : i32
    %select_n3A_10 = arith.select %eq3A_8, %jit3A, %jit3A_9 : i32
    "tpu.region"() ({
      %run_scoped3A = tpu.sem_alloc : memref<!tpu.dma_semaphore, #tpu.memory_space<semaphore_mem>>
      %dma_start3A_75 = tpu.memref_slice %arg3[%mul3A_6] : memref<329920xi32, #tpu.memory_space<hbm>> -> memref<13760xi32, #tpu.memory_space<hbm>>
      %dma_start3A_76 = tpu.memref_slice %arg3[%mul3A_6] : memref<329920xi32, #tpu.memory_space<hbm>> -> memref<13760xi32, #tpu.memory_space<hbm>>
      tpu.enqueue_dma source(%dma_start3A_76 : memref<13760xi32, #tpu.memory_space<hbm>>) target(%arg6 : memref<13760xi32, #tpu.memory_space<vmem>>) target_semaphore(%run_scoped3A : memref<!tpu.dma_semaphore, #tpu.memory_space<semaphore_mem>>)
      %dma_wait3A_77 = tpu.memref_slice %arg3[%mul3A_6] : memref<329920xi32, #tpu.memory_space<hbm>> -> memref<13760xi32, #tpu.memory_space<hbm>>
      %dma_wait3A_78 = tpu.memref_slice %arg3[%mul3A_6] : memref<329920xi32, #tpu.memory_space<hbm>> -> memref<13760xi32, #tpu.memory_space<hbm>>
      tpu.wait_dma2 semaphore(%run_scoped3A : memref<!tpu.dma_semaphore, #tpu.memory_space<semaphore_mem>>) src(%dma_wait3A_78 : memref<13760xi32, #tpu.memory_space<hbm>>) dst(%arg6 : memref<13760xi32, #tpu.memory_space<vmem>>)
      tpu.yield
    }) : () -> ()
    "tpu.region"() ({
      %run_scoped3A = tpu.sem_alloc : memref<!tpu.dma_semaphore, #tpu.memory_space<semaphore_mem>>
      %dma_start3A_75 = tpu.memref_slice %arg4[%mul3A_6] : memref<329920xi32, #tpu.memory_space<hbm>> -> memref<13760xi32, #tpu.memory_space<hbm>>
      %dma_start3A_76 = tpu.memref_slice %arg4[%mul3A_6] : memref<329920xi32, #tpu.memory_space<hbm>> -> memref<13760xi32, #tpu.memory_space<hbm>>
      tpu.enqueue_dma source(%dma_start3A_76 : memref<13760xi32, #tpu.memory_space<hbm>>) target(%arg7 : memref<13760xi32, #tpu.memory_space<vmem>>) target_semaphore(%run_scoped3A : memref<!tpu.dma_semaphore, #tpu.memory_space<semaphore_mem>>)
      %dma_wait3A_77 = tpu.memref_slice %arg4[%mul3A_6] : memref<329920xi32, #tpu.memory_space<hbm>> -> memref<13760xi32, #tpu.memory_space<hbm>>
      %dma_wait3A_78 = tpu.memref_slice %arg4[%mul3A_6] : memref<329920xi32, #tpu.memory_space<hbm>> -> memref<13760xi32, #tpu.memory_space<hbm>>
      tpu.wait_dma2 semaphore(%run_scoped3A : memref<!tpu.dma_semaphore, #tpu.memory_space<semaphore_mem>>) src(%dma_wait3A_78 : memref<13760xi32, #tpu.memory_space<hbm>>) dst(%arg7 : memref<13760xi32, #tpu.memory_space<vmem>>)
      tpu.yield
    }) : () -> ()
    %scan3A = arith.constant 0 : i32
    %scan3A_11 = arith.constant 0 : i32
    %scan3A_12 = arith.constant 640 : i32
    %scan3A_13 = arith.addi %scan3A_11, %scan3A_12 : i32
    %scan3A_14 = arith.constant 1 : i32
    scf.for %scan3A_75 = %scan3A_11 to %scan3A_13 step %scan3A_14  : i32 {
      %jit3A_76 = arith.constant 8 : i32
      %div3A_77 = arith.divsi %scan3A_75, %jit3A_76 : i32
      %sign3A_78 = arith.constant 0 : i32
      %sign3A_79 = arith.cmpi sgt, %scan3A_75, %sign3A_78 : i32
      %sign3A_80 = arith.extui %sign3A_79 : i1 to i32
      %sign3A_81 = arith.constant 0 : i32
      %sign3A_82 = arith.cmpi slt, %scan3A_75, %sign3A_81 : i32
      %sign3A_83 = arith.extui %sign3A_82 : i1 to i32
      %sign3A_84 = arith.subi %sign3A_80, %sign3A_83 : i32
      %sign3A_85 = arith.constant 0 : i32
      %sign3A_86 = arith.cmpi sgt, %jit3A_76, %sign3A_85 : i32
      %sign3A_87 = arith.extui %sign3A_86 : i1 to i32
      %sign3A_88 = arith.constant 0 : i32
      %sign3A_89 = arith.cmpi slt, %jit3A_76, %sign3A_88 : i32
      %sign3A_90 = arith.extui %sign3A_89 : i1 to i32
      %sign3A_91 = arith.subi %sign3A_87, %sign3A_90 : i32
      %ne3A_92 = arith.cmpi ne, %sign3A_84, %sign3A_91 : i32
      %rem3A_93 = arith.remsi %scan3A_75, %jit3A_76 : i32
      %ne3A_94 = arith.constant 0 : i32
      %ne3A_95 = arith.cmpi ne, %rem3A_93, %ne3A_94 : i32
      %and3A_96 = arith.andi %ne3A_92, %ne3A_95 : i1
      %sub3A_97 = arith.constant 1 : i32
      %sub3A_98 = arith.subi %div3A_77, %sub3A_97 : i32
      %select_n3A_99 = arith.select %and3A_96, %sub3A_98, %div3A_77 : i32
      %jit3A_100 = arith.constant 8 : i32
      %eq3A_101 = arith.constant 0 : i32
      %eq3A_102 = arith.cmpi eq, %jit3A_100, %eq3A_101 : i32
      %jit3A_103 = arith.constant 1 : i32
      %select_n3A_104 = arith.select %eq3A_102, %jit3A_103, %jit3A_100 : i32
      %rem3A_105 = arith.remsi %scan3A_75, %select_n3A_104 : i32
      %ne3A_106 = arith.constant 0 : i32
      %ne3A_107 = arith.cmpi ne, %rem3A_105, %ne3A_106 : i32
      %lt3A = arith.constant 0 : i32
      %lt3A_108 = arith.cmpi slt, %rem3A_105, %lt3A : i32
      %lt3A_109 = arith.constant 0 : i32
      %lt3A_110 = arith.cmpi slt, %select_n3A_104, %lt3A_109 : i32
      %ne3A_111 = arith.xori %lt3A_108, %lt3A_110 : i1
      %and3A_112 = arith.andi %ne3A_111, %ne3A_107 : i1
      %add3A_113 = arith.addi %rem3A_105, %select_n3A_104 : i32
      %select_n3A_114 = arith.select %and3A_112, %add3A_113, %rem3A_105 : i32
      %broadcast_in_dim3A = arith.constant 0.000000e+00 : f32
      %broadcast_in_dim3A_115 = vector.broadcast %broadcast_in_dim3A : f32 to vector<16xf32>
      %mul3A_116 = arith.constant 16 : i32
      %mul3A_117 = arith.muli %select_n3A_114, %mul3A_116 : i32
      %swap3A = arith.index_cast %select_n3A_99 : i32 to index
      %swap3A_118 = arith.index_cast %mul3A_117 : i32 to index
      %swap3A_119 = tpu.vector_load %arg8[%swap3A, %swap3A_118] {strides = array<i32>} : memref<80x128xf32, #tpu.memory_space<vmem>>, vector<1x16xf32>,
      %swap3A_120 = vector.shape_cast %swap3A_119 : vector<1x16xf32> to vector<16xf32>
      %swap3A_121 = vector.shape_cast %broadcast_in_dim3A_115 : vector<16xf32> to vector<1x16xf32>
      tpu.vector_store %arg8[%swap3A, %swap3A_118], %swap3A_121 {strides = array<i32>} : memref<80x128xf32, #tpu.memory_space<vmem>>, vector<1x16xf32>,
    }
    %scan3A_15 = arith.constant 640 : i32
    %mul3A_16 = arith.constant 632 : i32
    %mul3A_17 = arith.muli %arg1, %mul3A_16 : i32
    %add3A_18 = arith.constant 0 : i32
    %add3A_19 = arith.addi %mul3A_17, %add3A_18 : i32
    "tpu.region"() ({
      %run_scoped3A = tpu.sem_alloc : memref<!tpu.dma_semaphore, #tpu.memory_space<semaphore_mem>>
      %dma_start3A_75 = arith.constant 0 : i32
      %dma_start3A_76 = tpu.memref_slice %arg12[%add3A_19, %dma_start3A_75] : memref<10112x128xf32, #tpu.memory_space<vmem_shared>> -> memref<80x128xf32, #tpu.memory_space<vmem_shared>>
      %dma_start3A_77 = arith.constant 0 : i32
      %dma_start3A_78 = tpu.memref_slice %arg12[%add3A_19, %dma_start3A_77] : memref<10112x128xf32, #tpu.memory_space<vmem_shared>> -> memref<80x128xf32, #tpu.memory_space<vmem_shared>>
      tpu.enqueue_dma source(%arg8 : memref<80x128xf32, #tpu.memory_space<vmem>>) target(%dma_start3A_78 : memref<80x128xf32, #tpu.memory_space<vmem_shared>>) target_semaphore(%run_scoped3A : memref<!tpu.dma_semaphore, #tpu.memory_space<semaphore_mem>>)
      %dma_wait3A_79 = arith.constant 0 : i32
      %dma_wait3A_80 = tpu.memref_slice %arg12[%add3A_19, %dma_wait3A_79] : memref<10112x128xf32, #tpu.memory_space<vmem_shared>> -> memref<80x128xf32, #tpu.memory_space<vmem_shared>>
      %dma_wait3A_81 = arith.constant 0 : i32
      %dma_wait3A_82 = tpu.memref_slice %arg12[%add3A_19, %dma_wait3A_81] : memref<10112x128xf32, #tpu.memory_space<vmem_shared>> -> memref<80x128xf32, #tpu.memory_space<vmem_shared>>
      tpu.wait_dma2 semaphore(%run_scoped3A : memref<!tpu.dma_semaphore, #tpu.memory_space<semaphore_mem>>) src(%arg8 : memref<80x128xf32, #tpu.memory_space<vmem>>) dst(%dma_wait3A_82 : memref<80x128xf32, #tpu.memory_space<vmem_shared>>)
      tpu.yield
    }) : () -> ()
    %add3A_20 = arith.constant 80 : i32
    %add3A_21 = arith.addi %mul3A_17, %add3A_20 : i32
    "tpu.region"() ({
      %run_scoped3A = tpu.sem_alloc : memref<!tpu.dma_semaphore, #tpu.memory_space<semaphore_mem>>
      %dma_start3A_75 = arith.constant 0 : i32
      %dma_start3A_76 = tpu.memref_slice %arg12[%add3A_21, %dma_start3A_75] : memref<10112x128xf32, #tpu.memory_space<vmem_shared>> -> memref<80x128xf32, #tpu.memory_space<vmem_shared>>
      %dma_start3A_77 = arith.constant 0 : i32
      %dma_start3A_78 = tpu.memref_slice %arg12[%add3A_21, %dma_start3A_77] : memref<10112x128xf32, #tpu.memory_space<vmem_shared>> -> memref<80x128xf32, #tpu.memory_space<vmem_shared>>
      tpu.enqueue_dma source(%arg8 : memref<80x128xf32, #tpu.memory_space<vmem>>) target(%dma_start3A_78 : memref<80x128xf32, #tpu.memory_space<vmem_shared>>) target_semaphore(%run_scoped3A : memref<!tpu.dma_semaphore, #tpu.memory_space<semaphore_mem>>)
      %dma_wait3A_79 = arith.constant 0 : i32
      %dma_wait3A_80 = tpu.memref_slice %arg12[%add3A_21, %dma_wait3A_79] : memref<10112x128xf32, #tpu.memory_space<vmem_shared>> -> memref<80x128xf32, #tpu.memory_space<vmem_shared>>
      %dma_wait3A_81 = arith.constant 0 : i32
      %dma_wait3A_82 = tpu.memref_slice %arg12[%add3A_21, %dma_wait3A_81] : memref<10112x128xf32, #tpu.memory_space<vmem_shared>> -> memref<80x128xf32, #tpu.memory_space<vmem_shared>>
      tpu.wait_dma2 semaphore(%run_scoped3A : memref<!tpu.dma_semaphore, #tpu.memory_space<semaphore_mem>>) src(%arg8 : memref<80x128xf32, #tpu.memory_space<vmem>>) dst(%dma_wait3A_82 : memref<80x128xf32, #tpu.memory_space<vmem_shared>>)
      tpu.yield
    }) : () -> ()
    %add3A_22 = arith.constant 160 : i32
    %add3A_23 = arith.addi %mul3A_17, %add3A_22 : i32
    "tpu.region"() ({
      %run_scoped3A = tpu.sem_alloc : memref<!tpu.dma_semaphore, #tpu.memory_space<semaphore_mem>>
      %dma_start3A_75 = arith.constant 0 : i32
      %dma_start3A_76 = tpu.memref_slice %arg12[%add3A_23, %dma_start3A_75] : memref<10112x128xf32, #tpu.memory_space<vmem_shared>> -> memref<80x128xf32, #tpu.memory_space<vmem_shared>>
      %dma_start3A_77 = arith.constant 0 : i32
      %dma_start3A_78 = tpu.memref_slice %arg12[%add3A_23, %dma_start3A_77] : memref<10112x128xf32, #tpu.memory_space<vmem_shared>> -> memref<80x128xf32, #tpu.memory_space<vmem_shared>>
      tpu.enqueue_dma source(%arg8 : memref<80x128xf32, #tpu.memory_space<vmem>>) target(%dma_start3A_78 : memref<80x128xf32, #tpu.memory_space<vmem_shared>>) target_semaphore(%run_scoped3A : memref<!tpu.dma_semaphore, #tpu.memory_space<semaphore_mem>>)
      %dma_wait3A_79 = arith.constant 0 : i32
      %dma_wait3A_80 = tpu.memref_slice %arg12[%add3A_23, %dma_wait3A_79] : memref<10112x128xf32, #tpu.memory_space<vmem_shared>> -> memref<80x128xf32, #tpu.memory_space<vmem_shared>>
      %dma_wait3A_81 = arith.constant 0 : i32
      %dma_wait3A_82 = tpu.memref_slice %arg12[%add3A_23, %dma_wait3A_81] : memref<10112x128xf32, #tpu.memory_space<vmem_shared>> -> memref<80x128xf32, #tpu.memory_space<vmem_shared>>
      tpu.wait_dma2 semaphore(%run_scoped3A : memref<!tpu.dma_semaphore, #tpu.memory_space<semaphore_mem>>) src(%arg8 : memref<80x128xf32, #tpu.memory_space<vmem>>) dst(%dma_wait3A_82 : memref<80x128xf32, #tpu.memory_space<vmem_shared>>)
      tpu.yield
    }) : () -> ()
    %add3A_24 = arith.constant 240 : i32
    %add3A_25 = arith.addi %mul3A_17, %add3A_24 : i32
    "tpu.region"() ({
      %run_scoped3A = tpu.sem_alloc : memref<!tpu.dma_semaphore, #tpu.memory_space<semaphore_mem>>
      %dma_start3A_75 = arith.constant 0 : i32
      %dma_start3A_76 = tpu.memref_slice %arg12[%add3A_25, %dma_start3A_75] : memref<10112x128xf32, #tpu.memory_space<vmem_shared>> -> memref<80x128xf32, #tpu.memory_space<vmem_shared>>
      %dma_start3A_77 = arith.constant 0 : i32
      %dma_start3A_78 = tpu.memref_slice %arg12[%add3A_25, %dma_start3A_77] : memref<10112x128xf32, #tpu.memory_space<vmem_shared>> -> memref<80x128xf32, #tpu.memory_space<vmem_shared>>
      tpu.enqueue_dma source(%arg8 : memref<80x128xf32, #tpu.memory_space<vmem>>) target(%dma_start3A_78 : memref<80x128xf32, #tpu.memory_space<vmem_shared>>) target_semaphore(%run_scoped3A : memref<!tpu.dma_semaphore, #tpu.memory_space<semaphore_mem>>)
      %dma_wait3A_79 = arith.constant 0 : i32
      %dma_wait3A_80 = tpu.memref_slice %arg12[%add3A_25, %dma_wait3A_79] : memref<10112x128xf32, #tpu.memory_space<vmem_shared>> -> memref<80x128xf32, #tpu.memory_space<vmem_shared>>
      %dma_wait3A_81 = arith.constant 0 : i32
      %dma_wait3A_82 = tpu.memref_slice %arg12[%add3A_25, %dma_wait3A_81] : memref<10112x128xf32, #tpu.memory_space<vmem_shared>> -> memref<80x128xf32, #tpu.memory_space<vmem_shared>>
      tpu.wait_dma2 semaphore(%run_scoped3A : memref<!tpu.dma_semaphore, #tpu.memory_space<semaphore_mem>>) src(%arg8 : memref<80x128xf32, #tpu.memory_space<vmem>>) dst(%dma_wait3A_82 : memref<80x128xf32, #tpu.memory_space<vmem_shared>>)
      tpu.yield
    }) : () -> ()
    %add3A_26 = arith.constant 320 : i32
    %add3A_27 = arith.addi %mul3A_17, %add3A_26 : i32
    "tpu.region"() ({
      %run_scoped3A = tpu.sem_alloc : memref<!tpu.dma_semaphore, #tpu.memory_space<semaphore_mem>>
      %dma_start3A_75 = arith.constant 0 : i32
      %dma_start3A_76 = tpu.memref_slice %arg12[%add3A_27, %dma_start3A_75] : memref<10112x128xf32, #tpu.memory_space<vmem_shared>> -> memref<80x128xf32, #tpu.memory_space<vmem_shared>>
      %dma_start3A_77 = arith.constant 0 : i32
      %dma_start3A_78 = tpu.memref_slice %arg12[%add3A_27, %dma_start3A_77] : memref<10112x128xf32, #tpu.memory_space<vmem_shared>> -> memref<80x128xf32, #tpu.memory_space<vmem_shared>>
      tpu.enqueue_dma source(%arg8 : memref<80x128xf32, #tpu.memory_space<vmem>>) target(%dma_start3A_78 : memref<80x128xf32, #tpu.memory_space<vmem_shared>>) target_semaphore(%run_scoped3A : memref<!tpu.dma_semaphore, #tpu.memory_space<semaphore_mem>>)
      %dma_wait3A_79 = arith.constant 0 : i32
      %dma_wait3A_80 = tpu.memref_slice %arg12[%add3A_27, %dma_wait3A_79] : memref<10112x128xf32, #tpu.memory_space<vmem_shared>> -> memref<80x128xf32, #tpu.memory_space<vmem_shared>>
      %dma_wait3A_81 = arith.constant 0 : i32
      %dma_wait3A_82 = tpu.memref_slice %arg12[%add3A_27, %dma_wait3A_81] : memref<10112x128xf32, #tpu.memory_space<vmem_shared>> -> memref<80x128xf32, #tpu.memory_space<vmem_shared>>
      tpu.wait_dma2 semaphore(%run_scoped3A : memref<!tpu.dma_semaphore, #tpu.memory_space<semaphore_mem>>) src(%arg8 : memref<80x128xf32, #tpu.memory_space<vmem>>) dst(%dma_wait3A_82 : memref<80x128xf32, #tpu.memory_space<vmem_shared>>)
      tpu.yield
    }) : () -> ()
    %add3A_28 = arith.constant 400 : i32
    %add3A_29 = arith.addi %mul3A_17, %add3A_28 : i32
    "tpu.region"() ({
      %run_scoped3A = tpu.sem_alloc : memref<!tpu.dma_semaphore, #tpu.memory_space<semaphore_mem>>
      %dma_start3A_75 = arith.constant 0 : i32
      %dma_start3A_76 = tpu.memref_slice %arg12[%add3A_29, %dma_start3A_75] : memref<10112x128xf32, #tpu.memory_space<vmem_shared>> -> memref<80x128xf32, #tpu.memory_space<vmem_shared>>
      %dma_start3A_77 = arith.constant 0 : i32
      %dma_start3A_78 = tpu.memref_slice %arg12[%add3A_29, %dma_start3A_77] : memref<10112x128xf32, #tpu.memory_space<vmem_shared>> -> memref<80x128xf32, #tpu.memory_space<vmem_shared>>
      tpu.enqueue_dma source(%arg8 : memref<80x128xf32, #tpu.memory_space<vmem>>) target(%dma_start3A_78 : memref<80x128xf32, #tpu.memory_space<vmem_shared>>) target_semaphore(%run_scoped3A : memref<!tpu.dma_semaphore, #tpu.memory_space<semaphore_mem>>)
      %dma_wait3A_79 = arith.constant 0 : i32
      %dma_wait3A_80 = tpu.memref_slice %arg12[%add3A_29, %dma_wait3A_79] : memref<10112x128xf32, #tpu.memory_space<vmem_shared>> -> memref<80x128xf32, #tpu.memory_space<vmem_shared>>
      %dma_wait3A_81 = arith.constant 0 : i32
      %dma_wait3A_82 = tpu.memref_slice %arg12[%add3A_29, %dma_wait3A_81] : memref<10112x128xf32, #tpu.memory_space<vmem_shared>> -> memref<80x128xf32, #tpu.memory_space<vmem_shared>>
      tpu.wait_dma2 semaphore(%run_scoped3A : memref<!tpu.dma_semaphore, #tpu.memory_space<semaphore_mem>>) src(%arg8 : memref<80x128xf32, #tpu.memory_space<vmem>>) dst(%dma_wait3A_82 : memref<80x128xf32, #tpu.memory_space<vmem_shared>>)
      tpu.yield
    }) : () -> ()
    %add3A_30 = arith.constant 480 : i32
    %add3A_31 = arith.addi %mul3A_17, %add3A_30 : i32
    "tpu.region"() ({
      %run_scoped3A = tpu.sem_alloc : memref<!tpu.dma_semaphore, #tpu.memory_space<semaphore_mem>>
      %dma_start3A_75 = arith.constant 0 : i32
      %dma_start3A_76 = tpu.memref_slice %arg12[%add3A_31, %dma_start3A_75] : memref<10112x128xf32, #tpu.memory_space<vmem_shared>> -> memref<80x128xf32, #tpu.memory_space<vmem_shared>>
      %dma_start3A_77 = arith.constant 0 : i32
      %dma_start3A_78 = tpu.memref_slice %arg12[%add3A_31, %dma_start3A_77] : memref<10112x128xf32, #tpu.memory_space<vmem_shared>> -> memref<80x128xf32, #tpu.memory_space<vmem_shared>>
      tpu.enqueue_dma source(%arg8 : memref<80x128xf32, #tpu.memory_space<vmem>>) target(%dma_start3A_78 : memref<80x128xf32, #tpu.memory_space<vmem_shared>>) target_semaphore(%run_scoped3A : memref<!tpu.dma_semaphore, #tpu.memory_space<semaphore_mem>>)
      %dma_wait3A_79 = arith.constant 0 : i32
      %dma_wait3A_80 = tpu.memref_slice %arg12[%add3A_31, %dma_wait3A_79] : memref<10112x128xf32, #tpu.memory_space<vmem_shared>> -> memref<80x128xf32, #tpu.memory_space<vmem_shared>>
      %dma_wait3A_81 = arith.constant 0 : i32
      %dma_wait3A_82 = tpu.memref_slice %arg12[%add3A_31, %dma_wait3A_81] : memref<10112x128xf32, #tpu.memory_space<vmem_shared>> -> memref<80x128xf32, #tpu.memory_space<vmem_shared>>
      tpu.wait_dma2 semaphore(%run_scoped3A : memref<!tpu.dma_semaphore, #tpu.memory_space<semaphore_mem>>) src(%arg8 : memref<80x128xf32, #tpu.memory_space<vmem>>) dst(%dma_wait3A_82 : memref<80x128xf32, #tpu.memory_space<vmem_shared>>)
      tpu.yield
    }) : () -> ()
    %add3A_32 = arith.constant 560 : i32
    %add3A_33 = arith.addi %mul3A_17, %add3A_32 : i32
    "tpu.region"() ({
      %run_scoped3A = tpu.sem_alloc : memref<!tpu.dma_semaphore, #tpu.memory_space<semaphore_mem>>
      %dma_start3A_75 = arith.constant 0 : i32
      %dma_start3A_76 = arith.constant 0 : i32
      %dma_start3A_77 = tpu.memref_slice %arg8[%dma_start3A_75, %dma_start3A_76] : memref<80x128xf32, #tpu.memory_space<vmem>> -> memref<72x128xf32, #tpu.memory_space<vmem>>
      %dma_start3A_78 = arith.constant 0 : i32
      %dma_start3A_79 = tpu.memref_slice %arg12[%add3A_33, %dma_start3A_78] : memref<10112x128xf32, #tpu.memory_space<vmem_shared>> -> memref<72x128xf32, #tpu.memory_space<vmem_shared>>
      %dma_start3A_80 = arith.constant 0 : i32
      %dma_start3A_81 = tpu.memref_slice %arg12[%add3A_33, %dma_start3A_80] : memref<10112x128xf32, #tpu.memory_space<vmem_shared>> -> memref<72x128xf32, #tpu.memory_space<vmem_shared>>
      %dma_start3A_82 = arith.constant 0 : i32
      %dma_start3A_83 = arith.constant 0 : i32
      %dma_start3A_84 = tpu.memref_slice %arg8[%dma_start3A_82, %dma_start3A_83] : memref<80x128xf32, #tpu.memory_space<vmem>> -> memref<72x128xf32, #tpu.memory_space<vmem>>
      tpu.enqueue_dma source(%dma_start3A_84 : memref<72x128xf32, #tpu.memory_space<vmem>>) target(%dma_start3A_81 : memref<72x128xf32, #tpu.memory_space<vmem_shared>>) target_semaphore(%run_scoped3A : memref<!tpu.dma_semaphore, #tpu.memory_space<semaphore_mem>>)
      %dma_wait3A_85 = arith.constant 0 : i32
      %dma_wait3A_86 = arith.constant 0 : i32
      %dma_wait3A_87 = tpu.memref_slice %arg8[%dma_wait3A_85, %dma_wait3A_86] : memref<80x128xf32, #tpu.memory_space<vmem>> -> memref<72x128xf32, #tpu.memory_space<vmem>>
      %dma_wait3A_88 = arith.constant 0 : i32
      %dma_wait3A_89 = tpu.memref_slice %arg12[%add3A_33, %dma_wait3A_88] : memref<10112x128xf32, #tpu.memory_space<vmem_shared>> -> memref<72x128xf32, #tpu.memory_space<vmem_shared>>
      %dma_wait3A_90 = arith.constant 0 : i32
      %dma_wait3A_91 = tpu.memref_slice %arg12[%add3A_33, %dma_wait3A_90] : memref<10112x128xf32, #tpu.memory_space<vmem_shared>> -> memref<72x128xf32, #tpu.memory_space<vmem_shared>>
      %dma_wait3A_92 = arith.constant 0 : i32
      %dma_wait3A_93 = arith.constant 0 : i32
      %dma_wait3A_94 = tpu.memref_slice %arg8[%dma_wait3A_92, %dma_wait3A_93] : memref<80x128xf32, #tpu.memory_space<vmem>> -> memref<72x128xf32, #tpu.memory_space<vmem>>
      tpu.wait_dma2 semaphore(%run_scoped3A : memref<!tpu.dma_semaphore, #tpu.memory_space<semaphore_mem>>) src(%dma_wait3A_94 : memref<72x128xf32, #tpu.memory_space<vmem>>) dst(%dma_wait3A_91 : memref<72x128xf32, #tpu.memory_space<vmem_shared>>)
      tpu.yield
    }) : () -> ()
    %barrier3A = arith.constant 0 : index
    tpu.barrier barrier_id(%barrier3A)
    %sub3A = arith.constant 1 : i32
    %sub3A_34 = arith.subi %select_n3A_10, %sub3A : i32
    %dma_start3A = arith.constant 0 : i32
    %dma_start3A_35 = tpu.memref_slice %arg6[%dma_start3A] : memref<13760xi32, #tpu.memory_space<vmem>> -> memref<80xi32, #tpu.memory_space<vmem>>
    %dma_start3A_36 = arith.constant 0 : i32
    %dma_start3A_37 = arith.constant 0 : i32
    %dma_start3A_38 = tpu.memref_slice %arg2[%dma_start3A_36, %dma_start3A_37] : memref<10112x128xf32, #tpu.memory_space<hbm>> -> memref<10112x128xf32, #tpu.memory_space<hbm>>
    tpu.enqueue_indirect_dma source(%dma_start3A_38 : memref<10112x128xf32, #tpu.memory_space<hbm>>) target(%arg8 : memref<80x128xf32, #tpu.memory_space<vmem>>) offsets(%dma_start3A_35 : memref<80xi32, #tpu.memory_space<vmem>>) semaphore(%arg10 : memref<!tpu.dma_semaphore, #tpu.memory_space<semaphore_mem>>)
    %jit3A_39 = arith.constant 2 : i32
    %div3A = arith.divsi %select_n3A_10, %jit3A_39 : i32
    %sign3A = arith.constant 0 : i32
    %sign3A_40 = arith.cmpi sgt, %select_n3A_10, %sign3A : i32
    %sign3A_41 = arith.extui %sign3A_40 : i1 to i32
    %sign3A_42 = arith.constant 0 : i32
    %sign3A_43 = arith.cmpi slt, %select_n3A_10, %sign3A_42 : i32
    %sign3A_44 = arith.extui %sign3A_43 : i1 to i32
    %sign3A_45 = arith.subi %sign3A_41, %sign3A_44 : i32
    %sign3A_46 = arith.constant 0 : i32
    %sign3A_47 = arith.cmpi sgt, %jit3A_39, %sign3A_46 : i32
    %sign3A_48 = arith.extui %sign3A_47 : i1 to i32
    %sign3A_49 = arith.constant 0 : i32
    %sign3A_50 = arith.cmpi slt, %jit3A_39, %sign3A_49 : i32
    %sign3A_51 = arith.extui %sign3A_50 : i1 to i32
    %sign3A_52 = arith.subi %sign3A_48, %sign3A_51 : i32
    %ne3A = arith.cmpi ne, %sign3A_45, %sign3A_52 : i32
    %rem3A = arith.remsi %select_n3A_10, %jit3A_39 : i32
    %ne3A_53 = arith.constant 0 : i32
    %ne3A_54 = arith.cmpi ne, %rem3A, %ne3A_53 : i32
    %and3A = arith.andi %ne3A, %ne3A_54 : i1
    %sub3A_55 = arith.constant 1 : i32
    %sub3A_56 = arith.subi %div3A, %sub3A_55 : i32
    %select_n3A_57 = arith.select %and3A, %sub3A_56, %div3A : i32
    %while3A = arith.constant 0 : i32
    %while3A_58 = arith.constant 0 : i32
    %while3A_59 = arith.subi %select_n3A_57, %while3A_58 : i32
    %while3A_60 = arith.addi %while3A_58, %while3A_59 : i32
    %while3A_61 = arith.constant 1 : i32
    %while3A_62 = arith.divsi %while3A_59, %while3A_61 : i32
    %while3A_63 = arith.muli %while3A_62, %while3A_61 : i32
    %while3A_64 = arith.addi %while3A_58, %while3A_63 : i32
    %while3A_65 = arith.constant 1 : i32
    scf.for %while3A_75 = %while3A_58 to %while3A_64 step %while3A_65  : i32 {
      %mul3A_76 = arith.constant 2 : i32
      %mul3A_77 = arith.muli %mul3A_76, %while3A_75 : i32
      %mul3A_78 = arith.constant 2 : i32
      %mul3A_79 = arith.muli %mul3A_78, %while3A_75 : i32
      %add3A_80 = arith.constant 1 : i32
      %add3A_81 = arith.addi %mul3A_79, %add3A_80 : i32
      %add3A_82 = arith.constant 2 : i32
      %add3A_83 = arith.addi %mul3A_77, %add3A_82 : i32
      %min3A = arith.minsi %add3A_83, %sub3A_34 : i32
      %mul3A_84 = arith.constant 80 : i32
      %mul3A_85 = arith.muli %add3A_81, %mul3A_84 : i32
      %dma_start3A_86 = tpu.memref_slice %arg6[%mul3A_85] : memref<13760xi32, #tpu.memory_space<vmem>> -> memref<80xi32, #tpu.memory_space<vmem>>
      %dma_start3A_87 = arith.constant 0 : i32
      %dma_start3A_88 = arith.constant 0 : i32
      %dma_start3A_89 = tpu.memref_slice %arg2[%dma_start3A_87, %dma_start3A_88] : memref<10112x128xf32, #tpu.memory_space<hbm>> -> memref<10112x128xf32, #tpu.memory_space<hbm>>
      tpu.enqueue_indirect_dma source(%dma_start3A_89 : memref<10112x128xf32, #tpu.memory_space<hbm>>) target(%arg9 : memref<80x128xf32, #tpu.memory_space<vmem>>) offsets(%dma_start3A_86 : memref<80xi32, #tpu.memory_space<vmem>>) semaphore(%arg11 : memref<!tpu.dma_semaphore, #tpu.memory_space<semaphore_mem>>)
      %mul3A_90 = arith.constant 80 : i32
      %mul3A_91 = arith.muli %mul3A_77, %mul3A_90 : i32
      %dma_wait3A_92 = tpu.memref_slice %arg6[%mul3A_91] : memref<13760xi32, #tpu.memory_space<vmem>> -> memref<80xi32, #tpu.memory_space<vmem>>
      %dma_wait3A_93 = arith.constant 0 : i32
      %dma_wait3A_94 = arith.constant 0 : i32
      %dma_wait3A_95 = tpu.memref_slice %arg2[%dma_wait3A_93, %dma_wait3A_94] : memref<10112x128xf32, #tpu.memory_space<hbm>> -> memref<10112x128xf32, #tpu.memory_space<hbm>>
      tpu.wait_indirect_dma semaphore(%arg10 : memref<!tpu.dma_semaphore, #tpu.memory_space<semaphore_mem>>) src(%dma_wait3A_95 : memref<10112x128xf32, #tpu.memory_space<hbm>>) dst(%arg8 : memref<80x128xf32, #tpu.memory_space<vmem>>)
      %mul3A_96 = arith.constant 80 : i32
      %mul3A_97 = arith.muli %mul3A_77, %mul3A_96 : i32
      "tpu.region"() ({
        %run_scoped3A = tpu.sem_alloc : memref<!tpu.dma_semaphore, #tpu.memory_space<semaphore_mem>>
        %dma_start3A_112 = tpu.memref_slice %arg7[%mul3A_97] : memref<13760xi32, #tpu.memory_space<vmem>> -> memref<80xi32, #tpu.memory_space<vmem>>
        %dma_start3A_113 = arith.constant 0 : i32
        %dma_start3A_114 = arith.constant 0 : i32
        %dma_start3A_115 = tpu.memref_slice %arg12[%dma_start3A_113, %dma_start3A_114] : memref<10112x128xf32, #tpu.memory_space<vmem_shared>> -> memref<10112x128xf32, #tpu.memory_space<vmem_shared>>
        tpu.enqueue_indirect_dma source(%arg8 : memref<80x128xf32, #tpu.memory_space<vmem>>) target(%dma_start3A_115 : memref<10112x128xf32, #tpu.memory_space<vmem_shared>>) offsets(%dma_start3A_112 : memref<80xi32, #tpu.memory_space<vmem>>) semaphore(%run_scoped3A : memref<!tpu.dma_semaphore, #tpu.memory_space<semaphore_mem>>) {add = true}
        %dma_wait3A_116 = tpu.memref_slice %arg7[%mul3A_97] : memref<13760xi32, #tpu.memory_space<vmem>> -> memref<80xi32, #tpu.memory_space<vmem>>
        %dma_wait3A_117 = arith.constant 0 : i32
        %dma_wait3A_118 = arith.constant 0 : i32
        %dma_wait3A_119 = tpu.memref_slice %arg12[%dma_wait3A_117, %dma_wait3A_118] : memref<10112x128xf32, #tpu.memory_space<vmem_shared>> -> memref<10112x128xf32, #tpu.memory_space<vmem_shared>>
        tpu.wait_indirect_dma semaphore(%run_scoped3A : memref<!tpu.dma_semaphore, #tpu.memory_space<semaphore_mem>>) src(%arg8 : memref<80x128xf32, #tpu.memory_space<vmem>>) dst(%dma_wait3A_119 : memref<10112x128xf32, #tpu.memory_space<vmem_shared>>)
        tpu.yield
      }) : () -> ()
      %mul3A_98 = arith.constant 80 : i32
      %mul3A_99 = arith.muli %min3A, %mul3A_98 : i32
      %dma_start3A_100 = tpu.memref_slice %arg6[%mul3A_99] : memref<13760xi32, #tpu.memory_space<vmem>> -> memref<80xi32, #tpu.memory_space<vmem>>
      %dma_start3A_101 = arith.constant 0 : i32
      %dma_start3A_102 = arith.constant 0 : i32
      %dma_start3A_103 = tpu.memref_slice %arg2[%dma_start3A_101, %dma_start3A_102] : memref<10112x128xf32, #tpu.memory_space<hbm>> -> memref<10112x128xf32, #tpu.memory_space<hbm>>
      tpu.enqueue_indirect_dma source(%dma_start3A_103 : memref<10112x128xf32, #tpu.memory_space<hbm>>) target(%arg8 : memref<80x128xf32, #tpu.memory_space<vmem>>) offsets(%dma_start3A_100 : memref<80xi32, #tpu.memory_space<vmem>>) semaphore(%arg10 : memref<!tpu.dma_semaphore, #tpu.memory_space<semaphore_mem>>)
      %mul3A_104 = arith.constant 80 : i32
      %mul3A_105 = arith.muli %add3A_81, %mul3A_104 : i32
      %dma_wait3A_106 = tpu.memref_slice %arg6[%mul3A_105] : memref<13760xi32, #tpu.memory_space<vmem>> -> memref<80xi32, #tpu.memory_space<vmem>>
      %dma_wait3A_107 = arith.constant 0 : i32
      %dma_wait3A_108 = arith.constant 0 : i32
      %dma_wait3A_109 = tpu.memref_slice %arg2[%dma_wait3A_107, %dma_wait3A_108] : memref<10112x128xf32, #tpu.memory_space<hbm>> -> memref<10112x128xf32, #tpu.memory_space<hbm>>
      tpu.wait_indirect_dma semaphore(%arg11 : memref<!tpu.dma_semaphore, #tpu.memory_space<semaphore_mem>>) src(%dma_wait3A_109 : memref<10112x128xf32, #tpu.memory_space<hbm>>) dst(%arg9 : memref<80x128xf32, #tpu.memory_space<vmem>>)
      %mul3A_110 = arith.constant 80 : i32
      %mul3A_111 = arith.muli %add3A_81, %mul3A_110 : i32
      "tpu.region"() ({
        %run_scoped3A = tpu.sem_alloc : memref<!tpu.dma_semaphore, #tpu.memory_space<semaphore_mem>>
        %dma_start3A_112 = tpu.memref_slice %arg7[%mul3A_111] : memref<13760xi32, #tpu.memory_space<vmem>> -> memref<80xi32, #tpu.memory_space<vmem>>
        %dma_start3A_113 = arith.constant 0 : i32
        %dma_start3A_114 = arith.constant 0 : i32
        %dma_start3A_115 = tpu.memref_slice %arg12[%dma_start3A_113, %dma_start3A_114] : memref<10112x128xf32, #tpu.memory_space<vmem_shared>> -> memref<10112x128xf32, #tpu.memory_space<vmem_shared>>
        tpu.enqueue_indirect_dma source(%arg9 : memref<80x128xf32, #tpu.memory_space<vmem>>) target(%dma_start3A_115 : memref<10112x128xf32, #tpu.memory_space<vmem_shared>>) offsets(%dma_start3A_112 : memref<80xi32, #tpu.memory_space<vmem>>) semaphore(%run_scoped3A : memref<!tpu.dma_semaphore, #tpu.memory_space<semaphore_mem>>) {add = true}
        %dma_wait3A_116 = tpu.memref_slice %arg7[%mul3A_111] : memref<13760xi32, #tpu.memory_space<vmem>> -> memref<80xi32, #tpu.memory_space<vmem>>
        %dma_wait3A_117 = arith.constant 0 : i32
        %dma_wait3A_118 = arith.constant 0 : i32
        %dma_wait3A_119 = tpu.memref_slice %arg12[%dma_wait3A_117, %dma_wait3A_118] : memref<10112x128xf32, #tpu.memory_space<vmem_shared>> -> memref<10112x128xf32, #tpu.memory_space<vmem_shared>>
        tpu.wait_indirect_dma semaphore(%run_scoped3A : memref<!tpu.dma_semaphore, #tpu.memory_space<semaphore_mem>>) src(%arg9 : memref<80x128xf32, #tpu.memory_space<vmem>>) dst(%dma_wait3A_119 : memref<10112x128xf32, #tpu.memory_space<vmem_shared>>)
        tpu.yield
      }) : () -> ()
    }
    %while3A_66 = arith.constant 1 : i32
    scf.for %while3A_75 = %while3A_64 to %while3A_60 step %while3A_66  : i32 {
      %mul3A_76 = arith.constant 2 : i32
      %mul3A_77 = arith.muli %mul3A_76, %while3A_75 : i32
      %mul3A_78 = arith.constant 2 : i32
      %mul3A_79 = arith.muli %mul3A_78, %while3A_75 : i32
      %add3A_80 = arith.constant 1 : i32
      %add3A_81 = arith.addi %mul3A_79, %add3A_80 : i32
      %add3A_82 = arith.constant 2 : i32
      %add3A_83 = arith.addi %mul3A_77, %add3A_82 : i32
      %min3A = arith.minsi %add3A_83, %sub3A_34 : i32
      %mul3A_84 = arith.constant 80 : i32
      %mul3A_85 = arith.muli %add3A_81, %mul3A_84 : i32
      %dma_start3A_86 = tpu.memref_slice %arg6[%mul3A_85] : memref<13760xi32, #tpu.memory_space<vmem>> -> memref<80xi32, #tpu.memory_space<vmem>>
      %dma_start3A_87 = arith.constant 0 : i32
      %dma_start3A_88 = arith.constant 0 : i32
      %dma_start3A_89 = tpu.memref_slice %arg2[%dma_start3A_87, %dma_start3A_88] : memref<10112x128xf32, #tpu.memory_space<hbm>> -> memref<10112x128xf32, #tpu.memory_space<hbm>>
      tpu.enqueue_indirect_dma source(%dma_start3A_89 : memref<10112x128xf32, #tpu.memory_space<hbm>>) target(%arg9 : memref<80x128xf32, #tpu.memory_space<vmem>>) offsets(%dma_start3A_86 : memref<80xi32, #tpu.memory_space<vmem>>) semaphore(%arg11 : memref<!tpu.dma_semaphore, #tpu.memory_space<semaphore_mem>>)
      %mul3A_90 = arith.constant 80 : i32
      %mul3A_91 = arith.muli %mul3A_77, %mul3A_90 : i32
      %dma_wait3A_92 = tpu.memref_slice %arg6[%mul3A_91] : memref<13760xi32, #tpu.memory_space<vmem>> -> memref<80xi32, #tpu.memory_space<vmem>>
      %dma_wait3A_93 = arith.constant 0 : i32
      %dma_wait3A_94 = arith.constant 0 : i32
      %dma_wait3A_95 = tpu.memref_slice %arg2[%dma_wait3A_93, %dma_wait3A_94] : memref<10112x128xf32, #tpu.memory_space<hbm>> -> memref<10112x128xf32, #tpu.memory_space<hbm>>
      tpu.wait_indirect_dma semaphore(%arg10 : memref<!tpu.dma_semaphore, #tpu.memory_space<semaphore_mem>>) src(%dma_wait3A_95 : memref<10112x128xf32, #tpu.memory_space<hbm>>) dst(%arg8 : memref<80x128xf32, #tpu.memory_space<vmem>>)
      %mul3A_96 = arith.constant 80 : i32
      %mul3A_97 = arith.muli %mul3A_77, %mul3A_96 : i32
      "tpu.region"() ({
        %run_scoped3A = tpu.sem_alloc : memref<!tpu.dma_semaphore, #tpu.memory_space<semaphore_mem>>
        %dma_start3A_112 = tpu.memref_slice %arg7[%mul3A_97] : memref<13760xi32, #tpu.memory_space<vmem>> -> memref<80xi32, #tpu.memory_space<vmem>>
        %dma_start3A_113 = arith.constant 0 : i32
        %dma_start3A_114 = arith.constant 0 : i32
        %dma_start3A_115 = tpu.memref_slice %arg12[%dma_start3A_113, %dma_start3A_114] : memref<10112x128xf32, #tpu.memory_space<vmem_shared>> -> memref<10112x128xf32, #tpu.memory_space<vmem_shared>>
        tpu.enqueue_indirect_dma source(%arg8 : memref<80x128xf32, #tpu.memory_space<vmem>>) target(%dma_start3A_115 : memref<10112x128xf32, #tpu.memory_space<vmem_shared>>) offsets(%dma_start3A_112 : memref<80xi32, #tpu.memory_space<vmem>>) semaphore(%run_scoped3A : memref<!tpu.dma_semaphore, #tpu.memory_space<semaphore_mem>>) {add = true}
        %dma_wait3A_116 = tpu.memref_slice %arg7[%mul3A_97] : memref<13760xi32, #tpu.memory_space<vmem>> -> memref<80xi32, #tpu.memory_space<vmem>>
        %dma_wait3A_117 = arith.constant 0 : i32
        %dma_wait3A_118 = arith.constant 0 : i32
        %dma_wait3A_119 = tpu.memref_slice %arg12[%dma_wait3A_117, %dma_wait3A_118] : memref<10112x128xf32, #tpu.memory_space<vmem_shared>> -> memref<10112x128xf32, #tpu.memory_space<vmem_shared>>
        tpu.wait_indirect_dma semaphore(%run_scoped3A : memref<!tpu.dma_semaphore, #tpu.memory_space<semaphore_mem>>) src(%arg8 : memref<80x128xf32, #tpu.memory_space<vmem>>) dst(%dma_wait3A_119 : memref<10112x128xf32, #tpu.memory_space<vmem_shared>>)
        tpu.yield
      }) : () -> ()
      %mul3A_98 = arith.constant 80 : i32
      %mul3A_99 = arith.muli %min3A, %mul3A_98 : i32
      %dma_start3A_100 = tpu.memref_slice %arg6[%mul3A_99] : memref<13760xi32, #tpu.memory_space<vmem>> -> memref<80xi32, #tpu.memory_space<vmem>>
      %dma_start3A_101 = arith.constant 0 : i32
      %dma_start3A_102 = arith.constant 0 : i32
      %dma_start3A_103 = tpu.memref_slice %arg2[%dma_start3A_101, %dma_start3A_102] : memref<10112x128xf32, #tpu.memory_space<hbm>> -> memref<10112x128xf32, #tpu.memory_space<hbm>>
      tpu.enqueue_indirect_dma source(%dma_start3A_103 : memref<10112x128xf32, #tpu.memory_space<hbm>>) target(%arg8 : memref<80x128xf32, #tpu.memory_space<vmem>>) offsets(%dma_start3A_100 : memref<80xi32, #tpu.memory_space<vmem>>) semaphore(%arg10 : memref<!tpu.dma_semaphore, #tpu.memory_space<semaphore_mem>>)
      %mul3A_104 = arith.constant 80 : i32
      %mul3A_105 = arith.muli %add3A_81, %mul3A_104 : i32
      %dma_wait3A_106 = tpu.memref_slice %arg6[%mul3A_105] : memref<13760xi32, #tpu.memory_space<vmem>> -> memref<80xi32, #tpu.memory_space<vmem>>
      %dma_wait3A_107 = arith.constant 0 : i32
      %dma_wait3A_108 = arith.constant 0 : i32
      %dma_wait3A_109 = tpu.memref_slice %arg2[%dma_wait3A_107, %dma_wait3A_108] : memref<10112x128xf32, #tpu.memory_space<hbm>> -> memref<10112x128xf32, #tpu.memory_space<hbm>>
      tpu.wait_indirect_dma semaphore(%arg11 : memref<!tpu.dma_semaphore, #tpu.memory_space<semaphore_mem>>) src(%dma_wait3A_109 : memref<10112x128xf32, #tpu.memory_space<hbm>>) dst(%arg9 : memref<80x128xf32, #tpu.memory_space<vmem>>)
      %mul3A_110 = arith.constant 80 : i32
      %mul3A_111 = arith.muli %add3A_81, %mul3A_110 : i32
      "tpu.region"() ({
        %run_scoped3A = tpu.sem_alloc : memref<!tpu.dma_semaphore, #tpu.memory_space<semaphore_mem>>
        %dma_start3A_112 = tpu.memref_slice %arg7[%mul3A_111] : memref<13760xi32, #tpu.memory_space<vmem>> -> memref<80xi32, #tpu.memory_space<vmem>>
        %dma_start3A_113 = arith.constant 0 : i32
        %dma_start3A_114 = arith.constant 0 : i32
        %dma_start3A_115 = tpu.memref_slice %arg12[%dma_start3A_113, %dma_start3A_114] : memref<10112x128xf32, #tpu.memory_space<vmem_shared>> -> memref<10112x128xf32, #tpu.memory_space<vmem_shared>>
        tpu.enqueue_indirect_dma source(%arg9 : memref<80x128xf32, #tpu.memory_space<vmem>>) target(%dma_start3A_115 : memref<10112x128xf32, #tpu.memory_space<vmem_shared>>) offsets(%dma_start3A_112 : memref<80xi32, #tpu.memory_space<vmem>>) semaphore(%run_scoped3A : memref<!tpu.dma_semaphore, #tpu.memory_space<semaphore_mem>>) {add = true}
        %dma_wait3A_116 = tpu.memref_slice %arg7[%mul3A_111] : memref<13760xi32, #tpu.memory_space<vmem>> -> memref<80xi32, #tpu.memory_space<vmem>>
        %dma_wait3A_117 = arith.constant 0 : i32
        %dma_wait3A_118 = arith.constant 0 : i32
        %dma_wait3A_119 = tpu.memref_slice %arg12[%dma_wait3A_117, %dma_wait3A_118] : memref<10112x128xf32, #tpu.memory_space<vmem_shared>> -> memref<10112x128xf32, #tpu.memory_space<vmem_shared>>
        tpu.wait_indirect_dma semaphore(%run_scoped3A : memref<!tpu.dma_semaphore, #tpu.memory_space<semaphore_mem>>) src(%arg9 : memref<80x128xf32, #tpu.memory_space<vmem>>) dst(%dma_wait3A_119 : memref<10112x128xf32, #tpu.memory_space<vmem_shared>>)
        tpu.yield
      }) : () -> ()
    }
    %mul3A_67 = arith.constant 80 : i32
    %mul3A_68 = arith.muli %sub3A_34, %mul3A_67 : i32
    %dma_wait3A = tpu.memref_slice %arg6[%mul3A_68] : memref<13760xi32, #tpu.memory_space<vmem>> -> memref<80xi32, #tpu.memory_space<vmem>>
    %dma_wait3A_69 = arith.constant 0 : i32
    %dma_wait3A_70 = arith.constant 0 : i32
    %dma_wait3A_71 = tpu.memref_slice %arg2[%dma_wait3A_69, %dma_wait3A_70] : memref<10112x128xf32, #tpu.memory_space<hbm>> -> memref<10112x128xf32, #tpu.memory_space<hbm>>
    tpu.wait_indirect_dma semaphore(%arg10 : memref<!tpu.dma_semaphore, #tpu.memory_space<semaphore_mem>>) src(%dma_wait3A_71 : memref<10112x128xf32, #tpu.memory_space<hbm>>) dst(%arg8 : memref<80x128xf32, #tpu.memory_space<vmem>>)
    %barrier3A_72 = arith.constant 0 : index
    tpu.barrier barrier_id(%barrier3A_72)
    %mul3A_73 = arith.constant 632 : i32
    %mul3A_74 = arith.muli %arg1, %mul3A_73 : i32
    "tpu.region"() ({
      %run_scoped3A = tpu.sem_alloc : memref<!tpu.dma_semaphore, #tpu.memory_space<semaphore_mem>>
      %dma_start3A_75 = arith.constant 0 : i32
      %dma_start3A_76 = arith.constant 0 : i32
      %dma_start3A_77 = tpu.memref_slice %arg5[%arg0, %arg1, %dma_start3A_75, %dma_start3A_76] : memref<2x16x632x128xf32, #tpu.memory_space<hbm>> -> memref<1x1x632x128xf32, #tpu.memory_space<hbm>>
      %dma_start3A_78 = tpu.memref_squeeze %dma_start3A_77 : memref<1x1x632x128xf32, #tpu.memory_space<hbm>> -> memref<632x128xf32, #tpu.memory_space<hbm>>
      %dma_start3A_79 = arith.constant 0 : i32
      %dma_start3A_80 = tpu.memref_slice %arg12[%mul3A_74, %dma_start3A_79] : memref<10112x128xf32, #tpu.memory_space<vmem_shared>> -> memref<632x128xf32, #tpu.memory_space<vmem_shared>>
      tpu.enqueue_dma source(%dma_start3A_80 : memref<632x128xf32, #tpu.memory_space<vmem_shared>>) target(%dma_start3A_78 : memref<632x128xf32, #tpu.memory_space<hbm>>) target_semaphore(%run_scoped3A : memref<!tpu.dma_semaphore, #tpu.memory_space<semaphore_mem>>)
      %dma_wait3A_81 = arith.constant 0 : i32
      %dma_wait3A_82 = arith.constant 0 : i32
      %dma_wait3A_83 = tpu.memref_slice %arg5[%arg0, %arg1, %dma_wait3A_81, %dma_wait3A_82] : memref<2x16x632x128xf32, #tpu.memory_space<hbm>> -> memref<1x1x632x128xf32, #tpu.memory_space<hbm>>
      %dma_wait3A_84 = tpu.memref_squeeze %dma_wait3A_83 : memref<1x1x632x128xf32, #tpu.memory_space<hbm>> -> memref<632x128xf32, #tpu.memory_space<hbm>>
      %dma_wait3A_85 = arith.constant 0 : i32
      %dma_wait3A_86 = tpu.memref_slice %arg12[%mul3A_74, %dma_wait3A_85] : memref<10112x128xf32, #tpu.memory_space<vmem_shared>> -> memref<632x128xf32, #tpu.memory_space<vmem_shared>>
      tpu.wait_dma2 semaphore(%run_scoped3A : memref<!tpu.dma_semaphore, #tpu.memory_space<semaphore_mem>>) src(%dma_wait3A_86 : memref<632x128xf32, #tpu.memory_space<vmem_shared>>) dst(%dma_wait3A_84 : memref<632x128xf32, #tpu.memory_space<hbm>>)
      tpu.yield
    }) : () -> ()
    return
  }
}

#map = affine_map<(d0, d1) -> (0)>
#map1 = affine_map<(d0, d1) -> (0, 0, 0, 0)>
module attributes {stable_mosaic.version = 14 : i64} {
  func.func @deg_kernel(%arg0: i32, %arg1: i32, %arg2: memref<329920xi32, #tpu.memory_space<hbm>>, %arg3: memref<2x16x632x128xf32, #tpu.memory_space<hbm>>, %arg4: memref<10080xi32, #tpu.memory_space<vmem>>, %arg5: memref<80x128xf32, #tpu.memory_space<vmem>>, %arg6: memref<80x128xf32, #tpu.memory_space<vmem>>, %arg7: memref<10112x128xf32, #tpu.memory_space<vmem_shared>>) attributes {dimension_semantics = [#tpu.dimension_semantics<core_parallel>, #tpu.dimension_semantics<subcore_parallel>], iteration_bounds = array<i64: 2, 16>, scalar_prefetch = 0 : i64, scratch_operands = 4 : i64, tpu.core_type = #tpu.core_type<sc_vector_subcore>, window_params = [{transform_indices = #map}, {transform_indices = #map1}]} {
    %mul3A = arith.constant 2 : i32
    %mul3A_0 = arith.muli %arg1, %mul3A : i32
    %add3A = arith.addi %mul3A_0, %arg0 : i32
    %mul3A_1 = arith.constant 10080 : i32
    %mul3A_2 = arith.muli %add3A, %mul3A_1 : i32
    "tpu.region"() ({
      %run_scoped3A = tpu.sem_alloc : memref<!tpu.dma_semaphore, #tpu.memory_space<semaphore_mem>>
      %dma_start3A = tpu.memref_slice %arg2[%mul3A_2] : memref<329920xi32, #tpu.memory_space<hbm>> -> memref<10080xi32, #tpu.memory_space<hbm>>
      %dma_start3A_41 = tpu.memref_slice %arg2[%mul3A_2] : memref<329920xi32, #tpu.memory_space<hbm>> -> memref<10080xi32, #tpu.memory_space<hbm>>
      tpu.enqueue_dma source(%dma_start3A_41 : memref<10080xi32, #tpu.memory_space<hbm>>) target(%arg4 : memref<10080xi32, #tpu.memory_space<vmem>>) target_semaphore(%run_scoped3A : memref<!tpu.dma_semaphore, #tpu.memory_space<semaphore_mem>>)
      %dma_wait3A = tpu.memref_slice %arg2[%mul3A_2] : memref<329920xi32, #tpu.memory_space<hbm>> -> memref<10080xi32, #tpu.memory_space<hbm>>
      %dma_wait3A_42 = tpu.memref_slice %arg2[%mul3A_2] : memref<329920xi32, #tpu.memory_space<hbm>> -> memref<10080xi32, #tpu.memory_space<hbm>>
      tpu.wait_dma2 semaphore(%run_scoped3A : memref<!tpu.dma_semaphore, #tpu.memory_space<semaphore_mem>>) src(%dma_wait3A_42 : memref<10080xi32, #tpu.memory_space<hbm>>) dst(%arg4 : memref<10080xi32, #tpu.memory_space<vmem>>)
      tpu.yield
    }) : () -> ()
    %scan3A = arith.constant 0 : i32
    %scan3A_3 = arith.constant 0 : i32
    %scan3A_4 = arith.constant 640 : i32
    %scan3A_5 = arith.addi %scan3A_3, %scan3A_4 : i32
    %scan3A_6 = arith.constant 1 : i32
    scf.for %scan3A_41 = %scan3A_3 to %scan3A_5 step %scan3A_6  : i32 {
      %jit3A = arith.constant 8 : i32
      %div3A = arith.divsi %scan3A_41, %jit3A : i32
      %sign3A = arith.constant 0 : i32
      %sign3A_42 = arith.cmpi sgt, %scan3A_41, %sign3A : i32
      %sign3A_43 = arith.extui %sign3A_42 : i1 to i32
      %sign3A_44 = arith.constant 0 : i32
      %sign3A_45 = arith.cmpi slt, %scan3A_41, %sign3A_44 : i32
      %sign3A_46 = arith.extui %sign3A_45 : i1 to i32
      %sign3A_47 = arith.subi %sign3A_43, %sign3A_46 : i32
      %sign3A_48 = arith.constant 0 : i32
      %sign3A_49 = arith.cmpi sgt, %jit3A, %sign3A_48 : i32
      %sign3A_50 = arith.extui %sign3A_49 : i1 to i32
      %sign3A_51 = arith.constant 0 : i32
      %sign3A_52 = arith.cmpi slt, %jit3A, %sign3A_51 : i32
      %sign3A_53 = arith.extui %sign3A_52 : i1 to i32
      %sign3A_54 = arith.subi %sign3A_50, %sign3A_53 : i32
      %ne3A = arith.cmpi ne, %sign3A_47, %sign3A_54 : i32
      %rem3A = arith.remsi %scan3A_41, %jit3A : i32
      %ne3A_55 = arith.constant 0 : i32
      %ne3A_56 = arith.cmpi ne, %rem3A, %ne3A_55 : i32
      %and3A = arith.andi %ne3A, %ne3A_56 : i1
      %sub3A = arith.constant 1 : i32
      %sub3A_57 = arith.subi %div3A, %sub3A : i32
      %select_n3A = arith.select %and3A, %sub3A_57, %div3A : i32
      %jit3A_58 = arith.constant 8 : i32
      %eq3A = arith.constant 0 : i32
      %eq3A_59 = arith.cmpi eq, %jit3A_58, %eq3A : i32
      %jit3A_60 = arith.constant 1 : i32
      %select_n3A_61 = arith.select %eq3A_59, %jit3A_60, %jit3A_58 : i32
      %rem3A_62 = arith.remsi %scan3A_41, %select_n3A_61 : i32
      %ne3A_63 = arith.constant 0 : i32
      %ne3A_64 = arith.cmpi ne, %rem3A_62, %ne3A_63 : i32
      %lt3A = arith.constant 0 : i32
      %lt3A_65 = arith.cmpi slt, %rem3A_62, %lt3A : i32
      %lt3A_66 = arith.constant 0 : i32
      %lt3A_67 = arith.cmpi slt, %select_n3A_61, %lt3A_66 : i32
      %ne3A_68 = arith.xori %lt3A_65, %lt3A_67 : i1
      %and3A_69 = arith.andi %ne3A_68, %ne3A_64 : i1
      %add3A_70 = arith.addi %rem3A_62, %select_n3A_61 : i32
      %select_n3A_71 = arith.select %and3A_69, %add3A_70, %rem3A_62 : i32
      %broadcast_in_dim3A = arith.constant 1.000000e+00 : f32
      %broadcast_in_dim3A_72 = vector.broadcast %broadcast_in_dim3A : f32 to vector<16xf32>
      %mul3A_73 = arith.constant 16 : i32
      %mul3A_74 = arith.muli %select_n3A_71, %mul3A_73 : i32
      %swap3A = arith.index_cast %select_n3A : i32 to index
      %swap3A_75 = arith.index_cast %mul3A_74 : i32 to index
      %swap3A_76 = tpu.vector_load %arg5[%swap3A, %swap3A_75] {strides = array<i32>} : memref<80x128xf32, #tpu.memory_space<vmem>>, vector<1x16xf32>,
      %swap3A_77 = vector.shape_cast %swap3A_76 : vector<1x16xf32> to vector<16xf32>
      %swap3A_78 = vector.shape_cast %broadcast_in_dim3A_72 : vector<16xf32> to vector<1x16xf32>
      tpu.vector_store %arg5[%swap3A, %swap3A_75], %swap3A_78 {strides = array<i32>} : memref<80x128xf32, #tpu.memory_space<vmem>>, vector<1x16xf32>,
    }
    %scan3A_7 = arith.constant 640 : i32
    %scan3A_8 = arith.constant 0 : i32
    %scan3A_9 = arith.constant 0 : i32
    %scan3A_10 = arith.constant 640 : i32
    %scan3A_11 = arith.addi %scan3A_9, %scan3A_10 : i32
    %scan3A_12 = arith.constant 1 : i32
    scf.for %scan3A_41 = %scan3A_9 to %scan3A_11 step %scan3A_12  : i32 {
      %jit3A = arith.constant 8 : i32
      %div3A = arith.divsi %scan3A_41, %jit3A : i32
      %sign3A = arith.constant 0 : i32
      %sign3A_42 = arith.cmpi sgt, %scan3A_41, %sign3A : i32
      %sign3A_43 = arith.extui %sign3A_42 : i1 to i32
      %sign3A_44 = arith.constant 0 : i32
      %sign3A_45 = arith.cmpi slt, %scan3A_41, %sign3A_44 : i32
      %sign3A_46 = arith.extui %sign3A_45 : i1 to i32
      %sign3A_47 = arith.subi %sign3A_43, %sign3A_46 : i32
      %sign3A_48 = arith.constant 0 : i32
      %sign3A_49 = arith.cmpi sgt, %jit3A, %sign3A_48 : i32
      %sign3A_50 = arith.extui %sign3A_49 : i1 to i32
      %sign3A_51 = arith.constant 0 : i32
      %sign3A_52 = arith.cmpi slt, %jit3A, %sign3A_51 : i32
      %sign3A_53 = arith.extui %sign3A_52 : i1 to i32
      %sign3A_54 = arith.subi %sign3A_50, %sign3A_53 : i32
      %ne3A = arith.cmpi ne, %sign3A_47, %sign3A_54 : i32
      %rem3A = arith.remsi %scan3A_41, %jit3A : i32
      %ne3A_55 = arith.constant 0 : i32
      %ne3A_56 = arith.cmpi ne, %rem3A, %ne3A_55 : i32
      %and3A = arith.andi %ne3A, %ne3A_56 : i1
      %sub3A = arith.constant 1 : i32
      %sub3A_57 = arith.subi %div3A, %sub3A : i32
      %select_n3A = arith.select %and3A, %sub3A_57, %div3A : i32
      %jit3A_58 = arith.constant 8 : i32
      %eq3A = arith.constant 0 : i32
      %eq3A_59 = arith.cmpi eq, %jit3A_58, %eq3A : i32
      %jit3A_60 = arith.constant 1 : i32
      %select_n3A_61 = arith.select %eq3A_59, %jit3A_60, %jit3A_58 : i32
      %rem3A_62 = arith.remsi %scan3A_41, %select_n3A_61 : i32
      %ne3A_63 = arith.constant 0 : i32
      %ne3A_64 = arith.cmpi ne, %rem3A_62, %ne3A_63 : i32
      %lt3A = arith.constant 0 : i32
      %lt3A_65 = arith.cmpi slt, %rem3A_62, %lt3A : i32
      %lt3A_66 = arith.constant 0 : i32
      %lt3A_67 = arith.cmpi slt, %select_n3A_61, %lt3A_66 : i32
      %ne3A_68 = arith.xori %lt3A_65, %lt3A_67 : i1
      %and3A_69 = arith.andi %ne3A_68, %ne3A_64 : i1
      %add3A_70 = arith.addi %rem3A_62, %select_n3A_61 : i32
      %select_n3A_71 = arith.select %and3A_69, %add3A_70, %rem3A_62 : i32
      %broadcast_in_dim3A = arith.constant 0.000000e+00 : f32
      %broadcast_in_dim3A_72 = vector.broadcast %broadcast_in_dim3A : f32 to vector<16xf32>
      %mul3A_73 = arith.constant 16 : i32
      %mul3A_74 = arith.muli %select_n3A_71, %mul3A_73 : i32
      %swap3A = arith.index_cast %select_n3A : i32 to index
      %swap3A_75 = arith.index_cast %mul3A_74 : i32 to index
      %swap3A_76 = tpu.vector_load %arg6[%swap3A, %swap3A_75] {strides = array<i32>} : memref<80x128xf32, #tpu.memory_space<vmem>>, vector<1x16xf32>,
      %swap3A_77 = vector.shape_cast %swap3A_76 : vector<1x16xf32> to vector<16xf32>
      %swap3A_78 = vector.shape_cast %broadcast_in_dim3A_72 : vector<16xf32> to vector<1x16xf32>
      tpu.vector_store %arg6[%swap3A, %swap3A_75], %swap3A_78 {strides = array<i32>} : memref<80x128xf32, #tpu.memory_space<vmem>>, vector<1x16xf32>,
    }
    %scan3A_13 = arith.constant 640 : i32
    %mul3A_14 = arith.constant 632 : i32
    %mul3A_15 = arith.muli %arg1, %mul3A_14 : i32
    %add3A_16 = arith.constant 0 : i32
    %add3A_17 = arith.addi %mul3A_15, %add3A_16 : i32
    "tpu.region"() ({
      %run_scoped3A = tpu.sem_alloc : memref<!tpu.dma_semaphore, #tpu.memory_space<semaphore_mem>>
      %dma_start3A = arith.constant 0 : i32
      %dma_start3A_41 = tpu.memref_slice %arg7[%add3A_17, %dma_start3A] : memref<10112x128xf32, #tpu.memory_space<vmem_shared>> -> memref<80x128xf32, #tpu.memory_space<vmem_shared>>
      %dma_start3A_42 = arith.constant 0 : i32
      %dma_start3A_43 = tpu.memref_slice %arg7[%add3A_17, %dma_start3A_42] : memref<10112x128xf32, #tpu.memory_space<vmem_shared>> -> memref<80x128xf32, #tpu.memory_space<vmem_shared>>
      tpu.enqueue_dma source(%arg6 : memref<80x128xf32, #tpu.memory_space<vmem>>) target(%dma_start3A_43 : memref<80x128xf32, #tpu.memory_space<vmem_shared>>) target_semaphore(%run_scoped3A : memref<!tpu.dma_semaphore, #tpu.memory_space<semaphore_mem>>)
      %dma_wait3A = arith.constant 0 : i32
      %dma_wait3A_44 = tpu.memref_slice %arg7[%add3A_17, %dma_wait3A] : memref<10112x128xf32, #tpu.memory_space<vmem_shared>> -> memref<80x128xf32, #tpu.memory_space<vmem_shared>>
      %dma_wait3A_45 = arith.constant 0 : i32
      %dma_wait3A_46 = tpu.memref_slice %arg7[%add3A_17, %dma_wait3A_45] : memref<10112x128xf32, #tpu.memory_space<vmem_shared>> -> memref<80x128xf32, #tpu.memory_space<vmem_shared>>
      tpu.wait_dma2 semaphore(%run_scoped3A : memref<!tpu.dma_semaphore, #tpu.memory_space<semaphore_mem>>) src(%arg6 : memref<80x128xf32, #tpu.memory_space<vmem>>) dst(%dma_wait3A_46 : memref<80x128xf32, #tpu.memory_space<vmem_shared>>)
      tpu.yield
    }) : () -> ()
    %add3A_18 = arith.constant 80 : i32
    %add3A_19 = arith.addi %mul3A_15, %add3A_18 : i32
    "tpu.region"() ({
      %run_scoped3A = tpu.sem_alloc : memref<!tpu.dma_semaphore, #tpu.memory_space<semaphore_mem>>
      %dma_start3A = arith.constant 0 : i32
      %dma_start3A_41 = tpu.memref_slice %arg7[%add3A_19, %dma_start3A] : memref<10112x128xf32, #tpu.memory_space<vmem_shared>> -> memref<80x128xf32, #tpu.memory_space<vmem_shared>>
      %dma_start3A_42 = arith.constant 0 : i32
      %dma_start3A_43 = tpu.memref_slice %arg7[%add3A_19, %dma_start3A_42] : memref<10112x128xf32, #tpu.memory_space<vmem_shared>> -> memref<80x128xf32, #tpu.memory_space<vmem_shared>>
      tpu.enqueue_dma source(%arg6 : memref<80x128xf32, #tpu.memory_space<vmem>>) target(%dma_start3A_43 : memref<80x128xf32, #tpu.memory_space<vmem_shared>>) target_semaphore(%run_scoped3A : memref<!tpu.dma_semaphore, #tpu.memory_space<semaphore_mem>>)
      %dma_wait3A = arith.constant 0 : i32
      %dma_wait3A_44 = tpu.memref_slice %arg7[%add3A_19, %dma_wait3A] : memref<10112x128xf32, #tpu.memory_space<vmem_shared>> -> memref<80x128xf32, #tpu.memory_space<vmem_shared>>
      %dma_wait3A_45 = arith.constant 0 : i32
      %dma_wait3A_46 = tpu.memref_slice %arg7[%add3A_19, %dma_wait3A_45] : memref<10112x128xf32, #tpu.memory_space<vmem_shared>> -> memref<80x128xf32, #tpu.memory_space<vmem_shared>>
      tpu.wait_dma2 semaphore(%run_scoped3A : memref<!tpu.dma_semaphore, #tpu.memory_space<semaphore_mem>>) src(%arg6 : memref<80x128xf32, #tpu.memory_space<vmem>>) dst(%dma_wait3A_46 : memref<80x128xf32, #tpu.memory_space<vmem_shared>>)
      tpu.yield
    }) : () -> ()
    %add3A_20 = arith.constant 160 : i32
    %add3A_21 = arith.addi %mul3A_15, %add3A_20 : i32
    "tpu.region"() ({
      %run_scoped3A = tpu.sem_alloc : memref<!tpu.dma_semaphore, #tpu.memory_space<semaphore_mem>>
      %dma_start3A = arith.constant 0 : i32
      %dma_start3A_41 = tpu.memref_slice %arg7[%add3A_21, %dma_start3A] : memref<10112x128xf32, #tpu.memory_space<vmem_shared>> -> memref<80x128xf32, #tpu.memory_space<vmem_shared>>
      %dma_start3A_42 = arith.constant 0 : i32
      %dma_start3A_43 = tpu.memref_slice %arg7[%add3A_21, %dma_start3A_42] : memref<10112x128xf32, #tpu.memory_space<vmem_shared>> -> memref<80x128xf32, #tpu.memory_space<vmem_shared>>
      tpu.enqueue_dma source(%arg6 : memref<80x128xf32, #tpu.memory_space<vmem>>) target(%dma_start3A_43 : memref<80x128xf32, #tpu.memory_space<vmem_shared>>) target_semaphore(%run_scoped3A : memref<!tpu.dma_semaphore, #tpu.memory_space<semaphore_mem>>)
      %dma_wait3A = arith.constant 0 : i32
      %dma_wait3A_44 = tpu.memref_slice %arg7[%add3A_21, %dma_wait3A] : memref<10112x128xf32, #tpu.memory_space<vmem_shared>> -> memref<80x128xf32, #tpu.memory_space<vmem_shared>>
      %dma_wait3A_45 = arith.constant 0 : i32
      %dma_wait3A_46 = tpu.memref_slice %arg7[%add3A_21, %dma_wait3A_45] : memref<10112x128xf32, #tpu.memory_space<vmem_shared>> -> memref<80x128xf32, #tpu.memory_space<vmem_shared>>
      tpu.wait_dma2 semaphore(%run_scoped3A : memref<!tpu.dma_semaphore, #tpu.memory_space<semaphore_mem>>) src(%arg6 : memref<80x128xf32, #tpu.memory_space<vmem>>) dst(%dma_wait3A_46 : memref<80x128xf32, #tpu.memory_space<vmem_shared>>)
      tpu.yield
    }) : () -> ()
    %add3A_22 = arith.constant 240 : i32
    %add3A_23 = arith.addi %mul3A_15, %add3A_22 : i32
    "tpu.region"() ({
      %run_scoped3A = tpu.sem_alloc : memref<!tpu.dma_semaphore, #tpu.memory_space<semaphore_mem>>
      %dma_start3A = arith.constant 0 : i32
      %dma_start3A_41 = tpu.memref_slice %arg7[%add3A_23, %dma_start3A] : memref<10112x128xf32, #tpu.memory_space<vmem_shared>> -> memref<80x128xf32, #tpu.memory_space<vmem_shared>>
      %dma_start3A_42 = arith.constant 0 : i32
      %dma_start3A_43 = tpu.memref_slice %arg7[%add3A_23, %dma_start3A_42] : memref<10112x128xf32, #tpu.memory_space<vmem_shared>> -> memref<80x128xf32, #tpu.memory_space<vmem_shared>>
      tpu.enqueue_dma source(%arg6 : memref<80x128xf32, #tpu.memory_space<vmem>>) target(%dma_start3A_43 : memref<80x128xf32, #tpu.memory_space<vmem_shared>>) target_semaphore(%run_scoped3A : memref<!tpu.dma_semaphore, #tpu.memory_space<semaphore_mem>>)
      %dma_wait3A = arith.constant 0 : i32
      %dma_wait3A_44 = tpu.memref_slice %arg7[%add3A_23, %dma_wait3A] : memref<10112x128xf32, #tpu.memory_space<vmem_shared>> -> memref<80x128xf32, #tpu.memory_space<vmem_shared>>
      %dma_wait3A_45 = arith.constant 0 : i32
      %dma_wait3A_46 = tpu.memref_slice %arg7[%add3A_23, %dma_wait3A_45] : memref<10112x128xf32, #tpu.memory_space<vmem_shared>> -> memref<80x128xf32, #tpu.memory_space<vmem_shared>>
      tpu.wait_dma2 semaphore(%run_scoped3A : memref<!tpu.dma_semaphore, #tpu.memory_space<semaphore_mem>>) src(%arg6 : memref<80x128xf32, #tpu.memory_space<vmem>>) dst(%dma_wait3A_46 : memref<80x128xf32, #tpu.memory_space<vmem_shared>>)
      tpu.yield
    }) : () -> ()
    %add3A_24 = arith.constant 320 : i32
    %add3A_25 = arith.addi %mul3A_15, %add3A_24 : i32
    "tpu.region"() ({
      %run_scoped3A = tpu.sem_alloc : memref<!tpu.dma_semaphore, #tpu.memory_space<semaphore_mem>>
      %dma_start3A = arith.constant 0 : i32
      %dma_start3A_41 = tpu.memref_slice %arg7[%add3A_25, %dma_start3A] : memref<10112x128xf32, #tpu.memory_space<vmem_shared>> -> memref<80x128xf32, #tpu.memory_space<vmem_shared>>
      %dma_start3A_42 = arith.constant 0 : i32
      %dma_start3A_43 = tpu.memref_slice %arg7[%add3A_25, %dma_start3A_42] : memref<10112x128xf32, #tpu.memory_space<vmem_shared>> -> memref<80x128xf32, #tpu.memory_space<vmem_shared>>
      tpu.enqueue_dma source(%arg6 : memref<80x128xf32, #tpu.memory_space<vmem>>) target(%dma_start3A_43 : memref<80x128xf32, #tpu.memory_space<vmem_shared>>) target_semaphore(%run_scoped3A : memref<!tpu.dma_semaphore, #tpu.memory_space<semaphore_mem>>)
      %dma_wait3A = arith.constant 0 : i32
      %dma_wait3A_44 = tpu.memref_slice %arg7[%add3A_25, %dma_wait3A] : memref<10112x128xf32, #tpu.memory_space<vmem_shared>> -> memref<80x128xf32, #tpu.memory_space<vmem_shared>>
      %dma_wait3A_45 = arith.constant 0 : i32
      %dma_wait3A_46 = tpu.memref_slice %arg7[%add3A_25, %dma_wait3A_45] : memref<10112x128xf32, #tpu.memory_space<vmem_shared>> -> memref<80x128xf32, #tpu.memory_space<vmem_shared>>
      tpu.wait_dma2 semaphore(%run_scoped3A : memref<!tpu.dma_semaphore, #tpu.memory_space<semaphore_mem>>) src(%arg6 : memref<80x128xf32, #tpu.memory_space<vmem>>) dst(%dma_wait3A_46 : memref<80x128xf32, #tpu.memory_space<vmem_shared>>)
      tpu.yield
    }) : () -> ()
    %add3A_26 = arith.constant 400 : i32
    %add3A_27 = arith.addi %mul3A_15, %add3A_26 : i32
    "tpu.region"() ({
      %run_scoped3A = tpu.sem_alloc : memref<!tpu.dma_semaphore, #tpu.memory_space<semaphore_mem>>
      %dma_start3A = arith.constant 0 : i32
      %dma_start3A_41 = tpu.memref_slice %arg7[%add3A_27, %dma_start3A] : memref<10112x128xf32, #tpu.memory_space<vmem_shared>> -> memref<80x128xf32, #tpu.memory_space<vmem_shared>>
      %dma_start3A_42 = arith.constant 0 : i32
      %dma_start3A_43 = tpu.memref_slice %arg7[%add3A_27, %dma_start3A_42] : memref<10112x128xf32, #tpu.memory_space<vmem_shared>> -> memref<80x128xf32, #tpu.memory_space<vmem_shared>>
      tpu.enqueue_dma source(%arg6 : memref<80x128xf32, #tpu.memory_space<vmem>>) target(%dma_start3A_43 : memref<80x128xf32, #tpu.memory_space<vmem_shared>>) target_semaphore(%run_scoped3A : memref<!tpu.dma_semaphore, #tpu.memory_space<semaphore_mem>>)
      %dma_wait3A = arith.constant 0 : i32
      %dma_wait3A_44 = tpu.memref_slice %arg7[%add3A_27, %dma_wait3A] : memref<10112x128xf32, #tpu.memory_space<vmem_shared>> -> memref<80x128xf32, #tpu.memory_space<vmem_shared>>
      %dma_wait3A_45 = arith.constant 0 : i32
      %dma_wait3A_46 = tpu.memref_slice %arg7[%add3A_27, %dma_wait3A_45] : memref<10112x128xf32, #tpu.memory_space<vmem_shared>> -> memref<80x128xf32, #tpu.memory_space<vmem_shared>>
      tpu.wait_dma2 semaphore(%run_scoped3A : memref<!tpu.dma_semaphore, #tpu.memory_space<semaphore_mem>>) src(%arg6 : memref<80x128xf32, #tpu.memory_space<vmem>>) dst(%dma_wait3A_46 : memref<80x128xf32, #tpu.memory_space<vmem_shared>>)
      tpu.yield
    }) : () -> ()
    %add3A_28 = arith.constant 480 : i32
    %add3A_29 = arith.addi %mul3A_15, %add3A_28 : i32
    "tpu.region"() ({
      %run_scoped3A = tpu.sem_alloc : memref<!tpu.dma_semaphore, #tpu.memory_space<semaphore_mem>>
      %dma_start3A = arith.constant 0 : i32
      %dma_start3A_41 = tpu.memref_slice %arg7[%add3A_29, %dma_start3A] : memref<10112x128xf32, #tpu.memory_space<vmem_shared>> -> memref<80x128xf32, #tpu.memory_space<vmem_shared>>
      %dma_start3A_42 = arith.constant 0 : i32
      %dma_start3A_43 = tpu.memref_slice %arg7[%add3A_29, %dma_start3A_42] : memref<10112x128xf32, #tpu.memory_space<vmem_shared>> -> memref<80x128xf32, #tpu.memory_space<vmem_shared>>
      tpu.enqueue_dma source(%arg6 : memref<80x128xf32, #tpu.memory_space<vmem>>) target(%dma_start3A_43 : memref<80x128xf32, #tpu.memory_space<vmem_shared>>) target_semaphore(%run_scoped3A : memref<!tpu.dma_semaphore, #tpu.memory_space<semaphore_mem>>)
      %dma_wait3A = arith.constant 0 : i32
      %dma_wait3A_44 = tpu.memref_slice %arg7[%add3A_29, %dma_wait3A] : memref<10112x128xf32, #tpu.memory_space<vmem_shared>> -> memref<80x128xf32, #tpu.memory_space<vmem_shared>>
      %dma_wait3A_45 = arith.constant 0 : i32
      %dma_wait3A_46 = tpu.memref_slice %arg7[%add3A_29, %dma_wait3A_45] : memref<10112x128xf32, #tpu.memory_space<vmem_shared>> -> memref<80x128xf32, #tpu.memory_space<vmem_shared>>
      tpu.wait_dma2 semaphore(%run_scoped3A : memref<!tpu.dma_semaphore, #tpu.memory_space<semaphore_mem>>) src(%arg6 : memref<80x128xf32, #tpu.memory_space<vmem>>) dst(%dma_wait3A_46 : memref<80x128xf32, #tpu.memory_space<vmem_shared>>)
      tpu.yield
    }) : () -> ()
    %add3A_30 = arith.constant 560 : i32
    %add3A_31 = arith.addi %mul3A_15, %add3A_30 : i32
    "tpu.region"() ({
      %run_scoped3A = tpu.sem_alloc : memref<!tpu.dma_semaphore, #tpu.memory_space<semaphore_mem>>
      %dma_start3A = arith.constant 0 : i32
      %dma_start3A_41 = arith.constant 0 : i32
      %dma_start3A_42 = tpu.memref_slice %arg6[%dma_start3A, %dma_start3A_41] : memref<80x128xf32, #tpu.memory_space<vmem>> -> memref<72x128xf32, #tpu.memory_space<vmem>>
      %dma_start3A_43 = arith.constant 0 : i32
      %dma_start3A_44 = tpu.memref_slice %arg7[%add3A_31, %dma_start3A_43] : memref<10112x128xf32, #tpu.memory_space<vmem_shared>> -> memref<72x128xf32, #tpu.memory_space<vmem_shared>>
      %dma_start3A_45 = arith.constant 0 : i32
      %dma_start3A_46 = tpu.memref_slice %arg7[%add3A_31, %dma_start3A_45] : memref<10112x128xf32, #tpu.memory_space<vmem_shared>> -> memref<72x128xf32, #tpu.memory_space<vmem_shared>>
      %dma_start3A_47 = arith.constant 0 : i32
      %dma_start3A_48 = arith.constant 0 : i32
      %dma_start3A_49 = tpu.memref_slice %arg6[%dma_start3A_47, %dma_start3A_48] : memref<80x128xf32, #tpu.memory_space<vmem>> -> memref<72x128xf32, #tpu.memory_space<vmem>>
      tpu.enqueue_dma source(%dma_start3A_49 : memref<72x128xf32, #tpu.memory_space<vmem>>) target(%dma_start3A_46 : memref<72x128xf32, #tpu.memory_space<vmem_shared>>) target_semaphore(%run_scoped3A : memref<!tpu.dma_semaphore, #tpu.memory_space<semaphore_mem>>)
      %dma_wait3A = arith.constant 0 : i32
      %dma_wait3A_50 = arith.constant 0 : i32
      %dma_wait3A_51 = tpu.memref_slice %arg6[%dma_wait3A, %dma_wait3A_50] : memref<80x128xf32, #tpu.memory_space<vmem>> -> memref<72x128xf32, #tpu.memory_space<vmem>>
      %dma_wait3A_52 = arith.constant 0 : i32
      %dma_wait3A_53 = tpu.memref_slice %arg7[%add3A_31, %dma_wait3A_52] : memref<10112x128xf32, #tpu.memory_space<vmem_shared>> -> memref<72x128xf32, #tpu.memory_space<vmem_shared>>
      %dma_wait3A_54 = arith.constant 0 : i32
      %dma_wait3A_55 = tpu.memref_slice %arg7[%add3A_31, %dma_wait3A_54] : memref<10112x128xf32, #tpu.memory_space<vmem_shared>> -> memref<72x128xf32, #tpu.memory_space<vmem_shared>>
      %dma_wait3A_56 = arith.constant 0 : i32
      %dma_wait3A_57 = arith.constant 0 : i32
      %dma_wait3A_58 = tpu.memref_slice %arg6[%dma_wait3A_56, %dma_wait3A_57] : memref<80x128xf32, #tpu.memory_space<vmem>> -> memref<72x128xf32, #tpu.memory_space<vmem>>
      tpu.wait_dma2 semaphore(%run_scoped3A : memref<!tpu.dma_semaphore, #tpu.memory_space<semaphore_mem>>) src(%dma_wait3A_58 : memref<72x128xf32, #tpu.memory_space<vmem>>) dst(%dma_wait3A_55 : memref<72x128xf32, #tpu.memory_space<vmem_shared>>)
      tpu.yield
    }) : () -> ()
    %barrier3A = arith.constant 0 : index
    tpu.barrier barrier_id(%barrier3A)
    %scan3A_32 = arith.constant 0 : i32
    %scan3A_33 = arith.constant 0 : i32
    %scan3A_34 = arith.constant 126 : i32
    %scan3A_35 = arith.addi %scan3A_33, %scan3A_34 : i32
    %scan3A_36 = arith.constant 1 : i32
    scf.for %scan3A_41 = %scan3A_33 to %scan3A_35 step %scan3A_36  : i32 {
      %mul3A_42 = arith.constant 80 : i32
      %mul3A_43 = arith.muli %scan3A_41, %mul3A_42 : i32
      "tpu.region"() ({
        %run_scoped3A = tpu.sem_alloc : memref<!tpu.dma_semaphore, #tpu.memory_space<semaphore_mem>>
        %dma_start3A = tpu.memref_slice %arg4[%mul3A_43] : memref<10080xi32, #tpu.memory_space<vmem>> -> memref<80xi32, #tpu.memory_space<vmem>>
        %dma_start3A_44 = arith.constant 0 : i32
        %dma_start3A_45 = arith.constant 0 : i32
        %dma_start3A_46 = tpu.memref_slice %arg7[%dma_start3A_44, %dma_start3A_45] : memref<10112x128xf32, #tpu.memory_space<vmem_shared>> -> memref<10112x128xf32, #tpu.memory_space<vmem_shared>>
        tpu.enqueue_indirect_dma source(%arg5 : memref<80x128xf32, #tpu.memory_space<vmem>>) target(%dma_start3A_46 : memref<10112x128xf32, #tpu.memory_space<vmem_shared>>) offsets(%dma_start3A : memref<80xi32, #tpu.memory_space<vmem>>) semaphore(%run_scoped3A : memref<!tpu.dma_semaphore, #tpu.memory_space<semaphore_mem>>) {add = true}
        %dma_wait3A = tpu.memref_slice %arg4[%mul3A_43] : memref<10080xi32, #tpu.memory_space<vmem>> -> memref<80xi32, #tpu.memory_space<vmem>>
        %dma_wait3A_47 = arith.constant 0 : i32
        %dma_wait3A_48 = arith.constant 0 : i32
        %dma_wait3A_49 = tpu.memref_slice %arg7[%dma_wait3A_47, %dma_wait3A_48] : memref<10112x128xf32, #tpu.memory_space<vmem_shared>> -> memref<10112x128xf32, #tpu.memory_space<vmem_shared>>
        tpu.wait_indirect_dma semaphore(%run_scoped3A : memref<!tpu.dma_semaphore, #tpu.memory_space<semaphore_mem>>) src(%arg5 : memref<80x128xf32, #tpu.memory_space<vmem>>) dst(%dma_wait3A_49 : memref<10112x128xf32, #tpu.memory_space<vmem_shared>>)
        tpu.yield
      }) : () -> ()
    }
    %scan3A_37 = arith.constant 126 : i32
    %barrier3A_38 = arith.constant 0 : index
    tpu.barrier barrier_id(%barrier3A_38)
    %mul3A_39 = arith.constant 632 : i32
    %mul3A_40 = arith.muli %arg1, %mul3A_39 : i32
    "tpu.region"() ({
      %run_scoped3A = tpu.sem_alloc : memref<!tpu.dma_semaphore, #tpu.memory_space<semaphore_mem>>
      %dma_start3A = arith.constant 0 : i32
      %dma_start3A_41 = arith.constant 0 : i32
      %dma_start3A_42 = tpu.memref_slice %arg3[%arg0, %arg1, %dma_start3A, %dma_start3A_41] : memref<2x16x632x128xf32, #tpu.memory_space<hbm>> -> memref<1x1x632x128xf32, #tpu.memory_space<hbm>>
      %dma_start3A_43 = tpu.memref_squeeze %dma_start3A_42 : memref<1x1x632x128xf32, #tpu.memory_space<hbm>> -> memref<632x128xf32, #tpu.memory_space<hbm>>
      %dma_start3A_44 = arith.constant 0 : i32
      %dma_start3A_45 = tpu.memref_slice %arg7[%mul3A_40, %dma_start3A_44] : memref<10112x128xf32, #tpu.memory_space<vmem_shared>> -> memref<632x128xf32, #tpu.memory_space<vmem_shared>>
      tpu.enqueue_dma source(%dma_start3A_45 : memref<632x128xf32, #tpu.memory_space<vmem_shared>>) target(%dma_start3A_43 : memref<632x128xf32, #tpu.memory_space<hbm>>) target_semaphore(%run_scoped3A : memref<!tpu.dma_semaphore, #tpu.memory_space<semaphore_mem>>)
      %dma_wait3A = arith.constant 0 : i32
      %dma_wait3A_46 = arith.constant 0 : i32
      %dma_wait3A_47 = tpu.memref_slice %arg3[%arg0, %arg1, %dma_wait3A, %dma_wait3A_46] : memref<2x16x632x128xf32, #tpu.memory_space<hbm>> -> memref<1x1x632x128xf32, #tpu.memory_space<hbm>>
      %dma_wait3A_48 = tpu.memref_squeeze %dma_wait3A_47 : memref<1x1x632x128xf32, #tpu.memory_space<hbm>> -> memref<632x128xf32, #tpu.memory_space<hbm>>
      %dma_wait3A_49 = arith.constant 0 : i32
      %dma_wait3A_50 = tpu.memref_slice %arg7[%mul3A_40, %dma_wait3A_49] : memref<10112x128xf32, #tpu.memory_space<vmem_shared>> -> memref<632x128xf32, #tpu.memory_space<vmem_shared>>
      tpu.wait_dma2 semaphore(%run_scoped3A : memref<!tpu.dma_semaphore, #tpu.memory_space<semaphore_mem>>) src(%dma_wait3A_50 : memref<632x128xf32, #tpu.memory_space<vmem_shared>>) dst(%dma_wait3A_48 : memref<632x128xf32, #tpu.memory_space<hbm>>)
      tpu.yield
    }) : () -> ()
    return
  }
}

#map = affine_map<(d0, d1) -> (0, 0)>
#map1 = affine_map<(d0, d1) -> (0)>
#map2 = affine_map<(d0, d1) -> (0, 0, 0, 0)>
module attributes {stable_mosaic.version = 14 : i64} {
  func.func @agg_kernel(%arg0: i32, %arg1: i32, %arg2: memref<10112x128xf32, #tpu.memory_space<hbm>>, %arg3: memref<329920xi32, #tpu.memory_space<hbm>>, %arg4: memref<329920xi32, #tpu.memory_space<hbm>>, %arg5: memref<2x16x632x128xf32, #tpu.memory_space<hbm>>, %arg6: memref<13760xi32, #tpu.memory_space<vmem>>, %arg7: memref<13760xi32, #tpu.memory_space<vmem>>, %arg8: memref<80x128xf32, #tpu.memory_space<vmem>>, %arg9: memref<80x128xf32, #tpu.memory_space<vmem>>, %arg10: memref<!tpu.dma_semaphore, #tpu.memory_space<semaphore_mem>>, %arg11: memref<!tpu.dma_semaphore, #tpu.memory_space<semaphore_mem>>, %arg12: memref<10112x128xf32, #tpu.memory_space<vmem_shared>>) attributes {dimension_semantics = [#tpu.dimension_semantics<core_parallel>, #tpu.dimension_semantics<subcore_parallel>], iteration_bounds = array<i64: 2, 16>, scalar_prefetch = 0 : i64, scratch_operands = 7 : i64, tpu.core_type = #tpu.core_type<sc_vector_subcore>, window_params = [{transform_indices = #map}, {transform_indices = #map1}, {transform_indices = #map1}, {transform_indices = #map2}]} {
    %eq3A = arith.constant 0 : i32
    %eq3A_0 = arith.cmpi eq, %arg0, %eq3A : i32
    %mul3A = arith.constant 172 : i32
    %mul3A_1 = arith.muli %arg1, %mul3A : i32
    %mul3A_2 = arith.constant 80 : i32
    %mul3A_3 = arith.muli %arg1, %mul3A_2 : i32
    %add3A = arith.constant 2752 : i32
    %add3A_4 = arith.addi %add3A, %mul3A_3 : i32
    %select_n3A = arith.select %eq3A_0, %mul3A_1, %add3A_4 : i32
    %mul3A_5 = arith.constant 80 : i32
    %mul3A_6 = arith.muli %select_n3A, %mul3A_5 : i32
    %eq3A_7 = arith.constant 0 : i32
    %eq3A_8 = arith.cmpi eq, %arg0, %eq3A_7 : i32
    %jit3A = arith.constant 172 : i32
    %jit3A_9 = arith.constant 80 : i32
    %select_n3A_10 = arith.select %eq3A_8, %jit3A, %jit3A_9 : i32
    "tpu.region"() ({
      %run_scoped3A = tpu.sem_alloc : memref<!tpu.dma_semaphore, #tpu.memory_space<semaphore_mem>>
      %dma_start3A_75 = tpu.memref_slice %arg3[%mul3A_6] : memref<329920xi32, #tpu.memory_space<hbm>> -> memref<13760xi32, #tpu.memory_space<hbm>>
      %dma_start3A_76 = tpu.memref_slice %arg3[%mul3A_6] : memref<329920xi32, #tpu.memory_space<hbm>> -> memref<13760xi32, #tpu.memory_space<hbm>>
      tpu.enqueue_dma source(%dma_start3A_76 : memref<13760xi32, #tpu.memory_space<hbm>>) target(%arg6 : memref<13760xi32, #tpu.memory_space<vmem>>) target_semaphore(%run_scoped3A : memref<!tpu.dma_semaphore, #tpu.memory_space<semaphore_mem>>)
      %dma_wait3A_77 = tpu.memref_slice %arg3[%mul3A_6] : memref<329920xi32, #tpu.memory_space<hbm>> -> memref<13760xi32, #tpu.memory_space<hbm>>
      %dma_wait3A_78 = tpu.memref_slice %arg3[%mul3A_6] : memref<329920xi32, #tpu.memory_space<hbm>> -> memref<13760xi32, #tpu.memory_space<hbm>>
      tpu.wait_dma2 semaphore(%run_scoped3A : memref<!tpu.dma_semaphore, #tpu.memory_space<semaphore_mem>>) src(%dma_wait3A_78 : memref<13760xi32, #tpu.memory_space<hbm>>) dst(%arg6 : memref<13760xi32, #tpu.memory_space<vmem>>)
      tpu.yield
    }) : () -> ()
    "tpu.region"() ({
      %run_scoped3A = tpu.sem_alloc : memref<!tpu.dma_semaphore, #tpu.memory_space<semaphore_mem>>
      %dma_start3A_75 = tpu.memref_slice %arg4[%mul3A_6] : memref<329920xi32, #tpu.memory_space<hbm>> -> memref<13760xi32, #tpu.memory_space<hbm>>
      %dma_start3A_76 = tpu.memref_slice %arg4[%mul3A_6] : memref<329920xi32, #tpu.memory_space<hbm>> -> memref<13760xi32, #tpu.memory_space<hbm>>
      tpu.enqueue_dma source(%dma_start3A_76 : memref<13760xi32, #tpu.memory_space<hbm>>) target(%arg7 : memref<13760xi32, #tpu.memory_space<vmem>>) target_semaphore(%run_scoped3A : memref<!tpu.dma_semaphore, #tpu.memory_space<semaphore_mem>>)
      %dma_wait3A_77 = tpu.memref_slice %arg4[%mul3A_6] : memref<329920xi32, #tpu.memory_space<hbm>> -> memref<13760xi32, #tpu.memory_space<hbm>>
      %dma_wait3A_78 = tpu.memref_slice %arg4[%mul3A_6] : memref<329920xi32, #tpu.memory_space<hbm>> -> memref<13760xi32, #tpu.memory_space<hbm>>
      tpu.wait_dma2 semaphore(%run_scoped3A : memref<!tpu.dma_semaphore, #tpu.memory_space<semaphore_mem>>) src(%dma_wait3A_78 : memref<13760xi32, #tpu.memory_space<hbm>>) dst(%arg7 : memref<13760xi32, #tpu.memory_space<vmem>>)
      tpu.yield
    }) : () -> ()
    %scan3A = arith.constant 0 : i32
    %scan3A_11 = arith.constant 0 : i32
    %scan3A_12 = arith.constant 640 : i32
    %scan3A_13 = arith.addi %scan3A_11, %scan3A_12 : i32
    %scan3A_14 = arith.constant 1 : i32
    scf.for %scan3A_75 = %scan3A_11 to %scan3A_13 step %scan3A_14  : i32 {
      %jit3A_76 = arith.constant 8 : i32
      %div3A_77 = arith.divsi %scan3A_75, %jit3A_76 : i32
      %sign3A_78 = arith.constant 0 : i32
      %sign3A_79 = arith.cmpi sgt, %scan3A_75, %sign3A_78 : i32
      %sign3A_80 = arith.extui %sign3A_79 : i1 to i32
      %sign3A_81 = arith.constant 0 : i32
      %sign3A_82 = arith.cmpi slt, %scan3A_75, %sign3A_81 : i32
      %sign3A_83 = arith.extui %sign3A_82 : i1 to i32
      %sign3A_84 = arith.subi %sign3A_80, %sign3A_83 : i32
      %sign3A_85 = arith.constant 0 : i32
      %sign3A_86 = arith.cmpi sgt, %jit3A_76, %sign3A_85 : i32
      %sign3A_87 = arith.extui %sign3A_86 : i1 to i32
      %sign3A_88 = arith.constant 0 : i32
      %sign3A_89 = arith.cmpi slt, %jit3A_76, %sign3A_88 : i32
      %sign3A_90 = arith.extui %sign3A_89 : i1 to i32
      %sign3A_91 = arith.subi %sign3A_87, %sign3A_90 : i32
      %ne3A_92 = arith.cmpi ne, %sign3A_84, %sign3A_91 : i32
      %rem3A_93 = arith.remsi %scan3A_75, %jit3A_76 : i32
      %ne3A_94 = arith.constant 0 : i32
      %ne3A_95 = arith.cmpi ne, %rem3A_93, %ne3A_94 : i32
      %and3A_96 = arith.andi %ne3A_92, %ne3A_95 : i1
      %sub3A_97 = arith.constant 1 : i32
      %sub3A_98 = arith.subi %div3A_77, %sub3A_97 : i32
      %select_n3A_99 = arith.select %and3A_96, %sub3A_98, %div3A_77 : i32
      %jit3A_100 = arith.constant 8 : i32
      %eq3A_101 = arith.constant 0 : i32
      %eq3A_102 = arith.cmpi eq, %jit3A_100, %eq3A_101 : i32
      %jit3A_103 = arith.constant 1 : i32
      %select_n3A_104 = arith.select %eq3A_102, %jit3A_103, %jit3A_100 : i32
      %rem3A_105 = arith.remsi %scan3A_75, %select_n3A_104 : i32
      %ne3A_106 = arith.constant 0 : i32
      %ne3A_107 = arith.cmpi ne, %rem3A_105, %ne3A_106 : i32
      %lt3A = arith.constant 0 : i32
      %lt3A_108 = arith.cmpi slt, %rem3A_105, %lt3A : i32
      %lt3A_109 = arith.constant 0 : i32
      %lt3A_110 = arith.cmpi slt, %select_n3A_104, %lt3A_109 : i32
      %ne3A_111 = arith.xori %lt3A_108, %lt3A_110 : i1
      %and3A_112 = arith.andi %ne3A_111, %ne3A_107 : i1
      %add3A_113 = arith.addi %rem3A_105, %select_n3A_104 : i32
      %select_n3A_114 = arith.select %and3A_112, %add3A_113, %rem3A_105 : i32
      %broadcast_in_dim3A = arith.constant 0.000000e+00 : f32
      %broadcast_in_dim3A_115 = vector.broadcast %broadcast_in_dim3A : f32 to vector<16xf32>
      %mul3A_116 = arith.constant 16 : i32
      %mul3A_117 = arith.muli %select_n3A_114, %mul3A_116 : i32
      %swap3A = arith.index_cast %select_n3A_99 : i32 to index
      %swap3A_118 = arith.index_cast %mul3A_117 : i32 to index
      %swap3A_119 = tpu.vector_load %arg8[%swap3A, %swap3A_118] {strides = array<i32>} : memref<80x128xf32, #tpu.memory_space<vmem>>, vector<1x16xf32>,
      %swap3A_120 = vector.shape_cast %swap3A_119 : vector<1x16xf32> to vector<16xf32>
      %swap3A_121 = vector.shape_cast %broadcast_in_dim3A_115 : vector<16xf32> to vector<1x16xf32>
      tpu.vector_store %arg8[%swap3A, %swap3A_118], %swap3A_121 {strides = array<i32>} : memref<80x128xf32, #tpu.memory_space<vmem>>, vector<1x16xf32>,
    }
    %scan3A_15 = arith.constant 640 : i32
    %mul3A_16 = arith.constant 632 : i32
    %mul3A_17 = arith.muli %arg1, %mul3A_16 : i32
    %add3A_18 = arith.constant 0 : i32
    %add3A_19 = arith.addi %mul3A_17, %add3A_18 : i32
    "tpu.region"() ({
      %run_scoped3A = tpu.sem_alloc : memref<!tpu.dma_semaphore, #tpu.memory_space<semaphore_mem>>
      %dma_start3A_75 = arith.constant 0 : i32
      %dma_start3A_76 = tpu.memref_slice %arg12[%add3A_19, %dma_start3A_75] : memref<10112x128xf32, #tpu.memory_space<vmem_shared>> -> memref<80x128xf32, #tpu.memory_space<vmem_shared>>
      %dma_start3A_77 = arith.constant 0 : i32
      %dma_start3A_78 = tpu.memref_slice %arg12[%add3A_19, %dma_start3A_77] : memref<10112x128xf32, #tpu.memory_space<vmem_shared>> -> memref<80x128xf32, #tpu.memory_space<vmem_shared>>
      tpu.enqueue_dma source(%arg8 : memref<80x128xf32, #tpu.memory_space<vmem>>) target(%dma_start3A_78 : memref<80x128xf32, #tpu.memory_space<vmem_shared>>) target_semaphore(%run_scoped3A : memref<!tpu.dma_semaphore, #tpu.memory_space<semaphore_mem>>)
      %dma_wait3A_79 = arith.constant 0 : i32
      %dma_wait3A_80 = tpu.memref_slice %arg12[%add3A_19, %dma_wait3A_79] : memref<10112x128xf32, #tpu.memory_space<vmem_shared>> -> memref<80x128xf32, #tpu.memory_space<vmem_shared>>
      %dma_wait3A_81 = arith.constant 0 : i32
      %dma_wait3A_82 = tpu.memref_slice %arg12[%add3A_19, %dma_wait3A_81] : memref<10112x128xf32, #tpu.memory_space<vmem_shared>> -> memref<80x128xf32, #tpu.memory_space<vmem_shared>>
      tpu.wait_dma2 semaphore(%run_scoped3A : memref<!tpu.dma_semaphore, #tpu.memory_space<semaphore_mem>>) src(%arg8 : memref<80x128xf32, #tpu.memory_space<vmem>>) dst(%dma_wait3A_82 : memref<80x128xf32, #tpu.memory_space<vmem_shared>>)
      tpu.yield
    }) : () -> ()
    %add3A_20 = arith.constant 80 : i32
    %add3A_21 = arith.addi %mul3A_17, %add3A_20 : i32
    "tpu.region"() ({
      %run_scoped3A = tpu.sem_alloc : memref<!tpu.dma_semaphore, #tpu.memory_space<semaphore_mem>>
      %dma_start3A_75 = arith.constant 0 : i32
      %dma_start3A_76 = tpu.memref_slice %arg12[%add3A_21, %dma_start3A_75] : memref<10112x128xf32, #tpu.memory_space<vmem_shared>> -> memref<80x128xf32, #tpu.memory_space<vmem_shared>>
      %dma_start3A_77 = arith.constant 0 : i32
      %dma_start3A_78 = tpu.memref_slice %arg12[%add3A_21, %dma_start3A_77] : memref<10112x128xf32, #tpu.memory_space<vmem_shared>> -> memref<80x128xf32, #tpu.memory_space<vmem_shared>>
      tpu.enqueue_dma source(%arg8 : memref<80x128xf32, #tpu.memory_space<vmem>>) target(%dma_start3A_78 : memref<80x128xf32, #tpu.memory_space<vmem_shared>>) target_semaphore(%run_scoped3A : memref<!tpu.dma_semaphore, #tpu.memory_space<semaphore_mem>>)
      %dma_wait3A_79 = arith.constant 0 : i32
      %dma_wait3A_80 = tpu.memref_slice %arg12[%add3A_21, %dma_wait3A_79] : memref<10112x128xf32, #tpu.memory_space<vmem_shared>> -> memref<80x128xf32, #tpu.memory_space<vmem_shared>>
      %dma_wait3A_81 = arith.constant 0 : i32
      %dma_wait3A_82 = tpu.memref_slice %arg12[%add3A_21, %dma_wait3A_81] : memref<10112x128xf32, #tpu.memory_space<vmem_shared>> -> memref<80x128xf32, #tpu.memory_space<vmem_shared>>
      tpu.wait_dma2 semaphore(%run_scoped3A : memref<!tpu.dma_semaphore, #tpu.memory_space<semaphore_mem>>) src(%arg8 : memref<80x128xf32, #tpu.memory_space<vmem>>) dst(%dma_wait3A_82 : memref<80x128xf32, #tpu.memory_space<vmem_shared>>)
      tpu.yield
    }) : () -> ()
    %add3A_22 = arith.constant 160 : i32
    %add3A_23 = arith.addi %mul3A_17, %add3A_22 : i32
    "tpu.region"() ({
      %run_scoped3A = tpu.sem_alloc : memref<!tpu.dma_semaphore, #tpu.memory_space<semaphore_mem>>
      %dma_start3A_75 = arith.constant 0 : i32
      %dma_start3A_76 = tpu.memref_slice %arg12[%add3A_23, %dma_start3A_75] : memref<10112x128xf32, #tpu.memory_space<vmem_shared>> -> memref<80x128xf32, #tpu.memory_space<vmem_shared>>
      %dma_start3A_77 = arith.constant 0 : i32
      %dma_start3A_78 = tpu.memref_slice %arg12[%add3A_23, %dma_start3A_77] : memref<10112x128xf32, #tpu.memory_space<vmem_shared>> -> memref<80x128xf32, #tpu.memory_space<vmem_shared>>
      tpu.enqueue_dma source(%arg8 : memref<80x128xf32, #tpu.memory_space<vmem>>) target(%dma_start3A_78 : memref<80x128xf32, #tpu.memory_space<vmem_shared>>) target_semaphore(%run_scoped3A : memref<!tpu.dma_semaphore, #tpu.memory_space<semaphore_mem>>)
      %dma_wait3A_79 = arith.constant 0 : i32
      %dma_wait3A_80 = tpu.memref_slice %arg12[%add3A_23, %dma_wait3A_79] : memref<10112x128xf32, #tpu.memory_space<vmem_shared>> -> memref<80x128xf32, #tpu.memory_space<vmem_shared>>
      %dma_wait3A_81 = arith.constant 0 : i32
      %dma_wait3A_82 = tpu.memref_slice %arg12[%add3A_23, %dma_wait3A_81] : memref<10112x128xf32, #tpu.memory_space<vmem_shared>> -> memref<80x128xf32, #tpu.memory_space<vmem_shared>>
      tpu.wait_dma2 semaphore(%run_scoped3A : memref<!tpu.dma_semaphore, #tpu.memory_space<semaphore_mem>>) src(%arg8 : memref<80x128xf32, #tpu.memory_space<vmem>>) dst(%dma_wait3A_82 : memref<80x128xf32, #tpu.memory_space<vmem_shared>>)
      tpu.yield
    }) : () -> ()
    %add3A_24 = arith.constant 240 : i32
    %add3A_25 = arith.addi %mul3A_17, %add3A_24 : i32
    "tpu.region"() ({
      %run_scoped3A = tpu.sem_alloc : memref<!tpu.dma_semaphore, #tpu.memory_space<semaphore_mem>>
      %dma_start3A_75 = arith.constant 0 : i32
      %dma_start3A_76 = tpu.memref_slice %arg12[%add3A_25, %dma_start3A_75] : memref<10112x128xf32, #tpu.memory_space<vmem_shared>> -> memref<80x128xf32, #tpu.memory_space<vmem_shared>>
      %dma_start3A_77 = arith.constant 0 : i32
      %dma_start3A_78 = tpu.memref_slice %arg12[%add3A_25, %dma_start3A_77] : memref<10112x128xf32, #tpu.memory_space<vmem_shared>> -> memref<80x128xf32, #tpu.memory_space<vmem_shared>>
      tpu.enqueue_dma source(%arg8 : memref<80x128xf32, #tpu.memory_space<vmem>>) target(%dma_start3A_78 : memref<80x128xf32, #tpu.memory_space<vmem_shared>>) target_semaphore(%run_scoped3A : memref<!tpu.dma_semaphore, #tpu.memory_space<semaphore_mem>>)
      %dma_wait3A_79 = arith.constant 0 : i32
      %dma_wait3A_80 = tpu.memref_slice %arg12[%add3A_25, %dma_wait3A_79] : memref<10112x128xf32, #tpu.memory_space<vmem_shared>> -> memref<80x128xf32, #tpu.memory_space<vmem_shared>>
      %dma_wait3A_81 = arith.constant 0 : i32
      %dma_wait3A_82 = tpu.memref_slice %arg12[%add3A_25, %dma_wait3A_81] : memref<10112x128xf32, #tpu.memory_space<vmem_shared>> -> memref<80x128xf32, #tpu.memory_space<vmem_shared>>
      tpu.wait_dma2 semaphore(%run_scoped3A : memref<!tpu.dma_semaphore, #tpu.memory_space<semaphore_mem>>) src(%arg8 : memref<80x128xf32, #tpu.memory_space<vmem>>) dst(%dma_wait3A_82 : memref<80x128xf32, #tpu.memory_space<vmem_shared>>)
      tpu.yield
    }) : () -> ()
    %add3A_26 = arith.constant 320 : i32
    %add3A_27 = arith.addi %mul3A_17, %add3A_26 : i32
    "tpu.region"() ({
      %run_scoped3A = tpu.sem_alloc : memref<!tpu.dma_semaphore, #tpu.memory_space<semaphore_mem>>
      %dma_start3A_75 = arith.constant 0 : i32
      %dma_start3A_76 = tpu.memref_slice %arg12[%add3A_27, %dma_start3A_75] : memref<10112x128xf32, #tpu.memory_space<vmem_shared>> -> memref<80x128xf32, #tpu.memory_space<vmem_shared>>
      %dma_start3A_77 = arith.constant 0 : i32
      %dma_start3A_78 = tpu.memref_slice %arg12[%add3A_27, %dma_start3A_77] : memref<10112x128xf32, #tpu.memory_space<vmem_shared>> -> memref<80x128xf32, #tpu.memory_space<vmem_shared>>
      tpu.enqueue_dma source(%arg8 : memref<80x128xf32, #tpu.memory_space<vmem>>) target(%dma_start3A_78 : memref<80x128xf32, #tpu.memory_space<vmem_shared>>) target_semaphore(%run_scoped3A : memref<!tpu.dma_semaphore, #tpu.memory_space<semaphore_mem>>)
      %dma_wait3A_79 = arith.constant 0 : i32
      %dma_wait3A_80 = tpu.memref_slice %arg12[%add3A_27, %dma_wait3A_79] : memref<10112x128xf32, #tpu.memory_space<vmem_shared>> -> memref<80x128xf32, #tpu.memory_space<vmem_shared>>
      %dma_wait3A_81 = arith.constant 0 : i32
      %dma_wait3A_82 = tpu.memref_slice %arg12[%add3A_27, %dma_wait3A_81] : memref<10112x128xf32, #tpu.memory_space<vmem_shared>> -> memref<80x128xf32, #tpu.memory_space<vmem_shared>>
      tpu.wait_dma2 semaphore(%run_scoped3A : memref<!tpu.dma_semaphore, #tpu.memory_space<semaphore_mem>>) src(%arg8 : memref<80x128xf32, #tpu.memory_space<vmem>>) dst(%dma_wait3A_82 : memref<80x128xf32, #tpu.memory_space<vmem_shared>>)
      tpu.yield
    }) : () -> ()
    %add3A_28 = arith.constant 400 : i32
    %add3A_29 = arith.addi %mul3A_17, %add3A_28 : i32
    "tpu.region"() ({
      %run_scoped3A = tpu.sem_alloc : memref<!tpu.dma_semaphore, #tpu.memory_space<semaphore_mem>>
      %dma_start3A_75 = arith.constant 0 : i32
      %dma_start3A_76 = tpu.memref_slice %arg12[%add3A_29, %dma_start3A_75] : memref<10112x128xf32, #tpu.memory_space<vmem_shared>> -> memref<80x128xf32, #tpu.memory_space<vmem_shared>>
      %dma_start3A_77 = arith.constant 0 : i32
      %dma_start3A_78 = tpu.memref_slice %arg12[%add3A_29, %dma_start3A_77] : memref<10112x128xf32, #tpu.memory_space<vmem_shared>> -> memref<80x128xf32, #tpu.memory_space<vmem_shared>>
      tpu.enqueue_dma source(%arg8 : memref<80x128xf32, #tpu.memory_space<vmem>>) target(%dma_start3A_78 : memref<80x128xf32, #tpu.memory_space<vmem_shared>>) target_semaphore(%run_scoped3A : memref<!tpu.dma_semaphore, #tpu.memory_space<semaphore_mem>>)
      %dma_wait3A_79 = arith.constant 0 : i32
      %dma_wait3A_80 = tpu.memref_slice %arg12[%add3A_29, %dma_wait3A_79] : memref<10112x128xf32, #tpu.memory_space<vmem_shared>> -> memref<80x128xf32, #tpu.memory_space<vmem_shared>>
      %dma_wait3A_81 = arith.constant 0 : i32
      %dma_wait3A_82 = tpu.memref_slice %arg12[%add3A_29, %dma_wait3A_81] : memref<10112x128xf32, #tpu.memory_space<vmem_shared>> -> memref<80x128xf32, #tpu.memory_space<vmem_shared>>
      tpu.wait_dma2 semaphore(%run_scoped3A : memref<!tpu.dma_semaphore, #tpu.memory_space<semaphore_mem>>) src(%arg8 : memref<80x128xf32, #tpu.memory_space<vmem>>) dst(%dma_wait3A_82 : memref<80x128xf32, #tpu.memory_space<vmem_shared>>)
      tpu.yield
    }) : () -> ()
    %add3A_30 = arith.constant 480 : i32
    %add3A_31 = arith.addi %mul3A_17, %add3A_30 : i32
    "tpu.region"() ({
      %run_scoped3A = tpu.sem_alloc : memref<!tpu.dma_semaphore, #tpu.memory_space<semaphore_mem>>
      %dma_start3A_75 = arith.constant 0 : i32
      %dma_start3A_76 = tpu.memref_slice %arg12[%add3A_31, %dma_start3A_75] : memref<10112x128xf32, #tpu.memory_space<vmem_shared>> -> memref<80x128xf32, #tpu.memory_space<vmem_shared>>
      %dma_start3A_77 = arith.constant 0 : i32
      %dma_start3A_78 = tpu.memref_slice %arg12[%add3A_31, %dma_start3A_77] : memref<10112x128xf32, #tpu.memory_space<vmem_shared>> -> memref<80x128xf32, #tpu.memory_space<vmem_shared>>
      tpu.enqueue_dma source(%arg8 : memref<80x128xf32, #tpu.memory_space<vmem>>) target(%dma_start3A_78 : memref<80x128xf32, #tpu.memory_space<vmem_shared>>) target_semaphore(%run_scoped3A : memref<!tpu.dma_semaphore, #tpu.memory_space<semaphore_mem>>)
      %dma_wait3A_79 = arith.constant 0 : i32
      %dma_wait3A_80 = tpu.memref_slice %arg12[%add3A_31, %dma_wait3A_79] : memref<10112x128xf32, #tpu.memory_space<vmem_shared>> -> memref<80x128xf32, #tpu.memory_space<vmem_shared>>
      %dma_wait3A_81 = arith.constant 0 : i32
      %dma_wait3A_82 = tpu.memref_slice %arg12[%add3A_31, %dma_wait3A_81] : memref<10112x128xf32, #tpu.memory_space<vmem_shared>> -> memref<80x128xf32, #tpu.memory_space<vmem_shared>>
      tpu.wait_dma2 semaphore(%run_scoped3A : memref<!tpu.dma_semaphore, #tpu.memory_space<semaphore_mem>>) src(%arg8 : memref<80x128xf32, #tpu.memory_space<vmem>>) dst(%dma_wait3A_82 : memref<80x128xf32, #tpu.memory_space<vmem_shared>>)
      tpu.yield
    }) : () -> ()
    %add3A_32 = arith.constant 560 : i32
    %add3A_33 = arith.addi %mul3A_17, %add3A_32 : i32
    "tpu.region"() ({
      %run_scoped3A = tpu.sem_alloc : memref<!tpu.dma_semaphore, #tpu.memory_space<semaphore_mem>>
      %dma_start3A_75 = arith.constant 0 : i32
      %dma_start3A_76 = arith.constant 0 : i32
      %dma_start3A_77 = tpu.memref_slice %arg8[%dma_start3A_75, %dma_start3A_76] : memref<80x128xf32, #tpu.memory_space<vmem>> -> memref<72x128xf32, #tpu.memory_space<vmem>>
      %dma_start3A_78 = arith.constant 0 : i32
      %dma_start3A_79 = tpu.memref_slice %arg12[%add3A_33, %dma_start3A_78] : memref<10112x128xf32, #tpu.memory_space<vmem_shared>> -> memref<72x128xf32, #tpu.memory_space<vmem_shared>>
      %dma_start3A_80 = arith.constant 0 : i32
      %dma_start3A_81 = tpu.memref_slice %arg12[%add3A_33, %dma_start3A_80] : memref<10112x128xf32, #tpu.memory_space<vmem_shared>> -> memref<72x128xf32, #tpu.memory_space<vmem_shared>>
      %dma_start3A_82 = arith.constant 0 : i32
      %dma_start3A_83 = arith.constant 0 : i32
      %dma_start3A_84 = tpu.memref_slice %arg8[%dma_start3A_82, %dma_start3A_83] : memref<80x128xf32, #tpu.memory_space<vmem>> -> memref<72x128xf32, #tpu.memory_space<vmem>>
      tpu.enqueue_dma source(%dma_start3A_84 : memref<72x128xf32, #tpu.memory_space<vmem>>) target(%dma_start3A_81 : memref<72x128xf32, #tpu.memory_space<vmem_shared>>) target_semaphore(%run_scoped3A : memref<!tpu.dma_semaphore, #tpu.memory_space<semaphore_mem>>)
      %dma_wait3A_85 = arith.constant 0 : i32
      %dma_wait3A_86 = arith.constant 0 : i32
      %dma_wait3A_87 = tpu.memref_slice %arg8[%dma_wait3A_85, %dma_wait3A_86] : memref<80x128xf32, #tpu.memory_space<vmem>> -> memref<72x128xf32, #tpu.memory_space<vmem>>
      %dma_wait3A_88 = arith.constant 0 : i32
      %dma_wait3A_89 = tpu.memref_slice %arg12[%add3A_33, %dma_wait3A_88] : memref<10112x128xf32, #tpu.memory_space<vmem_shared>> -> memref<72x128xf32, #tpu.memory_space<vmem_shared>>
      %dma_wait3A_90 = arith.constant 0 : i32
      %dma_wait3A_91 = tpu.memref_slice %arg12[%add3A_33, %dma_wait3A_90] : memref<10112x128xf32, #tpu.memory_space<vmem_shared>> -> memref<72x128xf32, #tpu.memory_space<vmem_shared>>
      %dma_wait3A_92 = arith.constant 0 : i32
      %dma_wait3A_93 = arith.constant 0 : i32
      %dma_wait3A_94 = tpu.memref_slice %arg8[%dma_wait3A_92, %dma_wait3A_93] : memref<80x128xf32, #tpu.memory_space<vmem>> -> memref<72x128xf32, #tpu.memory_space<vmem>>
      tpu.wait_dma2 semaphore(%run_scoped3A : memref<!tpu.dma_semaphore, #tpu.memory_space<semaphore_mem>>) src(%dma_wait3A_94 : memref<72x128xf32, #tpu.memory_space<vmem>>) dst(%dma_wait3A_91 : memref<72x128xf32, #tpu.memory_space<vmem_shared>>)
      tpu.yield
    }) : () -> ()
    %barrier3A = arith.constant 0 : index
    tpu.barrier barrier_id(%barrier3A)
    %sub3A = arith.constant 1 : i32
    %sub3A_34 = arith.subi %select_n3A_10, %sub3A : i32
    %dma_start3A = arith.constant 0 : i32
    %dma_start3A_35 = tpu.memref_slice %arg6[%dma_start3A] : memref<13760xi32, #tpu.memory_space<vmem>> -> memref<80xi32, #tpu.memory_space<vmem>>
    %dma_start3A_36 = arith.constant 0 : i32
    %dma_start3A_37 = arith.constant 0 : i32
    %dma_start3A_38 = tpu.memref_slice %arg2[%dma_start3A_36, %dma_start3A_37] : memref<10112x128xf32, #tpu.memory_space<hbm>> -> memref<10112x128xf32, #tpu.memory_space<hbm>>
    tpu.enqueue_indirect_dma source(%dma_start3A_38 : memref<10112x128xf32, #tpu.memory_space<hbm>>) target(%arg8 : memref<80x128xf32, #tpu.memory_space<vmem>>) offsets(%dma_start3A_35 : memref<80xi32, #tpu.memory_space<vmem>>) semaphore(%arg10 : memref<!tpu.dma_semaphore, #tpu.memory_space<semaphore_mem>>)
    %jit3A_39 = arith.constant 2 : i32
    %div3A = arith.divsi %select_n3A_10, %jit3A_39 : i32
    %sign3A = arith.constant 0 : i32
    %sign3A_40 = arith.cmpi sgt, %select_n3A_10, %sign3A : i32
    %sign3A_41 = arith.extui %sign3A_40 : i1 to i32
    %sign3A_42 = arith.constant 0 : i32
    %sign3A_43 = arith.cmpi slt, %select_n3A_10, %sign3A_42 : i32
    %sign3A_44 = arith.extui %sign3A_43 : i1 to i32
    %sign3A_45 = arith.subi %sign3A_41, %sign3A_44 : i32
    %sign3A_46 = arith.constant 0 : i32
    %sign3A_47 = arith.cmpi sgt, %jit3A_39, %sign3A_46 : i32
    %sign3A_48 = arith.extui %sign3A_47 : i1 to i32
    %sign3A_49 = arith.constant 0 : i32
    %sign3A_50 = arith.cmpi slt, %jit3A_39, %sign3A_49 : i32
    %sign3A_51 = arith.extui %sign3A_50 : i1 to i32
    %sign3A_52 = arith.subi %sign3A_48, %sign3A_51 : i32
    %ne3A = arith.cmpi ne, %sign3A_45, %sign3A_52 : i32
    %rem3A = arith.remsi %select_n3A_10, %jit3A_39 : i32
    %ne3A_53 = arith.constant 0 : i32
    %ne3A_54 = arith.cmpi ne, %rem3A, %ne3A_53 : i32
    %and3A = arith.andi %ne3A, %ne3A_54 : i1
    %sub3A_55 = arith.constant 1 : i32
    %sub3A_56 = arith.subi %div3A, %sub3A_55 : i32
    %select_n3A_57 = arith.select %and3A, %sub3A_56, %div3A : i32
    %while3A = arith.constant 0 : i32
    %while3A_58 = arith.constant 0 : i32
    %while3A_59 = arith.subi %select_n3A_57, %while3A_58 : i32
    %while3A_60 = arith.addi %while3A_58, %while3A_59 : i32
    %while3A_61 = arith.constant 1 : i32
    %while3A_62 = arith.divsi %while3A_59, %while3A_61 : i32
    %while3A_63 = arith.muli %while3A_62, %while3A_61 : i32
    %while3A_64 = arith.addi %while3A_58, %while3A_63 : i32
    %while3A_65 = arith.constant 1 : i32
    scf.for %while3A_75 = %while3A_58 to %while3A_64 step %while3A_65  : i32 {
      %mul3A_76 = arith.constant 2 : i32
      %mul3A_77 = arith.muli %mul3A_76, %while3A_75 : i32
      %mul3A_78 = arith.constant 2 : i32
      %mul3A_79 = arith.muli %mul3A_78, %while3A_75 : i32
      %add3A_80 = arith.constant 1 : i32
      %add3A_81 = arith.addi %mul3A_79, %add3A_80 : i32
      %add3A_82 = arith.constant 2 : i32
      %add3A_83 = arith.addi %mul3A_77, %add3A_82 : i32
      %min3A = arith.minsi %add3A_83, %sub3A_34 : i32
      %mul3A_84 = arith.constant 80 : i32
      %mul3A_85 = arith.muli %add3A_81, %mul3A_84 : i32
      %dma_start3A_86 = tpu.memref_slice %arg6[%mul3A_85] : memref<13760xi32, #tpu.memory_space<vmem>> -> memref<80xi32, #tpu.memory_space<vmem>>
      %dma_start3A_87 = arith.constant 0 : i32
      %dma_start3A_88 = arith.constant 0 : i32
      %dma_start3A_89 = tpu.memref_slice %arg2[%dma_start3A_87, %dma_start3A_88] : memref<10112x128xf32, #tpu.memory_space<hbm>> -> memref<10112x128xf32, #tpu.memory_space<hbm>>
      tpu.enqueue_indirect_dma source(%dma_start3A_89 : memref<10112x128xf32, #tpu.memory_space<hbm>>) target(%arg9 : memref<80x128xf32, #tpu.memory_space<vmem>>) offsets(%dma_start3A_86 : memref<80xi32, #tpu.memory_space<vmem>>) semaphore(%arg11 : memref<!tpu.dma_semaphore, #tpu.memory_space<semaphore_mem>>)
      %mul3A_90 = arith.constant 80 : i32
      %mul3A_91 = arith.muli %mul3A_77, %mul3A_90 : i32
      %dma_wait3A_92 = tpu.memref_slice %arg6[%mul3A_91] : memref<13760xi32, #tpu.memory_space<vmem>> -> memref<80xi32, #tpu.memory_space<vmem>>
      %dma_wait3A_93 = arith.constant 0 : i32
      %dma_wait3A_94 = arith.constant 0 : i32
      %dma_wait3A_95 = tpu.memref_slice %arg2[%dma_wait3A_93, %dma_wait3A_94] : memref<10112x128xf32, #tpu.memory_space<hbm>> -> memref<10112x128xf32, #tpu.memory_space<hbm>>
      tpu.wait_indirect_dma semaphore(%arg10 : memref<!tpu.dma_semaphore, #tpu.memory_space<semaphore_mem>>) src(%dma_wait3A_95 : memref<10112x128xf32, #tpu.memory_space<hbm>>) dst(%arg8 : memref<80x128xf32, #tpu.memory_space<vmem>>)
      %mul3A_96 = arith.constant 80 : i32
      %mul3A_97 = arith.muli %mul3A_77, %mul3A_96 : i32
      "tpu.region"() ({
        %run_scoped3A = tpu.sem_alloc : memref<!tpu.dma_semaphore, #tpu.memory_space<semaphore_mem>>
        %dma_start3A_112 = tpu.memref_slice %arg7[%mul3A_97] : memref<13760xi32, #tpu.memory_space<vmem>> -> memref<80xi32, #tpu.memory_space<vmem>>
        %dma_start3A_113 = arith.constant 0 : i32
        %dma_start3A_114 = arith.constant 0 : i32
        %dma_start3A_115 = tpu.memref_slice %arg12[%dma_start3A_113, %dma_start3A_114] : memref<10112x128xf32, #tpu.memory_space<vmem_shared>> -> memref<10112x128xf32, #tpu.memory_space<vmem_shared>>
        tpu.enqueue_indirect_dma source(%arg8 : memref<80x128xf32, #tpu.memory_space<vmem>>) target(%dma_start3A_115 : memref<10112x128xf32, #tpu.memory_space<vmem_shared>>) offsets(%dma_start3A_112 : memref<80xi32, #tpu.memory_space<vmem>>) semaphore(%run_scoped3A : memref<!tpu.dma_semaphore, #tpu.memory_space<semaphore_mem>>) {add = true}
        %dma_wait3A_116 = tpu.memref_slice %arg7[%mul3A_97] : memref<13760xi32, #tpu.memory_space<vmem>> -> memref<80xi32, #tpu.memory_space<vmem>>
        %dma_wait3A_117 = arith.constant 0 : i32
        %dma_wait3A_118 = arith.constant 0 : i32
        %dma_wait3A_119 = tpu.memref_slice %arg12[%dma_wait3A_117, %dma_wait3A_118] : memref<10112x128xf32, #tpu.memory_space<vmem_shared>> -> memref<10112x128xf32, #tpu.memory_space<vmem_shared>>
        tpu.wait_indirect_dma semaphore(%run_scoped3A : memref<!tpu.dma_semaphore, #tpu.memory_space<semaphore_mem>>) src(%arg8 : memref<80x128xf32, #tpu.memory_space<vmem>>) dst(%dma_wait3A_119 : memref<10112x128xf32, #tpu.memory_space<vmem_shared>>)
        tpu.yield
      }) : () -> ()
      %mul3A_98 = arith.constant 80 : i32
      %mul3A_99 = arith.muli %min3A, %mul3A_98 : i32
      %dma_start3A_100 = tpu.memref_slice %arg6[%mul3A_99] : memref<13760xi32, #tpu.memory_space<vmem>> -> memref<80xi32, #tpu.memory_space<vmem>>
      %dma_start3A_101 = arith.constant 0 : i32
      %dma_start3A_102 = arith.constant 0 : i32
      %dma_start3A_103 = tpu.memref_slice %arg2[%dma_start3A_101, %dma_start3A_102] : memref<10112x128xf32, #tpu.memory_space<hbm>> -> memref<10112x128xf32, #tpu.memory_space<hbm>>
      tpu.enqueue_indirect_dma source(%dma_start3A_103 : memref<10112x128xf32, #tpu.memory_space<hbm>>) target(%arg8 : memref<80x128xf32, #tpu.memory_space<vmem>>) offsets(%dma_start3A_100 : memref<80xi32, #tpu.memory_space<vmem>>) semaphore(%arg10 : memref<!tpu.dma_semaphore, #tpu.memory_space<semaphore_mem>>)
      %mul3A_104 = arith.constant 80 : i32
      %mul3A_105 = arith.muli %add3A_81, %mul3A_104 : i32
      %dma_wait3A_106 = tpu.memref_slice %arg6[%mul3A_105] : memref<13760xi32, #tpu.memory_space<vmem>> -> memref<80xi32, #tpu.memory_space<vmem>>
      %dma_wait3A_107 = arith.constant 0 : i32
      %dma_wait3A_108 = arith.constant 0 : i32
      %dma_wait3A_109 = tpu.memref_slice %arg2[%dma_wait3A_107, %dma_wait3A_108] : memref<10112x128xf32, #tpu.memory_space<hbm>> -> memref<10112x128xf32, #tpu.memory_space<hbm>>
      tpu.wait_indirect_dma semaphore(%arg11 : memref<!tpu.dma_semaphore, #tpu.memory_space<semaphore_mem>>) src(%dma_wait3A_109 : memref<10112x128xf32, #tpu.memory_space<hbm>>) dst(%arg9 : memref<80x128xf32, #tpu.memory_space<vmem>>)
      %mul3A_110 = arith.constant 80 : i32
      %mul3A_111 = arith.muli %add3A_81, %mul3A_110 : i32
      "tpu.region"() ({
        %run_scoped3A = tpu.sem_alloc : memref<!tpu.dma_semaphore, #tpu.memory_space<semaphore_mem>>
        %dma_start3A_112 = tpu.memref_slice %arg7[%mul3A_111] : memref<13760xi32, #tpu.memory_space<vmem>> -> memref<80xi32, #tpu.memory_space<vmem>>
        %dma_start3A_113 = arith.constant 0 : i32
        %dma_start3A_114 = arith.constant 0 : i32
        %dma_start3A_115 = tpu.memref_slice %arg12[%dma_start3A_113, %dma_start3A_114] : memref<10112x128xf32, #tpu.memory_space<vmem_shared>> -> memref<10112x128xf32, #tpu.memory_space<vmem_shared>>
        tpu.enqueue_indirect_dma source(%arg9 : memref<80x128xf32, #tpu.memory_space<vmem>>) target(%dma_start3A_115 : memref<10112x128xf32, #tpu.memory_space<vmem_shared>>) offsets(%dma_start3A_112 : memref<80xi32, #tpu.memory_space<vmem>>) semaphore(%run_scoped3A : memref<!tpu.dma_semaphore, #tpu.memory_space<semaphore_mem>>) {add = true}
        %dma_wait3A_116 = tpu.memref_slice %arg7[%mul3A_111] : memref<13760xi32, #tpu.memory_space<vmem>> -> memref<80xi32, #tpu.memory_space<vmem>>
        %dma_wait3A_117 = arith.constant 0 : i32
        %dma_wait3A_118 = arith.constant 0 : i32
        %dma_wait3A_119 = tpu.memref_slice %arg12[%dma_wait3A_117, %dma_wait3A_118] : memref<10112x128xf32, #tpu.memory_space<vmem_shared>> -> memref<10112x128xf32, #tpu.memory_space<vmem_shared>>
        tpu.wait_indirect_dma semaphore(%run_scoped3A : memref<!tpu.dma_semaphore, #tpu.memory_space<semaphore_mem>>) src(%arg9 : memref<80x128xf32, #tpu.memory_space<vmem>>) dst(%dma_wait3A_119 : memref<10112x128xf32, #tpu.memory_space<vmem_shared>>)
        tpu.yield
      }) : () -> ()
    }
    %while3A_66 = arith.constant 1 : i32
    scf.for %while3A_75 = %while3A_64 to %while3A_60 step %while3A_66  : i32 {
      %mul3A_76 = arith.constant 2 : i32
      %mul3A_77 = arith.muli %mul3A_76, %while3A_75 : i32
      %mul3A_78 = arith.constant 2 : i32
      %mul3A_79 = arith.muli %mul3A_78, %while3A_75 : i32
      %add3A_80 = arith.constant 1 : i32
      %add3A_81 = arith.addi %mul3A_79, %add3A_80 : i32
      %add3A_82 = arith.constant 2 : i32
      %add3A_83 = arith.addi %mul3A_77, %add3A_82 : i32
      %min3A = arith.minsi %add3A_83, %sub3A_34 : i32
      %mul3A_84 = arith.constant 80 : i32
      %mul3A_85 = arith.muli %add3A_81, %mul3A_84 : i32
      %dma_start3A_86 = tpu.memref_slice %arg6[%mul3A_85] : memref<13760xi32, #tpu.memory_space<vmem>> -> memref<80xi32, #tpu.memory_space<vmem>>
      %dma_start3A_87 = arith.constant 0 : i32
      %dma_start3A_88 = arith.constant 0 : i32
      %dma_start3A_89 = tpu.memref_slice %arg2[%dma_start3A_87, %dma_start3A_88] : memref<10112x128xf32, #tpu.memory_space<hbm>> -> memref<10112x128xf32, #tpu.memory_space<hbm>>
      tpu.enqueue_indirect_dma source(%dma_start3A_89 : memref<10112x128xf32, #tpu.memory_space<hbm>>) target(%arg9 : memref<80x128xf32, #tpu.memory_space<vmem>>) offsets(%dma_start3A_86 : memref<80xi32, #tpu.memory_space<vmem>>) semaphore(%arg11 : memref<!tpu.dma_semaphore, #tpu.memory_space<semaphore_mem>>)
      %mul3A_90 = arith.constant 80 : i32
      %mul3A_91 = arith.muli %mul3A_77, %mul3A_90 : i32
      %dma_wait3A_92 = tpu.memref_slice %arg6[%mul3A_91] : memref<13760xi32, #tpu.memory_space<vmem>> -> memref<80xi32, #tpu.memory_space<vmem>>
      %dma_wait3A_93 = arith.constant 0 : i32
      %dma_wait3A_94 = arith.constant 0 : i32
      %dma_wait3A_95 = tpu.memref_slice %arg2[%dma_wait3A_93, %dma_wait3A_94] : memref<10112x128xf32, #tpu.memory_space<hbm>> -> memref<10112x128xf32, #tpu.memory_space<hbm>>
      tpu.wait_indirect_dma semaphore(%arg10 : memref<!tpu.dma_semaphore, #tpu.memory_space<semaphore_mem>>) src(%dma_wait3A_95 : memref<10112x128xf32, #tpu.memory_space<hbm>>) dst(%arg8 : memref<80x128xf32, #tpu.memory_space<vmem>>)
      %mul3A_96 = arith.constant 80 : i32
      %mul3A_97 = arith.muli %mul3A_77, %mul3A_96 : i32
      "tpu.region"() ({
        %run_scoped3A = tpu.sem_alloc : memref<!tpu.dma_semaphore, #tpu.memory_space<semaphore_mem>>
        %dma_start3A_112 = tpu.memref_slice %arg7[%mul3A_97] : memref<13760xi32, #tpu.memory_space<vmem>> -> memref<80xi32, #tpu.memory_space<vmem>>
        %dma_start3A_113 = arith.constant 0 : i32
        %dma_start3A_114 = arith.constant 0 : i32
        %dma_start3A_115 = tpu.memref_slice %arg12[%dma_start3A_113, %dma_start3A_114] : memref<10112x128xf32, #tpu.memory_space<vmem_shared>> -> memref<10112x128xf32, #tpu.memory_space<vmem_shared>>
        tpu.enqueue_indirect_dma source(%arg8 : memref<80x128xf32, #tpu.memory_space<vmem>>) target(%dma_start3A_115 : memref<10112x128xf32, #tpu.memory_space<vmem_shared>>) offsets(%dma_start3A_112 : memref<80xi32, #tpu.memory_space<vmem>>) semaphore(%run_scoped3A : memref<!tpu.dma_semaphore, #tpu.memory_space<semaphore_mem>>) {add = true}
        %dma_wait3A_116 = tpu.memref_slice %arg7[%mul3A_97] : memref<13760xi32, #tpu.memory_space<vmem>> -> memref<80xi32, #tpu.memory_space<vmem>>
        %dma_wait3A_117 = arith.constant 0 : i32
        %dma_wait3A_118 = arith.constant 0 : i32
        %dma_wait3A_119 = tpu.memref_slice %arg12[%dma_wait3A_117, %dma_wait3A_118] : memref<10112x128xf32, #tpu.memory_space<vmem_shared>> -> memref<10112x128xf32, #tpu.memory_space<vmem_shared>>
        tpu.wait_indirect_dma semaphore(%run_scoped3A : memref<!tpu.dma_semaphore, #tpu.memory_space<semaphore_mem>>) src(%arg8 : memref<80x128xf32, #tpu.memory_space<vmem>>) dst(%dma_wait3A_119 : memref<10112x128xf32, #tpu.memory_space<vmem_shared>>)
        tpu.yield
      }) : () -> ()
      %mul3A_98 = arith.constant 80 : i32
      %mul3A_99 = arith.muli %min3A, %mul3A_98 : i32
      %dma_start3A_100 = tpu.memref_slice %arg6[%mul3A_99] : memref<13760xi32, #tpu.memory_space<vmem>> -> memref<80xi32, #tpu.memory_space<vmem>>
      %dma_start3A_101 = arith.constant 0 : i32
      %dma_start3A_102 = arith.constant 0 : i32
      %dma_start3A_103 = tpu.memref_slice %arg2[%dma_start3A_101, %dma_start3A_102] : memref<10112x128xf32, #tpu.memory_space<hbm>> -> memref<10112x128xf32, #tpu.memory_space<hbm>>
      tpu.enqueue_indirect_dma source(%dma_start3A_103 : memref<10112x128xf32, #tpu.memory_space<hbm>>) target(%arg8 : memref<80x128xf32, #tpu.memory_space<vmem>>) offsets(%dma_start3A_100 : memref<80xi32, #tpu.memory_space<vmem>>) semaphore(%arg10 : memref<!tpu.dma_semaphore, #tpu.memory_space<semaphore_mem>>)
      %mul3A_104 = arith.constant 80 : i32
      %mul3A_105 = arith.muli %add3A_81, %mul3A_104 : i32
      %dma_wait3A_106 = tpu.memref_slice %arg6[%mul3A_105] : memref<13760xi32, #tpu.memory_space<vmem>> -> memref<80xi32, #tpu.memory_space<vmem>>
      %dma_wait3A_107 = arith.constant 0 : i32
      %dma_wait3A_108 = arith.constant 0 : i32
      %dma_wait3A_109 = tpu.memref_slice %arg2[%dma_wait3A_107, %dma_wait3A_108] : memref<10112x128xf32, #tpu.memory_space<hbm>> -> memref<10112x128xf32, #tpu.memory_space<hbm>>
      tpu.wait_indirect_dma semaphore(%arg11 : memref<!tpu.dma_semaphore, #tpu.memory_space<semaphore_mem>>) src(%dma_wait3A_109 : memref<10112x128xf32, #tpu.memory_space<hbm>>) dst(%arg9 : memref<80x128xf32, #tpu.memory_space<vmem>>)
      %mul3A_110 = arith.constant 80 : i32
      %mul3A_111 = arith.muli %add3A_81, %mul3A_110 : i32
      "tpu.region"() ({
        %run_scoped3A = tpu.sem_alloc : memref<!tpu.dma_semaphore, #tpu.memory_space<semaphore_mem>>
        %dma_start3A_112 = tpu.memref_slice %arg7[%mul3A_111] : memref<13760xi32, #tpu.memory_space<vmem>> -> memref<80xi32, #tpu.memory_space<vmem>>
        %dma_start3A_113 = arith.constant 0 : i32
        %dma_start3A_114 = arith.constant 0 : i32
        %dma_start3A_115 = tpu.memref_slice %arg12[%dma_start3A_113, %dma_start3A_114] : memref<10112x128xf32, #tpu.memory_space<vmem_shared>> -> memref<10112x128xf32, #tpu.memory_space<vmem_shared>>
        tpu.enqueue_indirect_dma source(%arg9 : memref<80x128xf32, #tpu.memory_space<vmem>>) target(%dma_start3A_115 : memref<10112x128xf32, #tpu.memory_space<vmem_shared>>) offsets(%dma_start3A_112 : memref<80xi32, #tpu.memory_space<vmem>>) semaphore(%run_scoped3A : memref<!tpu.dma_semaphore, #tpu.memory_space<semaphore_mem>>) {add = true}
        %dma_wait3A_116 = tpu.memref_slice %arg7[%mul3A_111] : memref<13760xi32, #tpu.memory_space<vmem>> -> memref<80xi32, #tpu.memory_space<vmem>>
        %dma_wait3A_117 = arith.constant 0 : i32
        %dma_wait3A_118 = arith.constant 0 : i32
        %dma_wait3A_119 = tpu.memref_slice %arg12[%dma_wait3A_117, %dma_wait3A_118] : memref<10112x128xf32, #tpu.memory_space<vmem_shared>> -> memref<10112x128xf32, #tpu.memory_space<vmem_shared>>
        tpu.wait_indirect_dma semaphore(%run_scoped3A : memref<!tpu.dma_semaphore, #tpu.memory_space<semaphore_mem>>) src(%arg9 : memref<80x128xf32, #tpu.memory_space<vmem>>) dst(%dma_wait3A_119 : memref<10112x128xf32, #tpu.memory_space<vmem_shared>>)
        tpu.yield
      }) : () -> ()
    }
    %mul3A_67 = arith.constant 80 : i32
    %mul3A_68 = arith.muli %sub3A_34, %mul3A_67 : i32
    %dma_wait3A = tpu.memref_slice %arg6[%mul3A_68] : memref<13760xi32, #tpu.memory_space<vmem>> -> memref<80xi32, #tpu.memory_space<vmem>>
    %dma_wait3A_69 = arith.constant 0 : i32
    %dma_wait3A_70 = arith.constant 0 : i32
    %dma_wait3A_71 = tpu.memref_slice %arg2[%dma_wait3A_69, %dma_wait3A_70] : memref<10112x128xf32, #tpu.memory_space<hbm>> -> memref<10112x128xf32, #tpu.memory_space<hbm>>
    tpu.wait_indirect_dma semaphore(%arg10 : memref<!tpu.dma_semaphore, #tpu.memory_space<semaphore_mem>>) src(%dma_wait3A_71 : memref<10112x128xf32, #tpu.memory_space<hbm>>) dst(%arg8 : memref<80x128xf32, #tpu.memory_space<vmem>>)
    %barrier3A_72 = arith.constant 0 : index
    tpu.barrier barrier_id(%barrier3A_72)
    %mul3A_73 = arith.constant 632 : i32
    %mul3A_74 = arith.muli %arg1, %mul3A_73 : i32
    "tpu.region"() ({
      %run_scoped3A = tpu.sem_alloc : memref<!tpu.dma_semaphore, #tpu.memory_space<semaphore_mem>>
      %dma_start3A_75 = arith.constant 0 : i32
      %dma_start3A_76 = arith.constant 0 : i32
      %dma_start3A_77 = tpu.memref_slice %arg5[%arg0, %arg1, %dma_start3A_75, %dma_start3A_76] : memref<2x16x632x128xf32, #tpu.memory_space<hbm>> -> memref<1x1x632x128xf32, #tpu.memory_space<hbm>>
      %dma_start3A_78 = tpu.memref_squeeze %dma_start3A_77 : memref<1x1x632x128xf32, #tpu.memory_space<hbm>> -> memref<632x128xf32, #tpu.memory_space<hbm>>
      %dma_start3A_79 = arith.constant 0 : i32
      %dma_start3A_80 = tpu.memref_slice %arg12[%mul3A_74, %dma_start3A_79] : memref<10112x128xf32, #tpu.memory_space<vmem_shared>> -> memref<632x128xf32, #tpu.memory_space<vmem_shared>>
      tpu.enqueue_dma source(%dma_start3A_80 : memref<632x128xf32, #tpu.memory_space<vmem_shared>>) target(%dma_start3A_78 : memref<632x128xf32, #tpu.memory_space<hbm>>) target_semaphore(%run_scoped3A : memref<!tpu.dma_semaphore, #tpu.memory_space<semaphore_mem>>)
      %dma_wait3A_81 = arith.constant 0 : i32
      %dma_wait3A_82 = arith.constant 0 : i32
      %dma_wait3A_83 = tpu.memref_slice %arg5[%arg0, %arg1, %dma_wait3A_81, %dma_wait3A_82] : memref<2x16x632x128xf32, #tpu.memory_space<hbm>> -> memref<1x1x632x128xf32, #tpu.memory_space<hbm>>
      %dma_wait3A_84 = tpu.memref_squeeze %dma_wait3A_83 : memref<1x1x632x128xf32, #tpu.memory_space<hbm>> -> memref<632x128xf32, #tpu.memory_space<hbm>>
      %dma_wait3A_85 = arith.constant 0 : i32
      %dma_wait3A_86 = tpu.memref_slice %arg12[%mul3A_74, %dma_wait3A_85] : memref<10112x128xf32, #tpu.memory_space<vmem_shared>> -> memref<632x128xf32, #tpu.memory_space<vmem_shared>>
      tpu.wait_dma2 semaphore(%run_scoped3A : memref<!tpu.dma_semaphore, #tpu.memory_space<semaphore_mem>>) src(%dma_wait3A_86 : memref<632x128xf32, #tpu.memory_space<vmem_shared>>) dst(%dma_wait3A_84 : memref<632x128xf32, #tpu.memory_space<hbm>>)
      tpu.yield
    }) : () -> ()
    return
  }
}

module attributes {stable_mosaic.version = 14 : i64} {
  func.func @body(%arg0: i32, %arg1: memref<1264x128xf32, #tpu.memory_space<vmem>>, %arg2: memref<128x128xf32, #tpu.memory_space<vmem>>, %arg3: memref<1264x128xf32, #tpu.memory_space<vmem>>, %arg4: memref<1264x128xf32, #tpu.memory_space<vmem>>, %arg5: memref<1264x128xf32, #tpu.memory_space<vmem>>, %arg6: memref<1264x1xf32, #tpu.memory_space<vmem>>) attributes {dimension_semantics = [#tpu.dimension_semantics<arbitrary>], iteration_bounds = array<i64: 8>, scalar_prefetch = 0 : i64, scratch_operands = 0 : i64, tpu.core_type = #tpu.core_type<tc>, window_params = [{transform_indices = @transform_0, window_bounds = array<i64: 1264, 128>}, {pipeline_mode = #tpu.pipeline_mode<synchronous>, transform_indices = @transform_1, window_bounds = array<i64: 128, 128>}, {transform_indices = @transform_2, window_bounds = array<i64: 1264, 128>}, {transform_indices = @transform_3, window_bounds = array<i64: 1264, 128>}, {transform_indices = @transform_4, window_bounds = array<i64: 1264, 128>}, {transform_indices = @transform_5, window_bounds = array<i64: 1264, 1>}]} {
    %get3A = arith.constant 0 : index
    %get3A_0 = arith.constant 0 : index
    %get3A_1 = vector.load %arg3[%get3A, %get3A_0] : memref<1264x128xf32, #tpu.memory_space<vmem>>, vector<1264x1xf32>
    %get3A_2 = arith.constant 0 : index
    %get3A_3 = arith.constant 0 : index
    %get3A_4 = vector.load %arg4[%get3A_2, %get3A_3] : memref<1264x128xf32, #tpu.memory_space<vmem>>, vector<1264x1xf32>
    %add3A = arith.addf %get3A_1, %get3A_4 : vector<1264x1xf32>
    %add3A_5 = arith.constant 1.000000e+00 : f32
    %add3A_6 = vector.broadcast %add3A_5 : f32 to vector<1264x1xf32>
    %add3A_7 = arith.addf %add3A, %add3A_6 : vector<1264x1xf32>
    %rsqrt3A = math.rsqrt %add3A_7 : vector<1264x1xf32>
    %get3A_8 = arith.constant 0 : index
    %get3A_9 = arith.constant 0 : index
    %get3A_10 = vector.load %arg1[%get3A_8, %get3A_9] : memref<1264x128xf32, #tpu.memory_space<vmem>>, vector<1264x128xf32>
    %get3A_11 = arith.constant 0 : index
    %get3A_12 = arith.constant 0 : index
    %get3A_13 = vector.load %arg2[%get3A_11, %get3A_12] : memref<128x128xf32, #tpu.memory_space<vmem>>, vector<128x128xf32>
    %dot_general3A = arith.constant dense<0.000000e+00> : vector<1264x128xf32>
    %dot_general3A_14 = tpu.matmul %get3A_10, %get3A_13, %dot_general3A {dimension_numbers = #tpu.dot_dimension_numbers<[1], [0], [0], [1], [0, 0, 1, 1], [], []>, transpose_lhs_hint = false} : vector<1264x128xf32>, vector<128x128xf32>, vector<1264x128xf32> -> vector<1264x128xf32>
    %mul3A = vector.broadcast %rsqrt3A : vector<1264x1xf32> to vector<1264x128xf32>
    %mul3A_15 = arith.mulf %dot_general3A_14, %mul3A : vector<1264x128xf32>
    %swap3A = arith.constant 0 : index
    %swap3A_16 = arith.constant 0 : index
    %swap3A_17 = vector.load %arg5[%swap3A, %swap3A_16] : memref<1264x128xf32, #tpu.memory_space<vmem>>, vector<1264x128xf32>
    tpu.vector_store %arg5[%swap3A, %swap3A_16], %mul3A_15 {strides = array<i32>} : memref<1264x128xf32, #tpu.memory_space<vmem>>, vector<1264x128xf32>,
    %swap3A_18 = arith.constant 0 : index
    %swap3A_19 = arith.constant 0 : index
    %swap3A_20 = vector.load %arg6[%swap3A_18, %swap3A_19] : memref<1264x1xf32, #tpu.memory_space<vmem>>, vector<1264x1xf32>
    tpu.vector_store %arg6[%swap3A_18, %swap3A_19], %rsqrt3A {strides = array<i32>} : memref<1264x1xf32, #tpu.memory_space<vmem>>, vector<1264x1xf32>,
    return
  }
  func.func @transform_0(%arg0: i32) -> (i32, i32) {
    %c0_i32 = arith.constant 0 : i32
    %c0_i32_0 = arith.constant 0 : i32
    return %arg0, %c0_i32 : i32, i32
  }
  func.func @transform_1(%arg0: i32) -> (i32, i32) {
    %c0_i32 = arith.constant 0 : i32
    %c0_i32_0 = arith.constant 0 : i32
    %c0_i32_1 = arith.constant 0 : i32
    return %c0_i32, %c0_i32_0 : i32, i32
  }
  func.func @transform_2(%arg0: i32) -> (i32, i32) {
    %c0_i32 = arith.constant 0 : i32
    %c0_i32_0 = arith.constant 0 : i32
    return %arg0, %c0_i32 : i32, i32
  }
  func.func @transform_3(%arg0: i32) -> (i32, i32) {
    %c0_i32 = arith.constant 0 : i32
    %c0_i32_0 = arith.constant 0 : i32
    return %arg0, %c0_i32 : i32, i32
  }
  func.func @transform_4(%arg0: i32) -> (i32, i32) {
    %c0_i32 = arith.constant 0 : i32
    %c0_i32_0 = arith.constant 0 : i32
    return %arg0, %c0_i32 : i32, i32
  }
  func.func @transform_5(%arg0: i32) -> (i32, i32) {
    %c0_i32 = arith.constant 0 : i32
    %c0_i32_0 = arith.constant 0 : i32
    return %arg0, %c0_i32 : i32, i32
  }
}

module attributes {stable_mosaic.version = 14 : i64} {
  func.func @body(%arg0: i32, %arg1: memref<1264x128xf32, #tpu.memory_space<vmem>>, %arg2: memref<1264x128xf32, #tpu.memory_space<vmem>>, %arg3: memref<1264x128xf32, #tpu.memory_space<vmem>>, %arg4: memref<1264x1xf32, #tpu.memory_space<vmem>>, %arg5: memref<1x128xf32, #tpu.memory_space<vmem>>, %arg6: memref<128x128xf32, #tpu.memory_space<vmem>>, %arg7: memref<1264x128xf32, #tpu.memory_space<vmem>>) attributes {dimension_semantics = [#tpu.dimension_semantics<arbitrary>], iteration_bounds = array<i64: 8>, scalar_prefetch = 0 : i64, scratch_operands = 0 : i64, tpu.core_type = #tpu.core_type<tc>, window_params = [{transform_indices = @transform_0, window_bounds = array<i64: 1264, 128>}, {transform_indices = @transform_1, window_bounds = array<i64: 1264, 128>}, {transform_indices = @transform_2, window_bounds = array<i64: 1264, 128>}, {transform_indices = @transform_3, window_bounds = array<i64: 1264, 1>}, {pipeline_mode = #tpu.pipeline_mode<synchronous>, transform_indices = @transform_4, window_bounds = array<i64: 1, 128>}, {pipeline_mode = #tpu.pipeline_mode<synchronous>, transform_indices = @transform_5, window_bounds = array<i64: 128, 128>}, {transform_indices = @transform_6, window_bounds = array<i64: 1264, 128>}]} {
    %get3A = arith.constant 0 : index
    %get3A_0 = arith.constant 0 : index
    %get3A_1 = vector.load %arg1[%get3A, %get3A_0] : memref<1264x128xf32, #tpu.memory_space<vmem>>, vector<1264x128xf32>
    %get3A_2 = arith.constant 0 : index
    %get3A_3 = arith.constant 0 : index
    %get3A_4 = vector.load %arg2[%get3A_2, %get3A_3] : memref<1264x128xf32, #tpu.memory_space<vmem>>, vector<1264x128xf32>
    %add3A = arith.addf %get3A_1, %get3A_4 : vector<1264x128xf32>
    %get3A_5 = arith.constant 0 : index
    %get3A_6 = arith.constant 0 : index
    %get3A_7 = vector.load %arg3[%get3A_5, %get3A_6] : memref<1264x128xf32, #tpu.memory_space<vmem>>, vector<1264x128xf32>
    %add3A_8 = arith.addf %add3A, %get3A_7 : vector<1264x128xf32>
    %get3A_9 = arith.constant 0 : index
    %get3A_10 = arith.constant 0 : index
    %get3A_11 = vector.load %arg4[%get3A_9, %get3A_10] : memref<1264x1xf32, #tpu.memory_space<vmem>>, vector<1264x1xf32>
    %mul3A = vector.broadcast %get3A_11 : vector<1264x1xf32> to vector<1264x128xf32>
    %mul3A_12 = arith.mulf %add3A_8, %mul3A : vector<1264x128xf32>
    %get3A_13 = arith.constant 0 : index
    %get3A_14 = arith.constant 0 : index
    %get3A_15 = vector.load %arg5[%get3A_13, %get3A_14] : memref<1x128xf32, #tpu.memory_space<vmem>>, vector<1x128xf32>
    %add3A_16 = vector.broadcast %get3A_15 : vector<1x128xf32> to vector<1264x128xf32>
    %add3A_17 = arith.addf %mul3A_12, %add3A_16 : vector<1264x128xf32>
    %max3A = arith.constant 0.000000e+00 : f32
    %max3A_18 = vector.broadcast %max3A : f32 to vector<1264x128xf32>
    %max3A_19 = arith.maximumf %add3A_17, %max3A_18 : vector<1264x128xf32>
    %get3A_20 = arith.constant 0 : index
    %get3A_21 = arith.constant 0 : index
    %get3A_22 = vector.load %arg6[%get3A_20, %get3A_21] : memref<128x128xf32, #tpu.memory_space<vmem>>, vector<128x128xf32>
    %dot_general3A = arith.constant dense<0.000000e+00> : vector<1264x128xf32>
    %dot_general3A_23 = tpu.matmul %max3A_19, %get3A_22, %dot_general3A {dimension_numbers = #tpu.dot_dimension_numbers<[1], [0], [0], [1], [0, 0, 1, 1], [], []>, transpose_lhs_hint = false} : vector<1264x128xf32>, vector<128x128xf32>, vector<1264x128xf32> -> vector<1264x128xf32>
    %get3A_24 = arith.constant 0 : index
    %get3A_25 = arith.constant 0 : index
    %get3A_26 = vector.load %arg4[%get3A_24, %get3A_25] : memref<1264x1xf32, #tpu.memory_space<vmem>>, vector<1264x1xf32>
    %mul3A_27 = vector.broadcast %get3A_26 : vector<1264x1xf32> to vector<1264x128xf32>
    %mul3A_28 = arith.mulf %dot_general3A_23, %mul3A_27 : vector<1264x128xf32>
    %swap3A = arith.constant 0 : index
    %swap3A_29 = arith.constant 0 : index
    %swap3A_30 = vector.load %arg7[%swap3A, %swap3A_29] : memref<1264x128xf32, #tpu.memory_space<vmem>>, vector<1264x128xf32>
    tpu.vector_store %arg7[%swap3A, %swap3A_29], %mul3A_28 {strides = array<i32>} : memref<1264x128xf32, #tpu.memory_space<vmem>>, vector<1264x128xf32>,
    return
  }
  func.func @transform_0(%arg0: i32) -> (i32, i32) {
    %c0_i32 = arith.constant 0 : i32
    %c0_i32_0 = arith.constant 0 : i32
    return %arg0, %c0_i32 : i32, i32
  }
  func.func @transform_1(%arg0: i32) -> (i32, i32) {
    %c0_i32 = arith.constant 0 : i32
    %c0_i32_0 = arith.constant 0 : i32
    return %arg0, %c0_i32 : i32, i32
  }
  func.func @transform_2(%arg0: i32) -> (i32, i32) {
    %c0_i32 = arith.constant 0 : i32
    %c0_i32_0 = arith.constant 0 : i32
    return %arg0, %c0_i32 : i32, i32
  }
  func.func @transform_3(%arg0: i32) -> (i32, i32) {
    %c0_i32 = arith.constant 0 : i32
    %c0_i32_0 = arith.constant 0 : i32
    return %arg0, %c0_i32 : i32, i32
  }
  func.func @transform_4(%arg0: i32) -> (i32, i32) {
    %c0_i32 = arith.constant 0 : i32
    %c0_i32_0 = arith.constant 0 : i32
    %c0_i32_1 = arith.constant 0 : i32
    return %c0_i32, %c0_i32_0 : i32, i32
  }
  func.func @transform_5(%arg0: i32) -> (i32, i32) {
    %c0_i32 = arith.constant 0 : i32
    %c0_i32_0 = arith.constant 0 : i32
    %c0_i32_1 = arith.constant 0 : i32
    return %c0_i32, %c0_i32_0 : i32, i32
  }
  func.func @transform_6(%arg0: i32) -> (i32, i32) {
    %c0_i32 = arith.constant 0 : i32
    %c0_i32_0 = arith.constant 0 : i32
    return %arg0, %c0_i32 : i32, i32
  }
}

module attributes {stable_mosaic.version = 14 : i64} {
  func.func @body(%arg0: i32, %arg1: memref<1264x128xf32, #tpu.memory_space<vmem>>, %arg2: memref<1264x128xf32, #tpu.memory_space<vmem>>, %arg3: memref<1264x128xf32, #tpu.memory_space<vmem>>, %arg4: memref<1264x1xf32, #tpu.memory_space<vmem>>, %arg5: memref<1x128xf32, #tpu.memory_space<vmem>>, %arg6: memref<1264x128xf32, #tpu.memory_space<vmem>>) attributes {dimension_semantics = [#tpu.dimension_semantics<arbitrary>], iteration_bounds = array<i64: 8>, scalar_prefetch = 0 : i64, scratch_operands = 0 : i64, tpu.core_type = #tpu.core_type<tc>, window_params = [{transform_indices = @transform_0, window_bounds = array<i64: 1264, 128>}, {transform_indices = @transform_1, window_bounds = array<i64: 1264, 128>}, {transform_indices = @transform_2, window_bounds = array<i64: 1264, 128>}, {transform_indices = @transform_3, window_bounds = array<i64: 1264, 1>}, {pipeline_mode = #tpu.pipeline_mode<synchronous>, transform_indices = @transform_4, window_bounds = array<i64: 1, 128>}, {transform_indices = @transform_5, window_bounds = array<i64: 1264, 128>}]} {
    %get3A = arith.constant 0 : index
    %get3A_0 = arith.constant 0 : index
    %get3A_1 = vector.load %arg1[%get3A, %get3A_0] : memref<1264x128xf32, #tpu.memory_space<vmem>>, vector<1264x128xf32>
    %get3A_2 = arith.constant 0 : index
    %get3A_3 = arith.constant 0 : index
    %get3A_4 = vector.load %arg2[%get3A_2, %get3A_3] : memref<1264x128xf32, #tpu.memory_space<vmem>>, vector<1264x128xf32>
    %add3A = arith.addf %get3A_1, %get3A_4 : vector<1264x128xf32>
    %get3A_5 = arith.constant 0 : index
    %get3A_6 = arith.constant 0 : index
    %get3A_7 = vector.load %arg3[%get3A_5, %get3A_6] : memref<1264x128xf32, #tpu.memory_space<vmem>>, vector<1264x128xf32>
    %add3A_8 = arith.addf %add3A, %get3A_7 : vector<1264x128xf32>
    %get3A_9 = arith.constant 0 : index
    %get3A_10 = arith.constant 0 : index
    %get3A_11 = vector.load %arg4[%get3A_9, %get3A_10] : memref<1264x1xf32, #tpu.memory_space<vmem>>, vector<1264x1xf32>
    %mul3A = vector.broadcast %get3A_11 : vector<1264x1xf32> to vector<1264x128xf32>
    %mul3A_12 = arith.mulf %add3A_8, %mul3A : vector<1264x128xf32>
    %get3A_13 = arith.constant 0 : index
    %get3A_14 = arith.constant 0 : index
    %get3A_15 = vector.load %arg5[%get3A_13, %get3A_14] : memref<1x128xf32, #tpu.memory_space<vmem>>, vector<1x128xf32>
    %add3A_16 = vector.broadcast %get3A_15 : vector<1x128xf32> to vector<1264x128xf32>
    %add3A_17 = arith.addf %mul3A_12, %add3A_16 : vector<1264x128xf32>
    %max3A = arith.constant 0.000000e+00 : f32
    %max3A_18 = vector.broadcast %max3A : f32 to vector<1264x128xf32>
    %max3A_19 = arith.maximumf %add3A_17, %max3A_18 : vector<1264x128xf32>
    %get3A_20 = arith.constant 0 : index
    %get3A_21 = arith.constant 0 : index
    %get3A_22 = vector.load %arg4[%get3A_20, %get3A_21] : memref<1264x1xf32, #tpu.memory_space<vmem>>, vector<1264x1xf32>
    %mul3A_23 = vector.broadcast %get3A_22 : vector<1264x1xf32> to vector<1264x128xf32>
    %mul3A_24 = arith.mulf %max3A_19, %mul3A_23 : vector<1264x128xf32>
    %swap3A = arith.constant 0 : index
    %swap3A_25 = arith.constant 0 : index
    %swap3A_26 = vector.load %arg6[%swap3A, %swap3A_25] : memref<1264x128xf32, #tpu.memory_space<vmem>>, vector<1264x128xf32>
    tpu.vector_store %arg6[%swap3A, %swap3A_25], %mul3A_24 {strides = array<i32>} : memref<1264x128xf32, #tpu.memory_space<vmem>>, vector<1264x128xf32>,
    return
  }
  func.func @transform_0(%arg0: i32) -> (i32, i32) {
    %c0_i32 = arith.constant 0 : i32
    %c0_i32_0 = arith.constant 0 : i32
    return %arg0, %c0_i32 : i32, i32
  }
  func.func @transform_1(%arg0: i32) -> (i32, i32) {
    %c0_i32 = arith.constant 0 : i32
    %c0_i32_0 = arith.constant 0 : i32
    return %arg0, %c0_i32 : i32, i32
  }
  func.func @transform_2(%arg0: i32) -> (i32, i32) {
    %c0_i32 = arith.constant 0 : i32
    %c0_i32_0 = arith.constant 0 : i32
    return %arg0, %c0_i32 : i32, i32
  }
  func.func @transform_3(%arg0: i32) -> (i32, i32) {
    %c0_i32 = arith.constant 0 : i32
    %c0_i32_0 = arith.constant 0 : i32
    return %arg0, %c0_i32 : i32, i32
  }
  func.func @transform_4(%arg0: i32) -> (i32, i32) {
    %c0_i32 = arith.constant 0 : i32
    %c0_i32_0 = arith.constant 0 : i32
    %c0_i32_1 = arith.constant 0 : i32
    return %c0_i32, %c0_i32_0 : i32, i32
  }
  func.func @transform_5(%arg0: i32) -> (i32, i32) {
    %c0_i32 = arith.constant 0 : i32
    %c0_i32_0 = arith.constant 0 : i32
    return %arg0, %c0_i32 : i32, i32
  }
}

module attributes {stable_mosaic.version = 14 : i64} {
  func.func @body(%arg0: i32, %arg1: memref<1264x128xf32, #tpu.memory_space<vmem>>, %arg2: memref<1264x128xf32, #tpu.memory_space<vmem>>, %arg3: memref<1264x128xf32, #tpu.memory_space<vmem>>, %arg4: memref<1264x1xf32, #tpu.memory_space<vmem>>, %arg5: memref<128x64xf32, #tpu.memory_space<vmem>>, %arg6: memref<1x64xf32, #tpu.memory_space<vmem>>, %arg7: memref<1264x64xf32, #tpu.memory_space<vmem>>) attributes {dimension_semantics = [#tpu.dimension_semantics<arbitrary>], iteration_bounds = array<i64: 8>, scalar_prefetch = 0 : i64, scratch_operands = 0 : i64, tpu.core_type = #tpu.core_type<tc>, window_params = [{transform_indices = @transform_0, window_bounds = array<i64: 1264, 128>}, {transform_indices = @transform_1, window_bounds = array<i64: 1264, 128>}, {transform_indices = @transform_2, window_bounds = array<i64: 1264, 128>}, {transform_indices = @transform_3, window_bounds = array<i64: 1264, 1>}, {pipeline_mode = #tpu.pipeline_mode<synchronous>, transform_indices = @transform_4, window_bounds = array<i64: 128, 64>}, {pipeline_mode = #tpu.pipeline_mode<synchronous>, transform_indices = @transform_5, window_bounds = array<i64: 1, 64>}, {transform_indices = @transform_6, window_bounds = array<i64: 1264, 64>}]} {
    %get3A = arith.constant 0 : index
    %get3A_0 = arith.constant 0 : index
    %get3A_1 = vector.load %arg1[%get3A, %get3A_0] : memref<1264x128xf32, #tpu.memory_space<vmem>>, vector<1264x128xf32>
    %get3A_2 = arith.constant 0 : index
    %get3A_3 = arith.constant 0 : index
    %get3A_4 = vector.load %arg2[%get3A_2, %get3A_3] : memref<1264x128xf32, #tpu.memory_space<vmem>>, vector<1264x128xf32>
    %add3A = arith.addf %get3A_1, %get3A_4 : vector<1264x128xf32>
    %get3A_5 = arith.constant 0 : index
    %get3A_6 = arith.constant 0 : index
    %get3A_7 = vector.load %arg3[%get3A_5, %get3A_6] : memref<1264x128xf32, #tpu.memory_space<vmem>>, vector<1264x128xf32>
    %add3A_8 = arith.addf %add3A, %get3A_7 : vector<1264x128xf32>
    %get3A_9 = arith.constant 0 : index
    %get3A_10 = arith.constant 0 : index
    %get3A_11 = vector.load %arg4[%get3A_9, %get3A_10] : memref<1264x1xf32, #tpu.memory_space<vmem>>, vector<1264x1xf32>
    %mul3A = vector.broadcast %get3A_11 : vector<1264x1xf32> to vector<1264x128xf32>
    %mul3A_12 = arith.mulf %add3A_8, %mul3A : vector<1264x128xf32>
    %get3A_13 = arith.constant 0 : index
    %get3A_14 = arith.constant 0 : index
    %get3A_15 = vector.load %arg5[%get3A_13, %get3A_14] : memref<128x64xf32, #tpu.memory_space<vmem>>, vector<128x64xf32>
    %dot_general3A = arith.constant dense<0.000000e+00> : vector<1264x64xf32>
    %dot_general3A_16 = tpu.matmul %mul3A_12, %get3A_15, %dot_general3A {dimension_numbers = #tpu.dot_dimension_numbers<[1], [0], [0], [1], [0, 0, 1, 1], [], []>, transpose_lhs_hint = false} : vector<1264x128xf32>, vector<128x64xf32>, vector<1264x64xf32> -> vector<1264x64xf32>
    %get3A_17 = arith.constant 0 : index
    %get3A_18 = arith.constant 0 : index
    %get3A_19 = vector.load %arg6[%get3A_17, %get3A_18] : memref<1x64xf32, #tpu.memory_space<vmem>>, vector<1x64xf32>
    %add3A_20 = vector.broadcast %get3A_19 : vector<1x64xf32> to vector<1264x64xf32>
    %add3A_21 = arith.addf %dot_general3A_16, %add3A_20 : vector<1264x64xf32>
    %reduce_max3A = arith.constant dense<0xFF800000> : vector<1264xf32>
    %reduce_max3A_22 = vector.multi_reduction <maximumf>, %add3A_21, %reduce_max3A [1] : vector<1264x64xf32> to vector<1264xf32>
    %broadcast_in_dim3A = vector.shape_cast %reduce_max3A_22 : vector<1264xf32> to vector<1264x1xf32>
    %sub3A = vector.broadcast %broadcast_in_dim3A : vector<1264x1xf32> to vector<1264x64xf32>
    %sub3A_23 = arith.subf %add3A_21, %sub3A : vector<1264x64xf32>
    %exp3A = math.exp %sub3A_23 : vector<1264x64xf32>
    %reduce_sum3A = arith.constant dense<0.000000e+00> : vector<1264xf32>
    %reduce_sum3A_24 = vector.multi_reduction <add>, %exp3A, %reduce_sum3A [1] : vector<1264x64xf32> to vector<1264xf32>
    %broadcast_in_dim3A_25 = vector.shape_cast %reduce_sum3A_24 : vector<1264xf32> to vector<1264x1xf32>
    %sub3A_26 = vector.broadcast %broadcast_in_dim3A : vector<1264x1xf32> to vector<1264x64xf32>
    %sub3A_27 = arith.subf %add3A_21, %sub3A_26 : vector<1264x64xf32>
    %log3A = math.log %broadcast_in_dim3A_25 : vector<1264x1xf32>
    %sub3A_28 = vector.broadcast %log3A : vector<1264x1xf32> to vector<1264x64xf32>
    %sub3A_29 = arith.subf %sub3A_27, %sub3A_28 : vector<1264x64xf32>
    %swap3A = arith.constant 0 : index
    %swap3A_30 = arith.constant 0 : index
    %swap3A_31 = vector.load %arg7[%swap3A, %swap3A_30] : memref<1264x64xf32, #tpu.memory_space<vmem>>, vector<1264x64xf32>
    tpu.vector_store %arg7[%swap3A, %swap3A_30], %sub3A_29 {strides = array<i32>} : memref<1264x64xf32, #tpu.memory_space<vmem>>, vector<1264x64xf32>,
    return
  }
  func.func @transform_0(%arg0: i32) -> (i32, i32) {
    %c0_i32 = arith.constant 0 : i32
    %c0_i32_0 = arith.constant 0 : i32
    return %arg0, %c0_i32 : i32, i32
  }
  func.func @transform_1(%arg0: i32) -> (i32, i32) {
    %c0_i32 = arith.constant 0 : i32
    %c0_i32_0 = arith.constant 0 : i32
    return %arg0, %c0_i32 : i32, i32
  }
  func.func @transform_2(%arg0: i32) -> (i32, i32) {
    %c0_i32 = arith.constant 0 : i32
    %c0_i32_0 = arith.constant 0 : i32
    return %arg0, %c0_i32 : i32, i32
  }
  func.func @transform_3(%arg0: i32) -> (i32, i32) {
    %c0_i32 = arith.constant 0 : i32
    %c0_i32_0 = arith.constant 0 : i32
    return %arg0, %c0_i32 : i32, i32
  }
  func.func @transform_4(%arg0: i32) -> (i32, i32) {
    %c0_i32 = arith.constant 0 : i32
    %c0_i32_0 = arith.constant 0 : i32
    %c0_i32_1 = arith.constant 0 : i32
    return %c0_i32, %c0_i32_0 : i32, i32
  }
  func.func @transform_5(%arg0: i32) -> (i32, i32) {
    %c0_i32 = arith.constant 0 : i32
    %c0_i32_0 = arith.constant 0 : i32
    %c0_i32_1 = arith.constant 0 : i32
    return %c0_i32, %c0_i32_0 : i32, i32
  }
  func.func @transform_6(%arg0: i32) -> (i32, i32) {
    %c0_i32 = arith.constant 0 : i32
    %c0_i32_0 = arith.constant 0 : i32
    return %arg0, %c0_i32 : i32, i32
  }
}

</mosaic_0001>

<sc_bundles>
// kernel: kernel.10.cloned.1.call-start
scs
__scs_entry_jumppad:
0x0: {  	(pc) =	sbr.rel $0x88, $3  }
0x1: {  	(tag) =	ssettag $0x0;
	lr =	simm.s32 $0x1  }
0x2: {  	[smem:$0x3F99] =	sst lr;
	_ =	strace $0xD0000000  }
0x3: {  	_ = 	snop  }
0x4: {  	_ = 	snop  }
0x5: {  	_ = 	snop  }
0x6: {  	_ = 	snop  }
0x7: {  	_ = 	snop  }
__scs_overlays_trampoline_lowered:
0x8: {  	[smem:$0x3FA8] =	sst s0  }
0x9: {  	[smem:$0x3FA9] =	sst s1  }
0xa: {  	[smem:$0x3FAA] =	sst s2  }
0xb: {  	[smem:$0x3FAB] =	sst s3  }
0xc: {  	[smem:$0x3FAC] =	sst s4  }
0xd: {  	[smem:$0x3FAD] =	sst s5  }
0xe: {  	[smem:$0x3FAE] =	sst s6  }
0xf: {  	[smem:$0x3FAF] =	sst s7  }
0x10: {  	[smem:$0x3FB0] =	sst s8  }
0x11: {  	[smem:$0x3FB1] =	sst s9;
	s0 =	simm.s32 @!p0 $0x0  }
0x12: {  	s1 =	sld [smem:$0x3F97];
	s0 =	simm.s32 @p0 $0x1  }
0x13: {  	[smem:$0x3FB2] =	sst s0;
	s0 =	simm.s32 @!p1 $0x0  }
0x14: {  	s2 =	sld [smem:$0x3F96];
	s0 =	simm.s32 @p1 $0x1  }
0x15: {  	[smem:$0x3FB3] =	sst s0;
	s0 =	simm.s32 @!p2 $0x0  }
0x16: {  	s3 =	sld [smem:$0x3FDB];
	s0 =	simm.s32 @p2 $0x1  }
0x17: {  	s4 =	simm.s32 $0x1BF5;
	[smem:$0x3FB5] =	sst s0  }
0x18: {  	s0 =	sld [smem:$0x3F98];
	_ =	swait.ge [sflag:s4], $0x0  }
0x19: {  	s7 =	sld [smem:$0x3F99]  }
0x1a: {  	s8 =	sadd.s32 $0xFFFFE003, lr  }
0x1b: {  	s9 =	sadd.s32 $0xFFFFFEF7, lr;
	s5 =	simm.s32 $0xFFFFFFFF;
	p2 =	slt.u32 s8, $0xFFFFF086  }
0x1c: {  	p1 =	slt.u32 s9, $0xF7A;
	s5 =	simm.s32 @!p2 $0x0  }
0x1d: {  	s5 =	simm.s32 @p1 $0x1;
	p0 =	seq.s32 s7, s2  }
0x1e: {  	s7 =	smul.u32 @!p0 $0xF7A, s2;
	p2 =	seq.s32 @!p0 s5, $0x0  }
0x1f: {  	s9 =	smul.u32 $0xF7A, s1;
	s8 =	simm.s32 @!p0 $0x1BF5;
	p2 =	por !p2, p0  }
0x20: {  	[sflag:s8] =	ssyncset.s32 @!p0 $0xFFFFF086;
	s6 =	sadd.s32 @!p0 s3, s7;
	s7 =	simm.s32 @!p0 $0x108  }
0x21: {  	s3 =	sadd.s32 s3, s9;
	s6 =	sadd.s32 @!p0 $0x88, s6;
	s7 =	simm.s32 @p2 $0x1082  }
0x22: {  	[simem:s7], [sflag:s8] =	dma.local @!p0 [hbm:s6], $0xF7A  }
0x23: {  	s9 =	sor.u32 $0xD0000000, s2;
	s6 =	simm.s32 $0x108;
	_ =	swait.ge @!p0 [sflag:s8], $0x0  }
0x24: {  	s3 =	sadd.s32 $0x88, s3;
	s6 =	simm.s32 @!p1 $0x1082;
	[sflag:s4] =	ssyncset.s32 $0xFFFFF086  }
0x25: {  	[simem:s6], [sflag:s4] =	dma.local [hbm:s3], $0xF7A  }
0x26: {  	[smem:$0x3F99] =	sst s1;
	(tag) =	ssettag s2;
	_ =	strace s9  }
0x27: {  	s1 =	sld [smem:$0x3FA9]  }
0x28: {  	s2 =	sld [smem:$0x3FAA]  }
0x29: {  	s4 =	sld [smem:$0x3FAC]  }
0x2a: {  	p0 =	seq.s32 s5, $0x0;
	s5 =	sld [smem:$0x3FAD]  }
0x2b: {  	s6 =	sld [smem:$0x3FAE]  }
0x2c: {  	s7 =	sld [smem:$0x3FAF]  }
0x2d: {  	s3 =	simm.s32 $0x108;
	s8 =	sld [smem:$0x3FB0]  }
0x2e: {  	s3 =	simm.s32 @!p0 $0x1082;
	s9 =	sld [smem:$0x3FB1]  }
0x2f: {  	lr =	sadd.s32 s0, s3;
	s0 =	sld [smem:$0x3FA8]  }
0x30: {  	s3 =	sld [smem:$0x3FAB]  }
0x31: {  	[smem:$0x3FB4] =	sst s10  }
0x32: {  	s10 =	sld [smem:$0x3FB2];
	_ =	sdelay $0x3  }
0x33: {  	p0 =	seq.s32 s10, $0x1;
	s10 =	sld [smem:$0x3FB4];
	_ =	sdelay $0x3  }
0x34: {  	[smem:$0x3FB4] =	sst s10  }
0x35: {  	s10 =	sld [smem:$0x3FB3];
	_ =	sdelay $0x3  }
0x36: {  	p1 =	seq.s32 s10, $0x1;
	s10 =	sld [smem:$0x3FB4];
	_ =	sdelay $0x3  }
0x37: {  	[smem:$0x3FB4] =	sst s10  }
0x38: {  	s10 =	sld [smem:$0x3FB5]  }
0x39: {  	_ = 	snop;
	(pc) =	sbr.ind lr, $3  }
0x3a: {  	_ = 	snop  }
0x3b: {  	_ = 	snop  }
0x3c: {  	p2 =	seq.s32 s10, $0x1;
	s10 =	sld [smem:$0x3FB4]  }
0x3d: {  	_ =	shalt  }
0x3e: {  	_ =	shalt  }
0x3f: {  	_ =	shalt  }
0x40: {  	_ =	shalt  }
0x41: {  	_ =	shalt  }
0x42: {  	_ =	shalt  }
0x43: {  	_ =	shalt  }
0x44: {  	_ =	shalt  }
0x45: {  	_ =	shalt  }
0x46: {  	_ =	shalt  }
0x47: {  	_ =	shalt  }
0x48: {  	_ =	shalt  }
0x49: {  	_ =	shalt  }
0x4a: {  	_ =	shalt  }
0x4b: {  	_ =	shalt  }
0x4c: {  	_ =	shalt  }
0x4d: {  	_ =	shalt  }
0x4e: {  	_ =	shalt  }
0x4f: {  	_ =	shalt  }
0x50: {  	_ =	shalt  }
0x51: {  	_ =	shalt  }
0x52: {  	_ =	shalt  }
0x53: {  	_ =	shalt  }
0x54: {  	_ =	shalt  }
0x55: {  	_ =	shalt  }
0x56: {  	_ =	shalt  }
0x57: {  	_ =	shalt  }
0x58: {  	_ =	shalt  }
0x59: {  	_ =	shalt  }
0x5a: {  	_ =	shalt  }
0x5b: {  	_ =	shalt  }
0x5c: {  	_ =	shalt  }
0x5d: {  	_ =	shalt  }
0x5e: {  	_ =	shalt  }
0x5f: {  	_ =	shalt  }
0x60: {  	_ =	shalt  }
0x61: {  	_ =	shalt  }
0x62: {  	_ =	shalt  }
0x63: {  	_ =	shalt  }
0x64: {  	_ =	shalt  }
0x65: {  	_ =	shalt  }
0x66: {  	_ =	shalt  }
0x67: {  	_ =	shalt  }
0x68: {  	_ =	shalt  }
0x69: {  	_ =	shalt  }
0x6a: {  	_ =	shalt  }
0x6b: {  	_ =	shalt  }
0x6c: {  	_ =	shalt  }
0x6d: {  	_ =	shalt  }
0x6e: {  	_ =	shalt  }
0x6f: {  	_ =	shalt  }
0x70: {  	_ =	shalt  }
0x71: {  	_ =	shalt  }
0x72: {  	_ =	shalt  }
0x73: {  	_ =	shalt  }
0x74: {  	_ =	shalt  }
0x75: {  	_ =	shalt  }
0x76: {  	_ =	shalt  }
0x77: {  	_ =	shalt  }
0x78: {  	_ =	shalt  }
0x79: {  	_ =	shalt  }
0x7a: {  	_ =	shalt  }
0x7b: {  	_ =	shalt  }
0x7c: {  	_ =	shalt  }
0x7d: {  	_ =	shalt  }
0x7e: {  	_ =	shalt  }
0x7f: {  	_ =	shalt  }
0x80: {  	_ =	shalt  }
0x81: {  	_ =	shalt  }
0x82: {  	_ =	shalt  }
0x83: {  	_ =	shalt  }
0x84: {  	_ =	shalt  }
0x85: {  	_ =	shalt  }
0x86: {  	_ =	shalt  }
0x87: {  	_ =	shalt  }
.Lfunc_end0:
.L_simem_size_0:
called_computation_lowered:
.L_overlay_start_0:
0x88: {  	s2 =	sld [smem:$0x3FD9]  }
0x89: {  	s3 =	sld [smem:$0x3FFE];
	_ =	sdelay $0x1  }
0x8a: {  	s1 =	srdreg.scid  }
0x8b: {  	s0 =	sand.u32 $0x1, s1  }
0x8c: {  	s17 =	sshll.u32 s0, $0xA;
	s2 =	sadd.s32 s3, s2  }
0x8d: {  	s2 =	sadd.s32 s2, s17  }
0x8e: {  	[smem:$0x3FC0] =	sst s2  }
0x8f: {  	_ = 	snop  }
0x90: {  	s2 =	sld [smem:$0x3FD0];
	(tm) =	ssettm $0x1  }
0x91: {  	s18 =	sld [smem:$0x3FFB];
	_ =	sdelay $0x3  }
0x92: {  	_ =	strace s18  }
0x93: {  	s3 =	sld [smem:$0x3FFC];
	_ =	sdelay $0x3  }
0x94: {  	_ =	strace s3  }
0x95: {  	s3 =	sld [smem:$0x3FFD];
	_ =	sdelay $0x3  }
0x96: {  	_ =	strace s3  }
0x97: {  	_ =	strace $0x8FFFFFFF  }
0x98: {  	s19 =	sld [smem:$0x3FDB];
	_ =	sdelay $0x1  }
0x99: {  	s4 =	simm.s32 $_scs_section_size  }
0x9a: {  	s5 =	simm.s32 $_size__tile_overlayer_lowered;
	s6 =	simm.s32 $_tile_overlayer_lowered  }
0x9b: {  	s22 =	simm.s32 $0x1BFF;
	s21 =	sshll.u32 s6, $0x1;
	s3 =	sadd.s32 s4, s19  }
0x9c: {  	s7 =	simm.s32 $0x0;
	s20 =	sshll.u32 s5, $0x1;
	s5 =	sadd.s32 s21, s3  }
0x9d: {  	[timem:s7], [sflag:s22] =	dma.local [hbm:s5], s20  }
0x9e: {  	_ =	swait.ge [sflag:s22], s20  }
0x9f: {  	s4 =	ssub.s32 $0x0, s20;
	[sflag:s22] =	ssyncset.done $0x0  }
0xa0: {  	[sflag:s22] =	ssyncadd.s32 s4;
	_ =	sdelay $0x1  }
0xa1: {  	s23 =	simm.s32 $0x1B8B  }
0xa2: {  	_ =	swait.ge [sflag:s23], $0x1  }
0xa3: {  	[sflag:s23] =	ssyncset.done $0x0  }
0xa4: {  	s25 =	simm.s32 $0x1B8E;
	s24 =	sld [smem:$0x3FFE];
	[sflag:s23] =	ssyncadd.s32 $0xFFFFFFFF  }
0xa5: {  	s26 =	simm.s32 $execute0_lowered;
	[smem:$0x3FD2] =	sst s25  }
0xa6: {  	s5 =	sshll.u32 s26, $0x1;
	_ =	strace $0x80000046;
	[dreg:$0x1] =	wrdreg $0xFFFFFFFF  }
0xa7: {  	s28 =	simm.s32 $_size_execute0_lowered;
	s3 =	sadd.s32 s3, s5;
	[dreg:$0x0] =	wrdreg $0x0  }
0xa8: {  	s5 =	sshll.u32 s28, $0x1;
	[dreg:$0x2] =	wrdreg s3  }
0xa9: {  	[dreg:$0x3] =	wrdreg s5  }
0xaa: {  	[dreg:$0x4] =	wrdreg $0xC0  }
0xab: {  	_ =	task [dreg:s7], $0x5FFFF  }
0xac: {  	[dreg:$0x1] =	wrdreg $0xFFFFFFFF  }
0xad: {  	[dreg:$0x0] =	wrdreg $0x60  }
0xae: {  	[dreg:$0x2] =	wrdreg s2  }
0xaf: {  	[dreg:$0x3] =	wrdreg s24  }
0xb0: {  	[dreg:$0x4] =	wrdreg $0x77800  }
0xb1: {  	[dreg:$0x5] =	wrdreg $0x9  }
0xb2: {  	_ =	task.clear_ibuf [dreg:s7], $0x6FFFF;
	_ =	strace $0x90000046  }
0xb3: {  	s29 =	simm.s32 $0x9;
	_ =	strace $0x80000048  }
0xb4: {  	_ =	swait.ge [sflag:s29], $0x1  }
0xb5: {  	[sflag:s29] =	ssyncadd.s32 $0xFFFFFFFF  }
0xb6: {  	_ =	strace $0x90000048  }
0xb7: {  	_ =	sfence  }
0xb8: {  	s30 =	sld [smem:$0x0];
	_ =	sdelay $0x2  }
0xb9: {  	s31 =	sshll.u32 s1, $0xD;
	s1 =	sshrl.u32 s1, $0x2  }
0xba: {  	s3 =	sand.u32 $0x4000, s31;
	s1 =	sadd.s32 s1, s30  }
0xbb: {  	s0 =	sor.u32 s3, s0;
	s1 =	sshll.u32 s1, $0x11  }
0xbc: {  	s0 =	sor.u32 s1, s0  }
0xbd: {  	s0 =	sadd.s32 $0x8F2B, s0  }
0xbe: {  	[sflag:s0] =	ssyncadd.remote.s32 $0x1  }
0xbf: {  	_ =	sfence.sel $0xFFFF  }
0xc0: {  	[dreg:$0x0] =	wrdreg $0xFFFFFFFF;
	(pc) =	sbr.abs _section_cstart, $3  }
0xc1: {  	[dreg:$0x1] =	wrdreg $0xFFFFFFFF  }
0xc2: {  	_ =	task.clear_ibuf [dreg:s7], $0x2FFFF;
	_ =	strace $0x9FFFFFFF  }
0xc3: {  	(tm) =	ssettm $0x7FFFFFFF  }
tec
execute0_lowered:
.L_overlay_start_1:
0x0: {  	(tag) =	ssettag $0x1  }
0x1: {  	s5 =	rddreg [dreg:$0x0]  }
0x2: {  	s4 =	rddreg [dreg:$0x1]  }
0x3: {  	s1 =	rddreg [dreg:$0x2]  }
0x4: {  	s2 =	srdreg.scid;
	s0 =	rddreg [dreg:$0x3];
	s3 =	simm.s32 $0x0  }
0x5: {  	s15 =	simm.s32 $0x1;
	s16 =	simm.s32 $0x4F80;
	s17 =	simm.s32 $0x50  }
0x6: {  	s18 =	simm.s32 $0x2780;
	s6 =	sand.u32 $0x1, s2;
	s2 =	stileid.u32  }
0x7: {  	s19 =	simm.s32 $0x0;
	[smem:$0x7FF] =	sst s3;
	s7 =	smul.u32 $0x13C000, s6  }
0x8: {  	s8 =	smul.u32 $0x13C00, s2;
	_ =	strace $0x80000047;
	s30 =	sshll.u32 s2, $0x1  }
0x9: {  	s9 =	smul.u32 $0x4F000, s2;
	s10 =	ssub.s32 $0x2, s6;
	s6 =	sor.u32 s6, s30  }
0xa: {  	s31 =	sshrl.u32 s10, $0x1;
	s7 =	sadd.s32 s8, s7;
	s6 =	smul.u32 $0x4EC, s6  }
0xb: {  	s9 =	sshrl.u32 s9, $0x2;
	s14 =	ssub.s32 s10, s31;
	s7 =	sshrl.u32 s7, $0x3  }
0xc: {  	s14 =	smax.u32 s14, $0x1;
	s13 =	sadd.s32 s7, s4;
	s4 =	sadd.s32 s9, s1  }
0xd: {  	s5 =	sadd.s32 s5, s6;
	s6 =	sadd.s32 $0x2800, s4;
	s7 =	sadd.s32 $0x5000, s4  }
0xe: {  	s8 =	sadd.s32 $0x7800, s4;
	s9 =	sadd.s32 $0xA000, s4;
	s10 =	sadd.s32 $0xC800, s4  }
0xf: {  	v0 =	vimm.f32 $1.000000000e+00;
	v1 =	vimm.f32 $0.0e+00;
	s11 =	sadd.s32 $0xF000, s4;
	s12 =	sadd.s32 $0x11800, s4;
	s13 =	sadd.s32 $0x4000, s13  }
.LBB2_1:
0x10: {  	[tilespmem:s3], [sflag:$0x1] =	stream.linear.gather [hbm4b:s5+s3], $0x2760, $0x38;
	[tilespmem:$0x1B380] =	vst v63  }
0x11: {  	_ =	swait.ge [sflag:s15], $0x2760  }
0x12: {  	[sflag:s15] =	ssyncset.done $0x0  }
0x13: {  	s20 =	simm.s32 $0x0;
	s21 =	simm.s32 $0x0;
	[sflag:s15] =	ssyncadd.s32 $0xFFFFD8A0  }
.LBB2_2:
0x14: {  	p0 =	sne.s32 s21, $0x9FC0  }
.Ltmp0:
0x15: {  	_ = 	snop;
	(pc) =	sbr.rel @p0 .LBB2_2-.Ltmp0, $4  }
0x16: {  	s22 =	sand.u32 $0xFE00, s21  }
0x17: {  	s23 =	sand.u32 $0x70, s20;
	s22 =	sshrl.u32 s22, $0x2  }
0x18: {  	s22 =	sor.u32 s23, s22  }
0x19: {  	s20 =	sadd.s32 $0x10, s20;
	s21 =	sadd.s32 $0x40, s21;
	[tilespmem:s22+$0x2780] =	vst v0  }
0x1a: {  	s20 =	simm.s32 $0x0  }
0x1b: {  	s21 =	sand.u32 $0xFE00, s20  }
0x1c: {  	s22 =	sand.u32 $0x70, s20;
	s23 =	sshrl.u32 s21, $0x2  }
0x1d: {  	s21 =	simm.s32 $0x40;
	s22 =	sor.u32 s22, s23  }
.LBB2_4:
0x1e: {  	p0 =	sne.s32 s21, $0x9FC0  }
0x1f: {  	[tilespmem:s22+$0x4F80] =	vst v1;
	s20 =	sadd.s32 $0x10, s20;
	s22 =	smov.u32 s21;
	s21 =	sadd.s32 $0x40, s21  }
.Ltmp1:
0x20: {  	(pc) =	sbr.rel @p0 .LBB2_4-.Ltmp1, $4  }
0x21: {  	_ = 	snop  }
0x22: {  	s22 =	sand.u32 $0xFE00, s22  }
0x23: {  	s23 =	sand.u32 $0x70, s20;
	s22 =	sshrl.u32 s22, $0x2  }
0x24: {  	s22 =	sor.u32 s23, s22  }
0x25: {  	[tilespmem:s22+$0x4F80] =	vst v1  }
0x26: {  	[spmem:s4] =	stream.linear.scatter [tilespmem:s16], [sflag:$0x1], $0x2800, $0x38;
	[tilespmem:$0x1B380] =	vst v63  }
0x27: {  	_ =	swait.ge [sflag:s15], $0x2800  }
0x28: {  	[sflag:s15] =	ssyncset.done $0x0  }
0x29: {  	[sflag:s15] =	ssyncadd.s32 $0xFFFFD800  }
0x2a: {  	[spmem:s6] =	stream.linear.scatter [tilespmem:s16], [sflag:$0x1], $0x2800, $0x38;
	[tilespmem:$0x1B380] =	vst v63  }
0x2b: {  	_ =	swait.ge [sflag:s15], $0x2800  }
0x2c: {  	[sflag:s15] =	ssyncset.done $0x0  }
0x2d: {  	[sflag:s15] =	ssyncadd.s32 $0xFFFFD800  }
0x2e: {  	[spmem:s7] =	stream.linear.scatter [tilespmem:s16], [sflag:$0x1], $0x2800, $0x38;
	[tilespmem:$0x1B380] =	vst v63  }
0x2f: {  	_ =	swait.ge [sflag:s15], $0x2800  }
0x30: {  	[sflag:s15] =	ssyncset.done $0x0  }
0x31: {  	[sflag:s15] =	ssyncadd.s32 $0xFFFFD800  }
0x32: {  	[spmem:s8] =	stream.linear.scatter [tilespmem:s16], [sflag:$0x1], $0x2800, $0x38;
	[tilespmem:$0x1B380] =	vst v63  }
0x33: {  	_ =	swait.ge [sflag:s15], $0x2800  }
0x34: {  	[sflag:s15] =	ssyncset.done $0x0  }
0x35: {  	[sflag:s15] =	ssyncadd.s32 $0xFFFFD800  }
0x36: {  	[spmem:s9] =	stream.linear.scatter [tilespmem:s16], [sflag:$0x1], $0x2800, $0x38;
	[tilespmem:$0x1B380] =	vst v63  }
0x37: {  	_ =	swait.ge [sflag:s15], $0x2800  }
0x38: {  	[sflag:s15] =	ssyncset.done $0x0  }
0x39: {  	[sflag:s15] =	ssyncadd.s32 $0xFFFFD800  }
0x3a: {  	[spmem:s10] =	stream.linear.scatter [tilespmem:s16], [sflag:$0x1], $0x2800, $0x38;
	[tilespmem:$0x1B380] =	vst v63  }
0x3b: {  	_ =	swait.ge [sflag:s15], $0x2800  }
0x3c: {  	[sflag:s15] =	ssyncset.done $0x0  }
0x3d: {  	[sflag:s15] =	ssyncadd.s32 $0xFFFFD800  }
0x3e: {  	[spmem:s11] =	stream.linear.scatter [tilespmem:s16], [sflag:$0x1], $0x2800, $0x38;
	[tilespmem:$0x1B380] =	vst v63  }
0x3f: {  	_ =	swait.ge [sflag:s15], $0x2800  }
0x40: {  	[sflag:s15] =	ssyncset.done $0x0  }
0x41: {  	[sflag:s15] =	ssyncadd.s32 $0xFFFFD800  }
0x42: {  	[spmem:s12] =	stream.linear.scatter [tilespmem:s16], [sflag:$0x1], $0x2400, $0x38;
	[tilespmem:$0x1B380] =	vst v63  }
0x43: {  	_ =	swait.ge [sflag:s15], $0x2400  }
0x44: {  	[sflag:s15] =	ssyncset.done $0x0  }
0x45: {  	[sflag:s15] =	ssyncadd.s32 $0xFFFFDC00  }
0x46: {  	s20 =	simm.s32 $0x0;
	[bflag:$0x0] =	sbarrier.arrive $0xFFFF  }
0x47: {  	[spmem:s1] =	stream.indirect.scatter.add.f32 [tilespmem:s18], [sflag:$0x1], $0x80, s20, s17, $0xb8;
	[tilespmem:$0x1B380] =	vst v63  }
0x48: {  	_ =	swait.ge [sflag:s15], $0x2800  }
0x49: {  	s20 =	simm.s32 $0x140;
	[sflag:s15] =	ssyncset.done $0x0  }
.LBB2_6:
0x4a: {  	s21 =	sshra.s32 s20, $0x2;
	[sflag:s15] =	ssyncadd.s32 $0xFFFFD800;
	p0 =	sne.s32 s20, $0x9C40  }
0x4b: {  	[spmem:s1] =	stream.indirect.scatter.add.f32 [tilespmem:s18], [sflag:$0x1], $0x80, s21, s17, $0xb8;
	[tilespmem:$0x1B380] =	vst v63  }
.Ltmp2:
0x4c: {  	_ = 	snop;
	(pc) =	sbr.rel @p0 .LBB2_6-.Ltmp2, $4  }
0x4d: {  	_ = 	snop  }
0x4e: {  	s20 =	sadd.s32 $0x140, s20  }
0x4f: {  	_ =	swait.ge [sflag:s15], $0x2800  }
0x50: {  	[sflag:s15] =	ssyncset.done $0x0  }
0x51: {  	[sflag:s15] =	ssyncadd.s32 $0xFFFFD800;
	s19 =	sadd.s32 $0x1, s19  }
0x52: {  	s20 =	sshll.u32 s2, $0x6;
	s21 =	sshrl.u32 s4, $0x3;
	p0 =	sne.s32 s19, s14  }
.Ltmp3:
0x53: {  	[bflag:$0x0] =	sbarrier.arrive $0xFFFF;
	s20 =	sor.u32 $0x1C01, s20;
	(pc) =	sbr.rel @p0 .LBB2_1-.Ltmp3, $4  }
0x54: {  	[hbm:s13], [sflag:s20] =	dma.local [spmem:s21], $0x2780  }
0x55: {  	_ =	swait.ge [sflag:s15], $0x2780  }
0x56: {  	[sflag:s15] =	ssyncset.done $0x0  }
0x57: {  	[sflag:s15] =	ssyncadd.s32 $0xFFFFD880  }
0x58: {  	_ =	sfence.sel $0x180000  }
0x59: {  	[bflag:$0x0] =	sbarrier.arrive $0xFFFF  }
0x5a: {  	p0 =	sne.s32 s2, $0x0;
	_ =	strace $0x90000047  }
0x5b: {  	s0 =	sadd.s32 @!p0 $0x100000, s0;
	[bflag:$0x2] =	sbarrier.arrive $0xFFFF  }
0x5c: {  	[sflag:s0] =	ssyncadd.tile.s32 @!p0 $0x1;
	_ =	shalt  }
.Lfunc_end2:
_tile_overlayer_lowered:
.L_overlay_start_2:
0x5d: {  	(tag) =	ssettag $0x2  }
0x5e: {  	s0 =	rddreg [dreg:$0x0];
	s2 =	stileid.u32  }
0x5f: {  	s1 =	rddreg [dreg:$0x1];
	p0 =	sne.s32 s2, $0x0  }
0x60: {  	s3 =	rddreg [dreg:$0x2];
	[bflag:$0x3] =	sbarrier.arrive $0xFFFF;
	s2 =	simm.s32 @!p0 $0x1C01  }
0x61: {  	[timem:s3], [sflag:s2] =	dma.local @!p0 [hbm:s0], s1  }
0x62: {  	s0 =	simm.s32 @!p0 $0x1  }
0x63: {  	_ =	swait.ge @!p0 [sflag:s0], s1  }
0x64: {  	s1 =	ssub.s32 @!p0 $0x0, s1;
	[sflag:s0] =	ssyncset.done @!p0 $0x0  }
0x65: {  	[sflag:s0] =	ssyncadd.s32 @!p0 s1  }
0x66: {  	[bflag:$0x3] =	sbarrier.arrive $0xFFFF  }
0x67: {  	_ =	shalt  }

// kernel: kernel.13.cloned.1.call-start
scs
__scs_entry_jumppad:
0x0: {  	(pc) =	sbr.rel $0x88, $3  }
0x1: {  	(tag) =	ssettag $0x0;
	lr =	simm.s32 $0x1  }
0x2: {  	[smem:$0x3F99] =	sst lr;
	_ =	strace $0xD0000000  }
0x3: {  	_ = 	snop  }
0x4: {  	_ = 	snop  }
0x5: {  	_ = 	snop  }
0x6: {  	_ = 	snop  }
0x7: {  	_ = 	snop  }
__scs_overlays_trampoline_lowered:
0x8: {  	[smem:$0x3FA8] =	sst s0  }
0x9: {  	[smem:$0x3FA9] =	sst s1  }
0xa: {  	[smem:$0x3FAA] =	sst s2  }
0xb: {  	[smem:$0x3FAB] =	sst s3  }
0xc: {  	[smem:$0x3FAC] =	sst s4  }
0xd: {  	[smem:$0x3FAD] =	sst s5  }
0xe: {  	[smem:$0x3FAE] =	sst s6  }
0xf: {  	[smem:$0x3FAF] =	sst s7  }
0x10: {  	[smem:$0x3FB0] =	sst s8  }
0x11: {  	[smem:$0x3FB1] =	sst s9;
	s0 =	simm.s32 @!p0 $0x0  }
0x12: {  	s1 =	sld [smem:$0x3F97];
	s0 =	simm.s32 @p0 $0x1  }
0x13: {  	[smem:$0x3FB2] =	sst s0;
	s0 =	simm.s32 @!p1 $0x0  }
0x14: {  	s2 =	sld [smem:$0x3F96];
	s0 =	simm.s32 @p1 $0x1  }
0x15: {  	[smem:$0x3FB3] =	sst s0;
	s0 =	simm.s32 @!p2 $0x0  }
0x16: {  	s3 =	sld [smem:$0x3FDB];
	s0 =	simm.s32 @p2 $0x1  }
0x17: {  	s4 =	simm.s32 $0x1BF5;
	[smem:$0x3FB5] =	sst s0  }
0x18: {  	s0 =	sld [smem:$0x3F98];
	_ =	swait.ge [sflag:s4], $0x0  }
0x19: {  	s7 =	sld [smem:$0x3F99]  }
0x1a: {  	s8 =	sadd.s32 $0xFFFFE003, lr  }
0x1b: {  	s9 =	sadd.s32 $0xFFFFFEF7, lr;
	s5 =	simm.s32 $0xFFFFFFFF;
	p2 =	slt.u32 s8, $0xFFFFF086  }
0x1c: {  	p1 =	slt.u32 s9, $0xF7A;
	s5 =	simm.s32 @!p2 $0x0  }
0x1d: {  	s5 =	simm.s32 @p1 $0x1;
	p0 =	seq.s32 s7, s2  }
0x1e: {  	s7 =	smul.u32 @!p0 $0xF7A, s2;
	p2 =	seq.s32 @!p0 s5, $0x0  }
0x1f: {  	s9 =	smul.u32 $0xF7A, s1;
	s8 =	simm.s32 @!p0 $0x1BF5;
	p2 =	por !p2, p0  }
0x20: {  	[sflag:s8] =	ssyncset.s32 @!p0 $0xFFFFF086;
	s6 =	sadd.s32 @!p0 s3, s7;
	s7 =	simm.s32 @!p0 $0x108  }
0x21: {  	s3 =	sadd.s32 s3, s9;
	s6 =	sadd.s32 @!p0 $0x88, s6;
	s7 =	simm.s32 @p2 $0x1082  }
0x22: {  	[simem:s7], [sflag:s8] =	dma.local @!p0 [hbm:s6], $0xF7A  }
0x23: {  	s9 =	sor.u32 $0xD0000000, s2;
	s6 =	simm.s32 $0x108;
	_ =	swait.ge @!p0 [sflag:s8], $0x0  }
0x24: {  	s3 =	sadd.s32 $0x88, s3;
	s6 =	simm.s32 @!p1 $0x1082;
	[sflag:s4] =	ssyncset.s32 $0xFFFFF086  }
0x25: {  	[simem:s6], [sflag:s4] =	dma.local [hbm:s3], $0xF7A  }
0x26: {  	[smem:$0x3F99] =	sst s1;
	(tag) =	ssettag s2;
	_ =	strace s9  }
0x27: {  	s1 =	sld [smem:$0x3FA9]  }
0x28: {  	s2 =	sld [smem:$0x3FAA]  }
0x29: {  	s4 =	sld [smem:$0x3FAC]  }
0x2a: {  	p0 =	seq.s32 s5, $0x0;
	s5 =	sld [smem:$0x3FAD]  }
0x2b: {  	s6 =	sld [smem:$0x3FAE]  }
0x2c: {  	s7 =	sld [smem:$0x3FAF]  }
0x2d: {  	s3 =	simm.s32 $0x108;
	s8 =	sld [smem:$0x3FB0]  }
0x2e: {  	s3 =	simm.s32 @!p0 $0x1082;
	s9 =	sld [smem:$0x3FB1]  }
0x2f: {  	lr =	sadd.s32 s0, s3;
	s0 =	sld [smem:$0x3FA8]  }
0x30: {  	s3 =	sld [smem:$0x3FAB]  }
0x31: {  	[smem:$0x3FB4] =	sst s10  }
0x32: {  	s10 =	sld [smem:$0x3FB2];
	_ =	sdelay $0x3  }
0x33: {  	p0 =	seq.s32 s10, $0x1;
	s10 =	sld [smem:$0x3FB4];
	_ =	sdelay $0x3  }
0x34: {  	[smem:$0x3FB4] =	sst s10  }
0x35: {  	s10 =	sld [smem:$0x3FB3];
	_ =	sdelay $0x3  }
0x36: {  	p1 =	seq.s32 s10, $0x1;
	s10 =	sld [smem:$0x3FB4];
	_ =	sdelay $0x3  }
0x37: {  	[smem:$0x3FB4] =	sst s10  }
0x38: {  	s10 =	sld [smem:$0x3FB5]  }
0x39: {  	_ = 	snop;
	(pc) =	sbr.ind lr, $3  }
0x3a: {  	_ = 	snop  }
0x3b: {  	_ = 	snop  }
0x3c: {  	p2 =	seq.s32 s10, $0x1;
	s10 =	sld [smem:$0x3FB4]  }
0x3d: {  	_ =	shalt  }
0x3e: {  	_ =	shalt  }
0x3f: {  	_ =	shalt  }
0x40: {  	_ =	shalt  }
0x41: {  	_ =	shalt  }
0x42: {  	_ =	shalt  }
0x43: {  	_ =	shalt  }
0x44: {  	_ =	shalt  }
0x45: {  	_ =	shalt  }
0x46: {  	_ =	shalt  }
0x47: {  	_ =	shalt  }
0x48: {  	_ =	shalt  }
0x49: {  	_ =	shalt  }
0x4a: {  	_ =	shalt  }
0x4b: {  	_ =	shalt  }
0x4c: {  	_ =	shalt  }
0x4d: {  	_ =	shalt  }
0x4e: {  	_ =	shalt  }
0x4f: {  	_ =	shalt  }
0x50: {  	_ =	shalt  }
0x51: {  	_ =	shalt  }
0x52: {  	_ =	shalt  }
0x53: {  	_ =	shalt  }
0x54: {  	_ =	shalt  }
0x55: {  	_ =	shalt  }
0x56: {  	_ =	shalt  }
0x57: {  	_ =	shalt  }
0x58: {  	_ =	shalt  }
0x59: {  	_ =	shalt  }
0x5a: {  	_ =	shalt  }
0x5b: {  	_ =	shalt  }
0x5c: {  	_ =	shalt  }
0x5d: {  	_ =	shalt  }
0x5e: {  	_ =	shalt  }
0x5f: {  	_ =	shalt  }
0x60: {  	_ =	shalt  }
0x61: {  	_ =	shalt  }
0x62: {  	_ =	shalt  }
0x63: {  	_ =	shalt  }
0x64: {  	_ =	shalt  }
0x65: {  	_ =	shalt  }
0x66: {  	_ =	shalt  }
0x67: {  	_ =	shalt  }
0x68: {  	_ =	shalt  }
0x69: {  	_ =	shalt  }
0x6a: {  	_ =	shalt  }
0x6b: {  	_ =	shalt  }
0x6c: {  	_ =	shalt  }
0x6d: {  	_ =	shalt  }
0x6e: {  	_ =	shalt  }
0x6f: {  	_ =	shalt  }
0x70: {  	_ =	shalt  }
0x71: {  	_ =	shalt  }
0x72: {  	_ =	shalt  }
0x73: {  	_ =	shalt  }
0x74: {  	_ =	shalt  }
0x75: {  	_ =	shalt  }
0x76: {  	_ =	shalt  }
0x77: {  	_ =	shalt  }
0x78: {  	_ =	shalt  }
0x79: {  	_ =	shalt  }
0x7a: {  	_ =	shalt  }
0x7b: {  	_ =	shalt  }
0x7c: {  	_ =	shalt  }
0x7d: {  	_ =	shalt  }
0x7e: {  	_ =	shalt  }
0x7f: {  	_ =	shalt  }
0x80: {  	_ =	shalt  }
0x81: {  	_ =	shalt  }
0x82: {  	_ =	shalt  }
0x83: {  	_ =	shalt  }
0x84: {  	_ =	shalt  }
0x85: {  	_ =	shalt  }
0x86: {  	_ =	shalt  }
0x87: {  	_ =	shalt  }
.Lfunc_end0:
.L_simem_size_0:
called_computation.1_lowered:
.L_overlay_start_0:
0x88: {  	s2 =	sld [smem:$0x3FD9]  }
0x89: {  	s3 =	sld [smem:$0x3FFE];
	_ =	sdelay $0x1  }
0x8a: {  	s1 =	srdreg.scid  }
0x8b: {  	s0 =	sand.u32 $0x1, s1  }
0x8c: {  	s17 =	sshll.u32 s0, $0xA;
	s2 =	sadd.s32 s3, s2  }
0x8d: {  	s2 =	sadd.s32 s2, s17  }
0x8e: {  	[smem:$0x3FC0] =	sst s2  }
0x8f: {  	_ = 	snop  }
0x90: {  	s2 =	sld [smem:$0x3FD0];
	(tm) =	ssettm $0x1  }
0x91: {  	s18 =	sld [smem:$0x3FFB];
	_ =	sdelay $0x3  }
0x92: {  	_ =	strace s18  }
0x93: {  	s3 =	sld [smem:$0x3FFC];
	_ =	sdelay $0x3  }
0x94: {  	_ =	strace s3  }
0x95: {  	s3 =	sld [smem:$0x3FFD];
	_ =	sdelay $0x3  }
0x96: {  	_ =	strace s3  }
0x97: {  	_ =	strace $0x8FFFFFFF  }
0x98: {  	s19 =	sld [smem:$0x3FDB];
	_ =	sdelay $0x1  }
0x99: {  	s4 =	simm.s32 $_scs_section_size  }
0x9a: {  	s5 =	simm.s32 $_size__tile_overlayer_lowered;
	s6 =	simm.s32 $_tile_overlayer_lowered  }
0x9b: {  	s22 =	simm.s32 $0x1BFF;
	s21 =	sshll.u32 s6, $0x1;
	s3 =	sadd.s32 s4, s19  }
0x9c: {  	s7 =	simm.s32 $0x0;
	s20 =	sshll.u32 s5, $0x1;
	s5 =	sadd.s32 s21, s3  }
0x9d: {  	[timem:s7], [sflag:s22] =	dma.local [hbm:s5], s20  }
0x9e: {  	_ =	swait.ge [sflag:s22], s20  }
0x9f: {  	s4 =	ssub.s32 $0x0, s20;
	[sflag:s22] =	ssyncset.done $0x0  }
0xa0: {  	[sflag:s22] =	ssyncadd.s32 s4;
	_ =	sdelay $0x1  }
0xa1: {  	s23 =	simm.s32 $0x1B8B  }
0xa2: {  	_ =	swait.ge [sflag:s23], $0x1  }
0xa3: {  	[sflag:s23] =	ssyncset.done $0x0  }
0xa4: {  	s25 =	simm.s32 $0x1B8E;
	s24 =	sld [smem:$0x3FFE];
	[sflag:s23] =	ssyncadd.s32 $0xFFFFFFFF  }
0xa5: {  	s26 =	simm.s32 $execute0_lowered;
	[smem:$0x3FD2] =	sst s25  }
0xa6: {  	s5 =	sshll.u32 s26, $0x1;
	_ =	strace $0x80000049;
	[dreg:$0x1] =	wrdreg $0xFFFFFFFF  }
0xa7: {  	s28 =	simm.s32 $_size_execute0_lowered;
	s3 =	sadd.s32 s3, s5;
	[dreg:$0x0] =	wrdreg $0x0  }
0xa8: {  	s5 =	sshll.u32 s28, $0x1;
	[dreg:$0x2] =	wrdreg s3  }
0xa9: {  	[dreg:$0x3] =	wrdreg s5  }
0xaa: {  	[dreg:$0x4] =	wrdreg $0xC0  }
0xab: {  	_ =	task [dreg:s7], $0x5FFFF  }
0xac: {  	[dreg:$0x1] =	wrdreg $0xFFFFFFFF  }
0xad: {  	[dreg:$0x0] =	wrdreg $0x60  }
0xae: {  	[dreg:$0x2] =	wrdreg s24  }
0xaf: {  	[dreg:$0x3] =	wrdreg s2  }
0xb0: {  	[dreg:$0x4] =	wrdreg $0xBC000  }
0xb1: {  	[dreg:$0x5] =	wrdreg $0x9  }
0xb2: {  	_ =	task.clear_ibuf [dreg:s7], $0x6FFFF;
	_ =	strace $0x90000049  }
0xb3: {  	s29 =	simm.s32 $0x9;
	_ =	strace $0x8000004B  }
0xb4: {  	_ =	swait.ge [sflag:s29], $0x1  }
0xb5: {  	[sflag:s29] =	ssyncadd.s32 $0xFFFFFFFF  }
0xb6: {  	_ =	strace $0x9000004B  }
0xb7: {  	_ =	sfence  }
0xb8: {  	s30 =	sld [smem:$0x0];
	_ =	sdelay $0x2  }
0xb9: {  	s31 =	sshll.u32 s1, $0xD;
	s1 =	sshrl.u32 s1, $0x2  }
0xba: {  	s3 =	sand.u32 $0x4000, s31;
	s1 =	sadd.s32 s1, s30  }
0xbb: {  	s0 =	sor.u32 s3, s0;
	s1 =	sshll.u32 s1, $0x11  }
0xbc: {  	s0 =	sor.u32 s1, s0  }
0xbd: {  	s0 =	sadd.s32 $0x8F2B, s0  }
0xbe: {  	[sflag:s0] =	ssyncadd.remote.s32 $0x1  }
0xbf: {  	_ =	sfence.sel $0xFFFF  }
0xc0: {  	[dreg:$0x0] =	wrdreg $0xFFFFFFFF;
	(pc) =	sbr.abs _section_cstart, $3  }
0xc1: {  	[dreg:$0x1] =	wrdreg $0xFFFFFFFF  }
0xc2: {  	_ =	task.clear_ibuf [dreg:s7], $0x2FFFF;
	_ =	strace $0x9FFFFFFF  }
0xc3: {  	(tm) =	ssettm $0x7FFFFFFF  }
tec
execute0_lowered:
.L_overlay_start_1:
0x0: {  	(tag) =	ssettag $0x1  }
0x1: {  	s5 =	rddreg [dreg:$0x0]  }
0x2: {  	s7 =	rddreg [dreg:$0x1];
	s0 =	stileid.u32  }
0x3: {  	s1 =	srdreg.scid;
	s2 =	rddreg [dreg:$0x2];
	s3 =	simm.s32 $0x0  }
0x4: {  	s16 =	simm.s32 $0xAC;
	s19 =	simm.s32 $0x3;
	s20 =	simm.s32 $0x3600  }
0x5: {  	s21 =	simm.s32 $0x6C00;
	s22 =	simm.s32 $0x50;
	s4 =	smul.u32 $0xAC, s0  }
0x6: {  	s23 =	simm.s32 $0x9400;
	s24 =	simm.s32 $0x1;
	s8 =	smul.u32 $0x50, s0  }
0x7: {  	s25 =	simm.s32 $0x2;
	s26 =	simm.s32 $0x0;
	s10 =	smul.u32 $0x13C00, s0  }
0x8: {  	s6 =	sand.u32 $0x1, s1;
	[smem:$0x7FF] =	sst s3;
	s29 =	smul.u32 $0x4F000, s0  }
0x9: {  	s9 =	smul.u32 $0x13C000, s6;
	p0 =	seq.s32 s6, $0x0;
	s30 =	ssub.s32 $0x2, s6  }
0xa: {  	_ =	strace $0x8000004A;
	s8 =	sadd.s32 $0xAC0, s8;
	s6 =	sshrl.u32 s30, $0x1  }
0xb: {  	s31 =	sshrl.u32 s29, $0x2;
	s16 =	simm.s32 @!p0 $0x50;
	s8 =	smov.u32 @p0 s4  }
0xc: {  	s9 =	sadd.s32 s10, s9;
	s4 =	sadd.s32 $0x4000, s5;
	s18 =	ssub.s32 s30, s6  }
0xd: {  	s1 =	sadd.s32 $0xFFFFFFFF, s16;
	s8 =	smul.u32 $0xA, s8;
	s9 =	sshrl.u32 s9, $0x3  }
0xe: {  	s16 =	sshrl.u32 s16, $0x1;
	s18 =	smax.u32 s18, $0x1;
	s17 =	sadd.s32 s9, s5  }
0xf: {  	s11 =	sadd.s32 s8, s5;
	s5 =	sadd.s32 s31, s2;
	s7 =	sadd.s32 s7, s8  }
0x10: {  	s17 =	sadd.s32 $0x5D200, s17;
	s6 =	sadd.s32 $0x53000, s11;
	s8 =	sadd.s32 $0x2800, s5  }
0x11: {  	s9 =	sadd.s32 $0x5000, s5;
	s10 =	sadd.s32 $0x7800, s5;
	s11 =	sadd.s32 $0xA000, s5  }
0x12: {  	v0 =	vimm.f32 $0.0e+00;
	s12 =	sadd.s32 $0xC800, s5;
	s13 =	sadd.s32 $0xF000, s5;
	s14 =	sadd.s32 $0x11800, s5  }
.LBB2_1:
0x13: {  	[tilespmem:s3], [sflag:$0x3] =	stream.linear.gather [hbm4b:s6+s3], $0x35C0, $0x38;
	[tilespmem:$0x1F800] =	vst v63  }
0x14: {  	_ =	swait.ge [sflag:s19], $0x35C0  }
0x15: {  	[sflag:s19] =	ssyncset.done $0x0  }
0x16: {  	[sflag:s19] =	ssyncadd.s32 $0xFFFFCA40  }
0x17: {  	[tilespmem:s20], [sflag:$0x3] =	stream.linear.gather [hbm4b:s7+s3], $0x35C0, $0x38;
	[tilespmem:$0x1F800] =	vst v63  }
0x18: {  	s28 =	sand.u32 $0xFE00, s3;
	s29 =	sand.u32 $0x70, s3;
	_ =	swait.ge [sflag:s19], $0x35C0  }
0x19: {  	s30 =	sshrl.u32 s28, $0x2;
	s28 =	simm.s32 $0x40;
	[sflag:s19] =	ssyncset.done $0x0  }
0x1a: {  	s30 =	sor.u32 s29, s30;
	s29 =	simm.s32 $0x0;
	[sflag:s19] =	ssyncadd.s32 $0xFFFFCA40  }
.LBB2_2:
0x1b: {  	p0 =	sne.s32 s28, $0x9FC0  }
0x1c: {  	[tilespmem:s30+$0x6C00] =	vst v0;
	s29 =	sadd.s32 $0x10, s29;
	s30 =	smov.u32 s28;
	s28 =	sadd.s32 $0x40, s28  }
.Ltmp0:
0x1d: {  	(pc) =	sbr.rel @p0 .LBB2_2-.Ltmp0, $4  }
0x1e: {  	_ = 	snop  }
0x1f: {  	s30 =	sand.u32 $0xFE00, s30  }
0x20: {  	s31 =	sand.u32 $0x70, s29;
	s30 =	sshrl.u32 s30, $0x2  }
0x21: {  	s30 =	sor.u32 s31, s30  }
0x22: {  	[tilespmem:s30+$0x6C00] =	vst v0  }
0x23: {  	[spmem:s5] =	stream.linear.scatter [tilespmem:s21], [sflag:$0x3], $0x2800, $0x38;
	[tilespmem:$0x1F800] =	vst v63  }
0x24: {  	_ =	swait.ge [sflag:s19], $0x2800  }
0x25: {  	[sflag:s19] =	ssyncset.done $0x0  }
0x26: {  	[sflag:s19] =	ssyncadd.s32 $0xFFFFD800  }
0x27: {  	[spmem:s8] =	stream.linear.scatter [tilespmem:s21], [sflag:$0x3], $0x2800, $0x38;
	[tilespmem:$0x1F800] =	vst v63  }
0x28: {  	_ =	swait.ge [sflag:s19], $0x2800  }
0x29: {  	[sflag:s19] =	ssyncset.done $0x0  }
0x2a: {  	[sflag:s19] =	ssyncadd.s32 $0xFFFFD800  }
0x2b: {  	[spmem:s9] =	stream.linear.scatter [tilespmem:s21], [sflag:$0x3], $0x2800, $0x38;
	[tilespmem:$0x1F800] =	vst v63  }
0x2c: {  	_ =	swait.ge [sflag:s19], $0x2800  }
0x2d: {  	[sflag:s19] =	ssyncset.done $0x0  }
0x2e: {  	[sflag:s19] =	ssyncadd.s32 $0xFFFFD800  }
0x2f: {  	[spmem:s10] =	stream.linear.scatter [tilespmem:s21], [sflag:$0x3], $0x2800, $0x38;
	[tilespmem:$0x1F800] =	vst v63  }
0x30: {  	_ =	swait.ge [sflag:s19], $0x2800  }
0x31: {  	[sflag:s19] =	ssyncset.done $0x0  }
0x32: {  	[sflag:s19] =	ssyncadd.s32 $0xFFFFD800  }
0x33: {  	[spmem:s11] =	stream.linear.scatter [tilespmem:s21], [sflag:$0x3], $0x2800, $0x38;
	[tilespmem:$0x1F800] =	vst v63  }
0x34: {  	_ =	swait.ge [sflag:s19], $0x2800  }
0x35: {  	[sflag:s19] =	ssyncset.done $0x0  }
0x36: {  	[sflag:s19] =	ssyncadd.s32 $0xFFFFD800  }
0x37: {  	[spmem:s12] =	stream.linear.scatter [tilespmem:s21], [sflag:$0x3], $0x2800, $0x38;
	[tilespmem:$0x1F800] =	vst v63  }
0x38: {  	_ =	swait.ge [sflag:s19], $0x2800  }
0x39: {  	[sflag:s19] =	ssyncset.done $0x0  }
0x3a: {  	[sflag:s19] =	ssyncadd.s32 $0xFFFFD800  }
0x3b: {  	[spmem:s13] =	stream.linear.scatter [tilespmem:s21], [sflag:$0x3], $0x2800, $0x38;
	[tilespmem:$0x1F800] =	vst v63  }
0x3c: {  	_ =	swait.ge [sflag:s19], $0x2800  }
0x3d: {  	[sflag:s19] =	ssyncset.done $0x0  }
0x3e: {  	[sflag:s19] =	ssyncadd.s32 $0xFFFFD800  }
0x3f: {  	[spmem:s14] =	stream.linear.scatter [tilespmem:s21], [sflag:$0x3], $0x2400, $0x38;
	[tilespmem:$0x1F800] =	vst v63  }
0x40: {  	_ =	swait.ge [sflag:s19], $0x2400  }
0x41: {  	[sflag:s19] =	ssyncset.done $0x0  }
0x42: {  	[sflag:s19] =	ssyncadd.s32 $0xFFFFDC00  }
0x43: {  	s28 =	simm.s32 $0x50;
	[bflag:$0x0] =	sbarrier.arrive $0xFFFF  }
0x44: {  	[tilespmem:s21], [sflag:$0x1] =	stream.indirect.gather [hbm4b:s4+s28], $0x80, s3, s28, $0xb8;
	[tilespmem:$0x1F800] =	vst v63  }
0x45: {  	_ = 	snop  }
0x46: {  	[tilespmem:s23], [sflag:$0x2] =	stream.indirect.gather [hbm4b:s4+s22], $0x80, s28, s22, $0xb8;
	[tilespmem:$0x1F800] =	vst v63  }
0x47: {  	p0 =	sgt.s32 s1, $0x2;
	_ =	swait.ge [sflag:s24], $0x2800  }
0x48: {  	s30 =	smov.u32 s1;
	s28 =	simm.s32 $0x2;
	[sflag:s24] =	ssyncset.done $0x0  }
0x49: {  	s29 =	simm.s32 $0x3600;
	s30 =	smov.u32 @p0 s28;
	[sflag:s24] =	ssyncadd.s32 $0xFFFFD800  }
0x4a: {  	[spmem:s2] =	stream.indirect.scatter.add.f32 [tilespmem:s21], [sflag:$0x3], $0x80, s29, s22, $0xb8;
	[tilespmem:$0x1F800] =	vst v63  }
0x4b: {  	s30 =	smul.u32 $0x140, s30;
	_ =	swait.ge [sflag:s19], $0x2800  }
0x4c: {  	[sflag:s19] =	ssyncset.done $0x0  }
0x4d: {  	p0 =	sne.s32 s16, $0x1;
	s30 =	sshra.s32 s30, $0x2;
	[sflag:s19] =	ssyncadd.s32 $0xFFFFD800  }
0x4e: {  	[tilespmem:s21], [sflag:$0x1] =	stream.indirect.gather [hbm4b:s4+s22], $0x80, s30, s22, $0xb8;
	[tilespmem:$0x1F800] =	vst v63  }
.Ltmp1:
0x4f: {  	_ =	swait.ge [sflag:s25], $0x2800;
	(pc) =	sbr.rel @!p0 .LBB2_5-.Ltmp1, $4  }
0x50: {  	[sflag:s25] =	ssyncset.done $0x0  }
0x51: {  	s30 =	simm.s32 $0x3650;
	[sflag:s25] =	ssyncadd.s32 $0xFFFFD800  }
0x52: {  	[spmem:s2] =	stream.indirect.scatter.add.f32 [tilespmem:s23], [sflag:$0x3], $0x80, s30, s22, $0xb8;
	[tilespmem:$0x1F800] =	vst v63  }
0x53: {  	s31 =	simm.s32 $0xF0;
	s30 =	sadd.s32 $0xFFFFFFFF, s16;
	_ =	swait.ge [sflag:s19], $0x2800  }
.LBB2_4:
0x54: {  	[sflag:s19] =	ssyncset.done $0x0;
	s28 =	sadd.s32 $0x2, s28;
	s29 =	sadd.s32 $0xA0, s29  }
0x55: {  	p0 =	sne.s32 s30, $0x1;
	s30 =	sadd.s32 $0xFFFFFFFF, s30;
	[sflag:s19] =	ssyncadd.s32 $0xFFFFD800  }
0x56: {  	[tilespmem:s23], [sflag:$0x2] =	stream.indirect.gather [hbm4b:s4+s22], $0x80, s31, s22, $0xb8;
	[tilespmem:$0x1F800] =	vst v63  }
0x57: {  	_ =	swait.ge [sflag:s24], $0x2800  }
0x58: {  	[sflag:s24] =	ssyncset.done $0x0  }
0x59: {  	s15 =	smov.u32 s1;
	p1 =	slt.s32 s28, s1;
	[sflag:s24] =	ssyncadd.s32 $0xFFFFD800  }
0x5a: {  	[spmem:s2] =	stream.indirect.scatter.add.f32 [tilespmem:s21], [sflag:$0x3], $0x80, s29, s22, $0xb8;
	[tilespmem:$0x1F800] =	vst v63  }
0x5b: {  	s15 =	smov.u32 @p1 s28;
	_ =	swait.ge [sflag:s19], $0x2800  }
0x5c: {  	s15 =	smul.u32 $0x140, s15;
	[sflag:s19] =	ssyncset.done $0x0  }
0x5d: {  	[sflag:s19] =	ssyncadd.s32 $0xFFFFD800  }
0x5e: {  	s15 =	sshra.s32 s15, $0x2  }
0x5f: {  	[tilespmem:s21], [sflag:$0x1] =	stream.indirect.gather [hbm4b:s4+s22], $0x80, s15, s22, $0xb8;
	[tilespmem:$0x1F800] =	vst v63  }
.Ltmp2:
0x60: {  	_ =	swait.ge [sflag:s25], $0x2800;
	(pc) =	sbr.rel @p0 .LBB2_4-.Ltmp2, $4  }
0x61: {  	s15 =	sadd.s32 $0x50, s29;
	[sflag:s25] =	ssyncset.done $0x0  }
0x62: {  	[sflag:s25] =	ssyncadd.s32 $0xFFFFD800  }
0x63: {  	[spmem:s2] =	stream.indirect.scatter.add.f32 [tilespmem:s23], [sflag:$0x3], $0x80, s15, s22, $0xb8;
	[tilespmem:$0x1F800] =	vst v63  }
0x64: {  	s31 =	sadd.s32 $0xA0, s31;
	_ =	swait.ge [sflag:s19], $0x2800  }
.LBB2_5:
0x65: {  	[sflag:s19] =	ssyncset.done $0x0  }
0x66: {  	[sflag:s19] =	ssyncadd.s32 $0xFFFFD800  }
0x67: {  	_ =	swait.ge [sflag:s24], $0x2800  }
0x68: {  	s15 =	sshll.u32 s0, $0x6;
	s26 =	sadd.s32 $0x1, s26;
	[sflag:s24] =	ssyncset.done $0x0  }
0x69: {  	s28 =	sshrl.u32 s5, $0x3;
	p0 =	sne.s32 s26, s18;
	[sflag:s24] =	ssyncadd.s32 $0xFFFFD800  }
.Ltmp3:
0x6a: {  	s15 =	sor.u32 $0x1C03, s15;
	[bflag:$0x0] =	sbarrier.arrive $0xFFFF;
	(pc) =	sbr.rel @p0 .LBB2_1-.Ltmp3, $4  }
0x6b: {  	[hbm:s17], [sflag:s15] =	dma.local [spmem:s28], $0x2780  }
0x6c: {  	_ =	swait.ge [sflag:s19], $0x2780  }
0x6d: {  	[sflag:s19] =	ssyncset.done $0x0  }
0x6e: {  	[sflag:s19] =	ssyncadd.s32 $0xFFFFD880  }
0x6f: {  	_ =	sfence.sel $0x180000  }
0x70: {  	[bflag:$0x0] =	sbarrier.arrive $0xFFFF  }
0x71: {  	_ =	strace $0x9000004A  }
0x72: {  	[bflag:$0x2] =	sbarrier.arrive $0xFFFF  }
0x73: {  	p0 =	sne.s32 s0, $0x0;
	s0 =	rddreg [dreg:$0x3]  }
0x74: {  	s0 =	sadd.s32 @!p0 $0x100000, s0  }
0x75: {  	[sflag:s0] =	ssyncadd.tile.s32 @!p0 $0x1;
	_ =	shalt  }
.Lfunc_end2:
_tile_overlayer_lowered:
.L_overlay_start_2:
0x76: {  	(tag) =	ssettag $0x2  }
0x77: {  	s0 =	rddreg [dreg:$0x0];
	s2 =	stileid.u32  }
0x78: {  	s1 =	rddreg [dreg:$0x1];
	p0 =	sne.s32 s2, $0x0  }
0x79: {  	s3 =	rddreg [dreg:$0x2];
	[bflag:$0x3] =	sbarrier.arrive $0xFFFF;
	s2 =	simm.s32 @!p0 $0x1C03  }
0x7a: {  	[timem:s3], [sflag:s2] =	dma.local @!p0 [hbm:s0], s1  }
0x7b: {  	s0 =	simm.s32 @!p0 $0x3  }
0x7c: {  	_ =	swait.ge @!p0 [sflag:s0], s1  }
0x7d: {  	s1 =	ssub.s32 @!p0 $0x0, s1;
	[sflag:s0] =	ssyncset.done @!p0 $0x0  }
0x7e: {  	[sflag:s0] =	ssyncadd.s32 @!p0 s1  }
0x7f: {  	[bflag:$0x3] =	sbarrier.arrive $0xFFFF  }
0x80: {  	_ =	shalt  }

// kernel: kernel.16.cloned.1.call-start
scs
__scs_entry_jumppad:
0x0: {  	(pc) =	sbr.rel $0x88, $3  }
0x1: {  	(tag) =	ssettag $0x0;
	lr =	simm.s32 $0x1  }
0x2: {  	[smem:$0x3F99] =	sst lr;
	_ =	strace $0xD0000000  }
0x3: {  	_ = 	snop  }
0x4: {  	_ = 	snop  }
0x5: {  	_ = 	snop  }
0x6: {  	_ = 	snop  }
0x7: {  	_ = 	snop  }
__scs_overlays_trampoline_lowered:
0x8: {  	[smem:$0x3FA8] =	sst s0  }
0x9: {  	[smem:$0x3FA9] =	sst s1  }
0xa: {  	[smem:$0x3FAA] =	sst s2  }
0xb: {  	[smem:$0x3FAB] =	sst s3  }
0xc: {  	[smem:$0x3FAC] =	sst s4  }
0xd: {  	[smem:$0x3FAD] =	sst s5  }
0xe: {  	[smem:$0x3FAE] =	sst s6  }
0xf: {  	[smem:$0x3FAF] =	sst s7  }
0x10: {  	[smem:$0x3FB0] =	sst s8  }
0x11: {  	[smem:$0x3FB1] =	sst s9;
	s0 =	simm.s32 @!p0 $0x0  }
0x12: {  	s1 =	sld [smem:$0x3F97];
	s0 =	simm.s32 @p0 $0x1  }
0x13: {  	[smem:$0x3FB2] =	sst s0;
	s0 =	simm.s32 @!p1 $0x0  }
0x14: {  	s2 =	sld [smem:$0x3F96];
	s0 =	simm.s32 @p1 $0x1  }
0x15: {  	[smem:$0x3FB3] =	sst s0;
	s0 =	simm.s32 @!p2 $0x0  }
0x16: {  	s3 =	sld [smem:$0x3FDB];
	s0 =	simm.s32 @p2 $0x1  }
0x17: {  	s4 =	simm.s32 $0x1BF5;
	[smem:$0x3FB5] =	sst s0  }
0x18: {  	s0 =	sld [smem:$0x3F98];
	_ =	swait.ge [sflag:s4], $0x0  }
0x19: {  	s7 =	sld [smem:$0x3F99]  }
0x1a: {  	s8 =	sadd.s32 $0xFFFFE003, lr  }
0x1b: {  	s9 =	sadd.s32 $0xFFFFFEF7, lr;
	s5 =	simm.s32 $0xFFFFFFFF;
	p2 =	slt.u32 s8, $0xFFFFF086  }
0x1c: {  	p1 =	slt.u32 s9, $0xF7A;
	s5 =	simm.s32 @!p2 $0x0  }
0x1d: {  	s5 =	simm.s32 @p1 $0x1;
	p0 =	seq.s32 s7, s2  }
0x1e: {  	s7 =	smul.u32 @!p0 $0xF7A, s2;
	p2 =	seq.s32 @!p0 s5, $0x0  }
0x1f: {  	s9 =	smul.u32 $0xF7A, s1;
	s8 =	simm.s32 @!p0 $0x1BF5;
	p2 =	por !p2, p0  }
0x20: {  	[sflag:s8] =	ssyncset.s32 @!p0 $0xFFFFF086;
	s6 =	sadd.s32 @!p0 s3, s7;
	s7 =	simm.s32 @!p0 $0x108  }
0x21: {  	s3 =	sadd.s32 s3, s9;
	s6 =	sadd.s32 @!p0 $0x88, s6;
	s7 =	simm.s32 @p2 $0x1082  }
0x22: {  	[simem:s7], [sflag:s8] =	dma.local @!p0 [hbm:s6], $0xF7A  }
0x23: {  	s9 =	sor.u32 $0xD0000000, s2;
	s6 =	simm.s32 $0x108;
	_ =	swait.ge @!p0 [sflag:s8], $0x0  }
0x24: {  	s3 =	sadd.s32 $0x88, s3;
	s6 =	simm.s32 @!p1 $0x1082;
	[sflag:s4] =	ssyncset.s32 $0xFFFFF086  }
0x25: {  	[simem:s6], [sflag:s4] =	dma.local [hbm:s3], $0xF7A  }
0x26: {  	[smem:$0x3F99] =	sst s1;
	(tag) =	ssettag s2;
	_ =	strace s9  }
0x27: {  	s1 =	sld [smem:$0x3FA9]  }
0x28: {  	s2 =	sld [smem:$0x3FAA]  }
0x29: {  	s4 =	sld [smem:$0x3FAC]  }
0x2a: {  	p0 =	seq.s32 s5, $0x0;
	s5 =	sld [smem:$0x3FAD]  }
0x2b: {  	s6 =	sld [smem:$0x3FAE]  }
0x2c: {  	s7 =	sld [smem:$0x3FAF]  }
0x2d: {  	s3 =	simm.s32 $0x108;
	s8 =	sld [smem:$0x3FB0]  }
0x2e: {  	s3 =	simm.s32 @!p0 $0x1082;
	s9 =	sld [smem:$0x3FB1]  }
0x2f: {  	lr =	sadd.s32 s0, s3;
	s0 =	sld [smem:$0x3FA8]  }
0x30: {  	s3 =	sld [smem:$0x3FAB]  }
0x31: {  	[smem:$0x3FB4] =	sst s10  }
0x32: {  	s10 =	sld [smem:$0x3FB2];
	_ =	sdelay $0x3  }
0x33: {  	p0 =	seq.s32 s10, $0x1;
	s10 =	sld [smem:$0x3FB4];
	_ =	sdelay $0x3  }
0x34: {  	[smem:$0x3FB4] =	sst s10  }
0x35: {  	s10 =	sld [smem:$0x3FB3];
	_ =	sdelay $0x3  }
0x36: {  	p1 =	seq.s32 s10, $0x1;
	s10 =	sld [smem:$0x3FB4];
	_ =	sdelay $0x3  }
0x37: {  	[smem:$0x3FB4] =	sst s10  }
0x38: {  	s10 =	sld [smem:$0x3FB5]  }
0x39: {  	_ = 	snop;
	(pc) =	sbr.ind lr, $3  }
0x3a: {  	_ = 	snop  }
0x3b: {  	_ = 	snop  }
0x3c: {  	p2 =	seq.s32 s10, $0x1;
	s10 =	sld [smem:$0x3FB4]  }
0x3d: {  	_ =	shalt  }
0x3e: {  	_ =	shalt  }
0x3f: {  	_ =	shalt  }
0x40: {  	_ =	shalt  }
0x41: {  	_ =	shalt  }
0x42: {  	_ =	shalt  }
0x43: {  	_ =	shalt  }
0x44: {  	_ =	shalt  }
0x45: {  	_ =	shalt  }
0x46: {  	_ =	shalt  }
0x47: {  	_ =	shalt  }
0x48: {  	_ =	shalt  }
0x49: {  	_ =	shalt  }
0x4a: {  	_ =	shalt  }
0x4b: {  	_ =	shalt  }
0x4c: {  	_ =	shalt  }
0x4d: {  	_ =	shalt  }
0x4e: {  	_ =	shalt  }
0x4f: {  	_ =	shalt  }
0x50: {  	_ =	shalt  }
0x51: {  	_ =	shalt  }
0x52: {  	_ =	shalt  }
0x53: {  	_ =	shalt  }
0x54: {  	_ =	shalt  }
0x55: {  	_ =	shalt  }
0x56: {  	_ =	shalt  }
0x57: {  	_ =	shalt  }
0x58: {  	_ =	shalt  }
0x59: {  	_ =	shalt  }
0x5a: {  	_ =	shalt  }
0x5b: {  	_ =	shalt  }
0x5c: {  	_ =	shalt  }
0x5d: {  	_ =	shalt  }
0x5e: {  	_ =	shalt  }
0x5f: {  	_ =	shalt  }
0x60: {  	_ =	shalt  }
0x61: {  	_ =	shalt  }
0x62: {  	_ =	shalt  }
0x63: {  	_ =	shalt  }
0x64: {  	_ =	shalt  }
0x65: {  	_ =	shalt  }
0x66: {  	_ =	shalt  }
0x67: {  	_ =	shalt  }
0x68: {  	_ =	shalt  }
0x69: {  	_ =	shalt  }
0x6a: {  	_ =	shalt  }
0x6b: {  	_ =	shalt  }
0x6c: {  	_ =	shalt  }
0x6d: {  	_ =	shalt  }
0x6e: {  	_ =	shalt  }
0x6f: {  	_ =	shalt  }
0x70: {  	_ =	shalt  }
0x71: {  	_ =	shalt  }
0x72: {  	_ =	shalt  }
0x73: {  	_ =	shalt  }
0x74: {  	_ =	shalt  }
0x75: {  	_ =	shalt  }
0x76: {  	_ =	shalt  }
0x77: {  	_ =	shalt  }
0x78: {  	_ =	shalt  }
0x79: {  	_ =	shalt  }
0x7a: {  	_ =	shalt  }
0x7b: {  	_ =	shalt  }
0x7c: {  	_ =	shalt  }
0x7d: {  	_ =	shalt  }
0x7e: {  	_ =	shalt  }
0x7f: {  	_ =	shalt  }
0x80: {  	_ =	shalt  }
0x81: {  	_ =	shalt  }
0x82: {  	_ =	shalt  }
0x83: {  	_ =	shalt  }
0x84: {  	_ =	shalt  }
0x85: {  	_ =	shalt  }
0x86: {  	_ =	shalt  }
0x87: {  	_ =	shalt  }
.Lfunc_end0:
.L_simem_size_0:
called_computation.2_lowered:
.L_overlay_start_0:
0x88: {  	s2 =	sld [smem:$0x3FD9]  }
0x89: {  	s3 =	sld [smem:$0x3FFE];
	_ =	sdelay $0x1  }
0x8a: {  	s1 =	srdreg.scid  }
0x8b: {  	s0 =	sand.u32 $0x1, s1  }
0x8c: {  	s17 =	sshll.u32 s0, $0xA;
	s2 =	sadd.s32 s3, s2  }
0x8d: {  	s2 =	sadd.s32 s2, s17  }
0x8e: {  	[smem:$0x3FC0] =	sst s2  }
0x8f: {  	_ = 	snop  }
0x90: {  	s2 =	sld [smem:$0x3FD0];
	(tm) =	ssettm $0x1  }
0x91: {  	s18 =	sld [smem:$0x3FFB];
	_ =	sdelay $0x3  }
0x92: {  	_ =	strace s18  }
0x93: {  	s3 =	sld [smem:$0x3FFC];
	_ =	sdelay $0x3  }
0x94: {  	_ =	strace s3  }
0x95: {  	s3 =	sld [smem:$0x3FFD];
	_ =	sdelay $0x3  }
0x96: {  	_ =	strace s3  }
0x97: {  	_ =	strace $0x8FFFFFFF  }
0x98: {  	s19 =	sld [smem:$0x3FDB];
	_ =	sdelay $0x1  }
0x99: {  	s4 =	simm.s32 $_scs_section_size  }
0x9a: {  	s5 =	simm.s32 $_size__tile_overlayer_lowered;
	s6 =	simm.s32 $_tile_overlayer_lowered  }
0x9b: {  	s22 =	simm.s32 $0x1BFF;
	s21 =	sshll.u32 s6, $0x1;
	s3 =	sadd.s32 s4, s19  }
0x9c: {  	s7 =	simm.s32 $0x0;
	s20 =	sshll.u32 s5, $0x1;
	s5 =	sadd.s32 s21, s3  }
0x9d: {  	[timem:s7], [sflag:s22] =	dma.local [hbm:s5], s20  }
0x9e: {  	_ =	swait.ge [sflag:s22], s20  }
0x9f: {  	s4 =	ssub.s32 $0x0, s20;
	[sflag:s22] =	ssyncset.done $0x0  }
0xa0: {  	[sflag:s22] =	ssyncadd.s32 s4;
	_ =	sdelay $0x1  }
0xa1: {  	s23 =	simm.s32 $0x1B8B  }
0xa2: {  	_ =	swait.ge [sflag:s23], $0x1  }
0xa3: {  	[sflag:s23] =	ssyncset.done $0x0  }
0xa4: {  	s25 =	simm.s32 $0x1B8E;
	s24 =	sld [smem:$0x3FFE];
	[sflag:s23] =	ssyncadd.s32 $0xFFFFFFFF  }
0xa5: {  	s26 =	simm.s32 $execute0_lowered;
	[smem:$0x3FD2] =	sst s25  }
0xa6: {  	s5 =	sshll.u32 s26, $0x1;
	_ =	strace $0x8000004C;
	[dreg:$0x1] =	wrdreg $0xFFFFFFFF  }
0xa7: {  	s28 =	simm.s32 $_size_execute0_lowered;
	s3 =	sadd.s32 s3, s5;
	[dreg:$0x0] =	wrdreg $0x0  }
0xa8: {  	s5 =	sshll.u32 s28, $0x1;
	[dreg:$0x2] =	wrdreg s3  }
0xa9: {  	[dreg:$0x3] =	wrdreg s5  }
0xaa: {  	[dreg:$0x4] =	wrdreg $0xC0  }
0xab: {  	_ =	task [dreg:s7], $0x5FFFF  }
0xac: {  	[dreg:$0x1] =	wrdreg $0xFFFFFFFF  }
0xad: {  	[dreg:$0x0] =	wrdreg $0x60  }
0xae: {  	[dreg:$0x2] =	wrdreg s24  }
0xaf: {  	[dreg:$0x3] =	wrdreg s2  }
0xb0: {  	[dreg:$0x4] =	wrdreg $0xBC000  }
0xb1: {  	[dreg:$0x5] =	wrdreg $0x9  }
0xb2: {  	_ =	task.clear_ibuf [dreg:s7], $0x6FFFF;
	_ =	strace $0x9000004C  }
0xb3: {  	s29 =	simm.s32 $0x9;
	_ =	strace $0x8000004E  }
0xb4: {  	_ =	swait.ge [sflag:s29], $0x1  }
0xb5: {  	[sflag:s29] =	ssyncadd.s32 $0xFFFFFFFF  }
0xb6: {  	_ =	strace $0x9000004E  }
0xb7: {  	_ =	sfence  }
0xb8: {  	s30 =	sld [smem:$0x0];
	_ =	sdelay $0x2  }
0xb9: {  	s31 =	sshll.u32 s1, $0xD;
	s1 =	sshrl.u32 s1, $0x2  }
0xba: {  	s3 =	sand.u32 $0x4000, s31;
	s1 =	sadd.s32 s1, s30  }
0xbb: {  	s0 =	sor.u32 s3, s0;
	s1 =	sshll.u32 s1, $0x11  }
0xbc: {  	s0 =	sor.u32 s1, s0  }
0xbd: {  	s0 =	sadd.s32 $0x8F2B, s0  }
0xbe: {  	[sflag:s0] =	ssyncadd.remote.s32 $0x1  }
0xbf: {  	_ =	sfence.sel $0xFFFF  }
0xc0: {  	[dreg:$0x0] =	wrdreg $0xFFFFFFFF;
	(pc) =	sbr.abs _section_cstart, $3  }
0xc1: {  	[dreg:$0x1] =	wrdreg $0xFFFFFFFF  }
0xc2: {  	_ =	task.clear_ibuf [dreg:s7], $0x2FFFF;
	_ =	strace $0x9FFFFFFF  }
0xc3: {  	(tm) =	ssettm $0x7FFFFFFF  }
tec
execute0_lowered:
.L_overlay_start_1:
0x0: {  	(tag) =	ssettag $0x1  }
0x1: {  	s5 =	rddreg [dreg:$0x0]  }
0x2: {  	s7 =	rddreg [dreg:$0x1];
	s0 =	stileid.u32  }
0x3: {  	s1 =	srdreg.scid;
	s2 =	rddreg [dreg:$0x2];
	s3 =	simm.s32 $0x0  }
0x4: {  	s16 =	simm.s32 $0xAC;
	s19 =	simm.s32 $0x3;
	s20 =	simm.s32 $0x3600  }
0x5: {  	s21 =	simm.s32 $0x6C00;
	s22 =	simm.s32 $0x50;
	s4 =	smul.u32 $0xAC, s0  }
0x6: {  	s23 =	simm.s32 $0x9400;
	s24 =	simm.s32 $0x1;
	s8 =	smul.u32 $0x50, s0  }
0x7: {  	s25 =	simm.s32 $0x2;
	s26 =	simm.s32 $0x0;
	s10 =	smul.u32 $0x13C00, s0  }
0x8: {  	s6 =	sand.u32 $0x1, s1;
	[smem:$0x7FF] =	sst s3;
	s29 =	smul.u32 $0x4F000, s0  }
0x9: {  	s9 =	smul.u32 $0x13C000, s6;
	p0 =	seq.s32 s6, $0x0;
	s30 =	ssub.s32 $0x2, s6  }
0xa: {  	_ =	strace $0x8000004D;
	s8 =	sadd.s32 $0xAC0, s8;
	s6 =	sshrl.u32 s30, $0x1  }
0xb: {  	s31 =	sshrl.u32 s29, $0x2;
	s16 =	simm.s32 @!p0 $0x50;
	s8 =	smov.u32 @p0 s4  }
0xc: {  	s9 =	sadd.s32 s10, s9;
	s4 =	sadd.s32 $0x4000, s5;
	s18 =	ssub.s32 s30, s6  }
0xd: {  	s1 =	sadd.s32 $0xFFFFFFFF, s16;
	s8 =	smul.u32 $0xA, s8;
	s9 =	sshrl.u32 s9, $0x3  }
0xe: {  	s16 =	sshrl.u32 s16, $0x1;
	s18 =	smax.u32 s18, $0x1;
	s17 =	sadd.s32 s9, s5  }
0xf: {  	s11 =	sadd.s32 s8, s5;
	s5 =	sadd.s32 s31, s2;
	s7 =	sadd.s32 s7, s8  }
0x10: {  	s17 =	sadd.s32 $0x5D200, s17;
	s6 =	sadd.s32 $0x53000, s11;
	s8 =	sadd.s32 $0x2800, s5  }
0x11: {  	s9 =	sadd.s32 $0x5000, s5;
	s10 =	sadd.s32 $0x7800, s5;
	s11 =	sadd.s32 $0xA000, s5  }
0x12: {  	v0 =	vimm.f32 $0.0e+00;
	s12 =	sadd.s32 $0xC800, s5;
	s13 =	sadd.s32 $0xF000, s5;
	s14 =	sadd.s32 $0x11800, s5  }
.LBB2_1:
0x13: {  	[tilespmem:s3], [sflag:$0x3] =	stream.linear.gather [hbm4b:s6+s3], $0x35C0, $0x38;
	[tilespmem:$0x1F800] =	vst v63  }
0x14: {  	_ =	swait.ge [sflag:s19], $0x35C0  }
0x15: {  	[sflag:s19] =	ssyncset.done $0x0  }
0x16: {  	[sflag:s19] =	ssyncadd.s32 $0xFFFFCA40  }
0x17: {  	[tilespmem:s20], [sflag:$0x3] =	stream.linear.gather [hbm4b:s7+s3], $0x35C0, $0x38;
	[tilespmem:$0x1F800] =	vst v63  }
0x18: {  	s28 =	sand.u32 $0xFE00, s3;
	s29 =	sand.u32 $0x70, s3;
	_ =	swait.ge [sflag:s19], $0x35C0  }
0x19: {  	s30 =	sshrl.u32 s28, $0x2;
	s28 =	simm.s32 $0x40;
	[sflag:s19] =	ssyncset.done $0x0  }
0x1a: {  	s30 =	sor.u32 s29, s30;
	s29 =	simm.s32 $0x0;
	[sflag:s19] =	ssyncadd.s32 $0xFFFFCA40  }
.LBB2_2:
0x1b: {  	p0 =	sne.s32 s28, $0x9FC0  }
0x1c: {  	[tilespmem:s30+$0x6C00] =	vst v0;
	s29 =	sadd.s32 $0x10, s29;
	s30 =	smov.u32 s28;
	s28 =	sadd.s32 $0x40, s28  }
.Ltmp0:
0x1d: {  	(pc) =	sbr.rel @p0 .LBB2_2-.Ltmp0, $4  }
0x1e: {  	_ = 	snop  }
0x1f: {  	s30 =	sand.u32 $0xFE00, s30  }
0x20: {  	s31 =	sand.u32 $0x70, s29;
	s30 =	sshrl.u32 s30, $0x2  }
0x21: {  	s30 =	sor.u32 s31, s30  }
0x22: {  	[tilespmem:s30+$0x6C00] =	vst v0  }
0x23: {  	[spmem:s5] =	stream.linear.scatter [tilespmem:s21], [sflag:$0x3], $0x2800, $0x38;
	[tilespmem:$0x1F800] =	vst v63  }
0x24: {  	_ =	swait.ge [sflag:s19], $0x2800  }
0x25: {  	[sflag:s19] =	ssyncset.done $0x0  }
0x26: {  	[sflag:s19] =	ssyncadd.s32 $0xFFFFD800  }
0x27: {  	[spmem:s8] =	stream.linear.scatter [tilespmem:s21], [sflag:$0x3], $0x2800, $0x38;
	[tilespmem:$0x1F800] =	vst v63  }
0x28: {  	_ =	swait.ge [sflag:s19], $0x2800  }
0x29: {  	[sflag:s19] =	ssyncset.done $0x0  }
0x2a: {  	[sflag:s19] =	ssyncadd.s32 $0xFFFFD800  }
0x2b: {  	[spmem:s9] =	stream.linear.scatter [tilespmem:s21], [sflag:$0x3], $0x2800, $0x38;
	[tilespmem:$0x1F800] =	vst v63  }
0x2c: {  	_ =	swait.ge [sflag:s19], $0x2800  }
0x2d: {  	[sflag:s19] =	ssyncset.done $0x0  }
0x2e: {  	[sflag:s19] =	ssyncadd.s32 $0xFFFFD800  }
0x2f: {  	[spmem:s10] =	stream.linear.scatter [tilespmem:s21], [sflag:$0x3], $0x2800, $0x38;
	[tilespmem:$0x1F800] =	vst v63  }
0x30: {  	_ =	swait.ge [sflag:s19], $0x2800  }
0x31: {  	[sflag:s19] =	ssyncset.done $0x0  }
0x32: {  	[sflag:s19] =	ssyncadd.s32 $0xFFFFD800  }
0x33: {  	[spmem:s11] =	stream.linear.scatter [tilespmem:s21], [sflag:$0x3], $0x2800, $0x38;
	[tilespmem:$0x1F800] =	vst v63  }
0x34: {  	_ =	swait.ge [sflag:s19], $0x2800  }
0x35: {  	[sflag:s19] =	ssyncset.done $0x0  }
0x36: {  	[sflag:s19] =	ssyncadd.s32 $0xFFFFD800  }
0x37: {  	[spmem:s12] =	stream.linear.scatter [tilespmem:s21], [sflag:$0x3], $0x2800, $0x38;
	[tilespmem:$0x1F800] =	vst v63  }
0x38: {  	_ =	swait.ge [sflag:s19], $0x2800  }
0x39: {  	[sflag:s19] =	ssyncset.done $0x0  }
0x3a: {  	[sflag:s19] =	ssyncadd.s32 $0xFFFFD800  }
0x3b: {  	[spmem:s13] =	stream.linear.scatter [tilespmem:s21], [sflag:$0x3], $0x2800, $0x38;
	[tilespmem:$0x1F800] =	vst v63  }
0x3c: {  	_ =	swait.ge [sflag:s19], $0x2800  }
0x3d: {  	[sflag:s19] =	ssyncset.done $0x0  }
0x3e: {  	[sflag:s19] =	ssyncadd.s32 $0xFFFFD800  }
0x3f: {  	[spmem:s14] =	stream.linear.scatter [tilespmem:s21], [sflag:$0x3], $0x2400, $0x38;
	[tilespmem:$0x1F800] =	vst v63  }
0x40: {  	_ =	swait.ge [sflag:s19], $0x2400  }
0x41: {  	[sflag:s19] =	ssyncset.done $0x0  }
0x42: {  	[sflag:s19] =	ssyncadd.s32 $0xFFFFDC00  }
0x43: {  	s28 =	simm.s32 $0x50;
	[bflag:$0x0] =	sbarrier.arrive $0xFFFF  }
0x44: {  	[tilespmem:s21], [sflag:$0x1] =	stream.indirect.gather [hbm4b:s4+s28], $0x80, s3, s28, $0xb8;
	[tilespmem:$0x1F800] =	vst v63  }
0x45: {  	_ = 	snop  }
0x46: {  	[tilespmem:s23], [sflag:$0x2] =	stream.indirect.gather [hbm4b:s4+s22], $0x80, s28, s22, $0xb8;
	[tilespmem:$0x1F800] =	vst v63  }
0x47: {  	p0 =	sgt.s32 s1, $0x2;
	_ =	swait.ge [sflag:s24], $0x2800  }
0x48: {  	s30 =	smov.u32 s1;
	s28 =	simm.s32 $0x2;
	[sflag:s24] =	ssyncset.done $0x0  }
0x49: {  	s29 =	simm.s32 $0x3600;
	s30 =	smov.u32 @p0 s28;
	[sflag:s24] =	ssyncadd.s32 $0xFFFFD800  }
0x4a: {  	[spmem:s2] =	stream.indirect.scatter.add.f32 [tilespmem:s21], [sflag:$0x3], $0x80, s29, s22, $0xb8;
	[tilespmem:$0x1F800] =	vst v63  }
0x4b: {  	s30 =	smul.u32 $0x140, s30;
	_ =	swait.ge [sflag:s19], $0x2800  }
0x4c: {  	[sflag:s19] =	ssyncset.done $0x0  }
0x4d: {  	p0 =	sne.s32 s16, $0x1;
	s30 =	sshra.s32 s30, $0x2;
	[sflag:s19] =	ssyncadd.s32 $0xFFFFD800  }
0x4e: {  	[tilespmem:s21], [sflag:$0x1] =	stream.indirect.gather [hbm4b:s4+s22], $0x80, s30, s22, $0xb8;
	[tilespmem:$0x1F800] =	vst v63  }
.Ltmp1:
0x4f: {  	_ =	swait.ge [sflag:s25], $0x2800;
	(pc) =	sbr.rel @!p0 .LBB2_5-.Ltmp1, $4  }
0x50: {  	[sflag:s25] =	ssyncset.done $0x0  }
0x51: {  	s30 =	simm.s32 $0x3650;
	[sflag:s25] =	ssyncadd.s32 $0xFFFFD800  }
0x52: {  	[spmem:s2] =	stream.indirect.scatter.add.f32 [tilespmem:s23], [sflag:$0x3], $0x80, s30, s22, $0xb8;
	[tilespmem:$0x1F800] =	vst v63  }
0x53: {  	s31 =	simm.s32 $0xF0;
	s30 =	sadd.s32 $0xFFFFFFFF, s16;
	_ =	swait.ge [sflag:s19], $0x2800  }
.LBB2_4:
0x54: {  	[sflag:s19] =	ssyncset.done $0x0;
	s28 =	sadd.s32 $0x2, s28;
	s29 =	sadd.s32 $0xA0, s29  }
0x55: {  	p0 =	sne.s32 s30, $0x1;
	s30 =	sadd.s32 $0xFFFFFFFF, s30;
	[sflag:s19] =	ssyncadd.s32 $0xFFFFD800  }
0x56: {  	[tilespmem:s23], [sflag:$0x2] =	stream.indirect.gather [hbm4b:s4+s22], $0x80, s31, s22, $0xb8;
	[tilespmem:$0x1F800] =	vst v63  }
0x57: {  	_ =	swait.ge [sflag:s24], $0x2800  }
0x58: {  	[sflag:s24] =	ssyncset.done $0x0  }
0x59: {  	s15 =	smov.u32 s1;
	p1 =	slt.s32 s28, s1;
	[sflag:s24] =	ssyncadd.s32 $0xFFFFD800  }
0x5a: {  	[spmem:s2] =	stream.indirect.scatter.add.f32 [tilespmem:s21], [sflag:$0x3], $0x80, s29, s22, $0xb8;
	[tilespmem:$0x1F800] =	vst v63  }
0x5b: {  	s15 =	smov.u32 @p1 s28;
	_ =	swait.ge [sflag:s19], $0x2800  }
0x5c: {  	s15 =	smul.u32 $0x140, s15;
	[sflag:s19] =	ssyncset.done $0x0  }
0x5d: {  	[sflag:s19] =	ssyncadd.s32 $0xFFFFD800  }
0x5e: {  	s15 =	sshra.s32 s15, $0x2  }
0x5f: {  	[tilespmem:s21], [sflag:$0x1] =	stream.indirect.gather [hbm4b:s4+s22], $0x80, s15, s22, $0xb8;
	[tilespmem:$0x1F800] =	vst v63  }
.Ltmp2:
0x60: {  	_ =	swait.ge [sflag:s25], $0x2800;
	(pc) =	sbr.rel @p0 .LBB2_4-.Ltmp2, $4  }
0x61: {  	s15 =	sadd.s32 $0x50, s29;
	[sflag:s25] =	ssyncset.done $0x0  }
0x62: {  	[sflag:s25] =	ssyncadd.s32 $0xFFFFD800  }
0x63: {  	[spmem:s2] =	stream.indirect.scatter.add.f32 [tilespmem:s23], [sflag:$0x3], $0x80, s15, s22, $0xb8;
	[tilespmem:$0x1F800] =	vst v63  }
0x64: {  	s31 =	sadd.s32 $0xA0, s31;
	_ =	swait.ge [sflag:s19], $0x2800  }
.LBB2_5:
0x65: {  	[sflag:s19] =	ssyncset.done $0x0  }
0x66: {  	[sflag:s19] =	ssyncadd.s32 $0xFFFFD800  }
0x67: {  	_ =	swait.ge [sflag:s24], $0x2800  }
0x68: {  	s15 =	sshll.u32 s0, $0x6;
	s26 =	sadd.s32 $0x1, s26;
	[sflag:s24] =	ssyncset.done $0x0  }
0x69: {  	s28 =	sshrl.u32 s5, $0x3;
	p0 =	sne.s32 s26, s18;
	[sflag:s24] =	ssyncadd.s32 $0xFFFFD800  }
.Ltmp3:
0x6a: {  	s15 =	sor.u32 $0x1C03, s15;
	[bflag:$0x0] =	sbarrier.arrive $0xFFFF;
	(pc) =	sbr.rel @p0 .LBB2_1-.Ltmp3, $4  }
0x6b: {  	[hbm:s17], [sflag:s15] =	dma.local [spmem:s28], $0x2780  }
0x6c: {  	_ =	swait.ge [sflag:s19], $0x2780  }
0x6d: {  	[sflag:s19] =	ssyncset.done $0x0  }
0x6e: {  	[sflag:s19] =	ssyncadd.s32 $0xFFFFD880  }
0x6f: {  	_ =	sfence.sel $0x180000  }
0x70: {  	[bflag:$0x0] =	sbarrier.arrive $0xFFFF  }
0x71: {  	_ =	strace $0x9000004D  }
0x72: {  	[bflag:$0x2] =	sbarrier.arrive $0xFFFF  }
0x73: {  	p0 =	sne.s32 s0, $0x0;
	s0 =	rddreg [dreg:$0x3]  }
0x74: {  	s0 =	sadd.s32 @!p0 $0x100000, s0  }
0x75: {  	[sflag:s0] =	ssyncadd.tile.s32 @!p0 $0x1;
	_ =	shalt  }
.Lfunc_end2:
_tile_overlayer_lowered:
.L_overlay_start_2:
0x76: {  	(tag) =	ssettag $0x2  }
0x77: {  	s0 =	rddreg [dreg:$0x0];
	s2 =	stileid.u32  }
0x78: {  	s1 =	rddreg [dreg:$0x1];
	p0 =	sne.s32 s2, $0x0  }
0x79: {  	s3 =	rddreg [dreg:$0x2];
	[bflag:$0x3] =	sbarrier.arrive $0xFFFF;
	s2 =	simm.s32 @!p0 $0x1C03  }
0x7a: {  	[timem:s3], [sflag:s2] =	dma.local @!p0 [hbm:s0], s1  }
0x7b: {  	s0 =	simm.s32 @!p0 $0x3  }
0x7c: {  	_ =	swait.ge @!p0 [sflag:s0], s1  }
0x7d: {  	s1 =	ssub.s32 @!p0 $0x0, s1;
	[sflag:s0] =	ssyncset.done @!p0 $0x0  }
0x7e: {  	[sflag:s0] =	ssyncadd.s32 @!p0 s1  }
0x7f: {  	[bflag:$0x3] =	sbarrier.arrive $0xFFFF  }
0x80: {  	_ =	shalt  }

// kernel: kernel.19.cloned.1.call-start
scs
__scs_entry_jumppad:
0x0: {  	(pc) =	sbr.rel $0x88, $3  }
0x1: {  	(tag) =	ssettag $0x0;
	lr =	simm.s32 $0x1  }
0x2: {  	[smem:$0x3F99] =	sst lr;
	_ =	strace $0xD0000000  }
0x3: {  	_ = 	snop  }
0x4: {  	_ = 	snop  }
0x5: {  	_ = 	snop  }
0x6: {  	_ = 	snop  }
0x7: {  	_ = 	snop  }
__scs_overlays_trampoline_lowered:
0x8: {  	[smem:$0x3FA8] =	sst s0  }
0x9: {  	[smem:$0x3FA9] =	sst s1  }
0xa: {  	[smem:$0x3FAA] =	sst s2  }
0xb: {  	[smem:$0x3FAB] =	sst s3  }
0xc: {  	[smem:$0x3FAC] =	sst s4  }
0xd: {  	[smem:$0x3FAD] =	sst s5  }
0xe: {  	[smem:$0x3FAE] =	sst s6  }
0xf: {  	[smem:$0x3FAF] =	sst s7  }
0x10: {  	[smem:$0x3FB0] =	sst s8  }
0x11: {  	[smem:$0x3FB1] =	sst s9;
	s0 =	simm.s32 @!p0 $0x0  }
0x12: {  	s1 =	sld [smem:$0x3F97];
	s0 =	simm.s32 @p0 $0x1  }
0x13: {  	[smem:$0x3FB2] =	sst s0;
	s0 =	simm.s32 @!p1 $0x0  }
0x14: {  	s2 =	sld [smem:$0x3F96];
	s0 =	simm.s32 @p1 $0x1  }
0x15: {  	[smem:$0x3FB3] =	sst s0;
	s0 =	simm.s32 @!p2 $0x0  }
0x16: {  	s3 =	sld [smem:$0x3FDB];
	s0 =	simm.s32 @p2 $0x1  }
0x17: {  	s4 =	simm.s32 $0x1BF5;
	[smem:$0x3FB5] =	sst s0  }
0x18: {  	s0 =	sld [smem:$0x3F98];
	_ =	swait.ge [sflag:s4], $0x0  }
0x19: {  	s7 =	sld [smem:$0x3F99]  }
0x1a: {  	s8 =	sadd.s32 $0xFFFFE003, lr  }
0x1b: {  	s9 =	sadd.s32 $0xFFFFFEF7, lr;
	s5 =	simm.s32 $0xFFFFFFFF;
	p2 =	slt.u32 s8, $0xFFFFF086  }
0x1c: {  	p1 =	slt.u32 s9, $0xF7A;
	s5 =	simm.s32 @!p2 $0x0  }
0x1d: {  	s5 =	simm.s32 @p1 $0x1;
	p0 =	seq.s32 s7, s2  }
0x1e: {  	s7 =	smul.u32 @!p0 $0xF7A, s2;
	p2 =	seq.s32 @!p0 s5, $0x0  }
0x1f: {  	s9 =	smul.u32 $0xF7A, s1;
	s8 =	simm.s32 @!p0 $0x1BF5;
	p2 =	por !p2, p0  }
0x20: {  	[sflag:s8] =	ssyncset.s32 @!p0 $0xFFFFF086;
	s6 =	sadd.s32 @!p0 s3, s7;
	s7 =	simm.s32 @!p0 $0x108  }
0x21: {  	s3 =	sadd.s32 s3, s9;
	s6 =	sadd.s32 @!p0 $0x88, s6;
	s7 =	simm.s32 @p2 $0x1082  }
0x22: {  	[simem:s7], [sflag:s8] =	dma.local @!p0 [hbm:s6], $0xF7A  }
0x23: {  	s9 =	sor.u32 $0xD0000000, s2;
	s6 =	simm.s32 $0x108;
	_ =	swait.ge @!p0 [sflag:s8], $0x0  }
0x24: {  	s3 =	sadd.s32 $0x88, s3;
	s6 =	simm.s32 @!p1 $0x1082;
	[sflag:s4] =	ssyncset.s32 $0xFFFFF086  }
0x25: {  	[simem:s6], [sflag:s4] =	dma.local [hbm:s3], $0xF7A  }
0x26: {  	[smem:$0x3F99] =	sst s1;
	(tag) =	ssettag s2;
	_ =	strace s9  }
0x27: {  	s1 =	sld [smem:$0x3FA9]  }
0x28: {  	s2 =	sld [smem:$0x3FAA]  }
0x29: {  	s4 =	sld [smem:$0x3FAC]  }
0x2a: {  	p0 =	seq.s32 s5, $0x0;
	s5 =	sld [smem:$0x3FAD]  }
0x2b: {  	s6 =	sld [smem:$0x3FAE]  }
0x2c: {  	s7 =	sld [smem:$0x3FAF]  }
0x2d: {  	s3 =	simm.s32 $0x108;
	s8 =	sld [smem:$0x3FB0]  }
0x2e: {  	s3 =	simm.s32 @!p0 $0x1082;
	s9 =	sld [smem:$0x3FB1]  }
0x2f: {  	lr =	sadd.s32 s0, s3;
	s0 =	sld [smem:$0x3FA8]  }
0x30: {  	s3 =	sld [smem:$0x3FAB]  }
0x31: {  	[smem:$0x3FB4] =	sst s10  }
0x32: {  	s10 =	sld [smem:$0x3FB2];
	_ =	sdelay $0x3  }
0x33: {  	p0 =	seq.s32 s10, $0x1;
	s10 =	sld [smem:$0x3FB4];
	_ =	sdelay $0x3  }
0x34: {  	[smem:$0x3FB4] =	sst s10  }
0x35: {  	s10 =	sld [smem:$0x3FB3];
	_ =	sdelay $0x3  }
0x36: {  	p1 =	seq.s32 s10, $0x1;
	s10 =	sld [smem:$0x3FB4];
	_ =	sdelay $0x3  }
0x37: {  	[smem:$0x3FB4] =	sst s10  }
0x38: {  	s10 =	sld [smem:$0x3FB5]  }
0x39: {  	_ = 	snop;
	(pc) =	sbr.ind lr, $3  }
0x3a: {  	_ = 	snop  }
0x3b: {  	_ = 	snop  }
0x3c: {  	p2 =	seq.s32 s10, $0x1;
	s10 =	sld [smem:$0x3FB4]  }
0x3d: {  	_ =	shalt  }
0x3e: {  	_ =	shalt  }
0x3f: {  	_ =	shalt  }
0x40: {  	_ =	shalt  }
0x41: {  	_ =	shalt  }
0x42: {  	_ =	shalt  }
0x43: {  	_ =	shalt  }
0x44: {  	_ =	shalt  }
0x45: {  	_ =	shalt  }
0x46: {  	_ =	shalt  }
0x47: {  	_ =	shalt  }
0x48: {  	_ =	shalt  }
0x49: {  	_ =	shalt  }
0x4a: {  	_ =	shalt  }
0x4b: {  	_ =	shalt  }
0x4c: {  	_ =	shalt  }
0x4d: {  	_ =	shalt  }
0x4e: {  	_ =	shalt  }
0x4f: {  	_ =	shalt  }
0x50: {  	_ =	shalt  }
0x51: {  	_ =	shalt  }
0x52: {  	_ =	shalt  }
0x53: {  	_ =	shalt  }
0x54: {  	_ =	shalt  }
0x55: {  	_ =	shalt  }
0x56: {  	_ =	shalt  }
0x57: {  	_ =	shalt  }
0x58: {  	_ =	shalt  }
0x59: {  	_ =	shalt  }
0x5a: {  	_ =	shalt  }
0x5b: {  	_ =	shalt  }
0x5c: {  	_ =	shalt  }
0x5d: {  	_ =	shalt  }
0x5e: {  	_ =	shalt  }
0x5f: {  	_ =	shalt  }
0x60: {  	_ =	shalt  }
0x61: {  	_ =	shalt  }
0x62: {  	_ =	shalt  }
0x63: {  	_ =	shalt  }
0x64: {  	_ =	shalt  }
0x65: {  	_ =	shalt  }
0x66: {  	_ =	shalt  }
0x67: {  	_ =	shalt  }
0x68: {  	_ =	shalt  }
0x69: {  	_ =	shalt  }
0x6a: {  	_ =	shalt  }
0x6b: {  	_ =	shalt  }
0x6c: {  	_ =	shalt  }
0x6d: {  	_ =	shalt  }
0x6e: {  	_ =	shalt  }
0x6f: {  	_ =	shalt  }
0x70: {  	_ =	shalt  }
0x71: {  	_ =	shalt  }
0x72: {  	_ =	shalt  }
0x73: {  	_ =	shalt  }
0x74: {  	_ =	shalt  }
0x75: {  	_ =	shalt  }
0x76: {  	_ =	shalt  }
0x77: {  	_ =	shalt  }
0x78: {  	_ =	shalt  }
0x79: {  	_ =	shalt  }
0x7a: {  	_ =	shalt  }
0x7b: {  	_ =	shalt  }
0x7c: {  	_ =	shalt  }
0x7d: {  	_ =	shalt  }
0x7e: {  	_ =	shalt  }
0x7f: {  	_ =	shalt  }
0x80: {  	_ =	shalt  }
0x81: {  	_ =	shalt  }
0x82: {  	_ =	shalt  }
0x83: {  	_ =	shalt  }
0x84: {  	_ =	shalt  }
0x85: {  	_ =	shalt  }
0x86: {  	_ =	shalt  }
0x87: {  	_ =	shalt  }
.Lfunc_end0:
.L_simem_size_0:
called_computation.3_lowered:
.L_overlay_start_0:
0x88: {  	s2 =	sld [smem:$0x3FD9]  }
0x89: {  	s3 =	sld [smem:$0x3FFE];
	_ =	sdelay $0x1  }
0x8a: {  	s1 =	srdreg.scid  }
0x8b: {  	s0 =	sand.u32 $0x1, s1  }
0x8c: {  	s17 =	sshll.u32 s0, $0xA;
	s2 =	sadd.s32 s3, s2  }
0x8d: {  	s2 =	sadd.s32 s2, s17  }
0x8e: {  	[smem:$0x3FC0] =	sst s2  }
0x8f: {  	_ = 	snop  }
0x90: {  	s2 =	sld [smem:$0x3FD0];
	(tm) =	ssettm $0x1  }
0x91: {  	s18 =	sld [smem:$0x3FFB];
	_ =	sdelay $0x3  }
0x92: {  	_ =	strace s18  }
0x93: {  	s3 =	sld [smem:$0x3FFC];
	_ =	sdelay $0x3  }
0x94: {  	_ =	strace s3  }
0x95: {  	s3 =	sld [smem:$0x3FFD];
	_ =	sdelay $0x3  }
0x96: {  	_ =	strace s3  }
0x97: {  	_ =	strace $0x8FFFFFFF  }
0x98: {  	s19 =	sld [smem:$0x3FDB];
	_ =	sdelay $0x1  }
0x99: {  	s4 =	simm.s32 $_scs_section_size  }
0x9a: {  	s5 =	simm.s32 $_size__tile_overlayer_lowered;
	s6 =	simm.s32 $_tile_overlayer_lowered  }
0x9b: {  	s22 =	simm.s32 $0x1BFF;
	s21 =	sshll.u32 s6, $0x1;
	s3 =	sadd.s32 s4, s19  }
0x9c: {  	s7 =	simm.s32 $0x0;
	s20 =	sshll.u32 s5, $0x1;
	s5 =	sadd.s32 s21, s3  }
0x9d: {  	[timem:s7], [sflag:s22] =	dma.local [hbm:s5], s20  }
0x9e: {  	_ =	swait.ge [sflag:s22], s20  }
0x9f: {  	s4 =	ssub.s32 $0x0, s20;
	[sflag:s22] =	ssyncset.done $0x0  }
0xa0: {  	[sflag:s22] =	ssyncadd.s32 s4;
	_ =	sdelay $0x1  }
0xa1: {  	s23 =	simm.s32 $0x1B8B  }
0xa2: {  	_ =	swait.ge [sflag:s23], $0x1  }
0xa3: {  	[sflag:s23] =	ssyncset.done $0x0  }
0xa4: {  	s25 =	simm.s32 $0x1B8E;
	s24 =	sld [smem:$0x3FFE];
	[sflag:s23] =	ssyncadd.s32 $0xFFFFFFFF  }
0xa5: {  	s26 =	simm.s32 $execute0_lowered;
	[smem:$0x3FD2] =	sst s25  }
0xa6: {  	s5 =	sshll.u32 s26, $0x1;
	_ =	strace $0x8000004F;
	[dreg:$0x1] =	wrdreg $0xFFFFFFFF  }
0xa7: {  	s28 =	simm.s32 $_size_execute0_lowered;
	s3 =	sadd.s32 s3, s5;
	[dreg:$0x0] =	wrdreg $0x0  }
0xa8: {  	s5 =	sshll.u32 s28, $0x1;
	[dreg:$0x2] =	wrdreg s3  }
0xa9: {  	[dreg:$0x3] =	wrdreg s5  }
0xaa: {  	[dreg:$0x4] =	wrdreg $0xC0  }
0xab: {  	_ =	task [dreg:s7], $0x5FFFF  }
0xac: {  	[dreg:$0x1] =	wrdreg $0xFFFFFFFF  }
0xad: {  	[dreg:$0x0] =	wrdreg $0x60  }
0xae: {  	[dreg:$0x2] =	wrdreg s24  }
0xaf: {  	[dreg:$0x3] =	wrdreg s2  }
0xb0: {  	[dreg:$0x4] =	wrdreg $0xBC000  }
0xb1: {  	[dreg:$0x5] =	wrdreg $0x9  }
0xb2: {  	_ =	task.clear_ibuf [dreg:s7], $0x6FFFF;
	_ =	strace $0x9000004F  }
0xb3: {  	s29 =	simm.s32 $0x9;
	_ =	strace $0x80000051  }
0xb4: {  	_ =	swait.ge [sflag:s29], $0x1  }
0xb5: {  	[sflag:s29] =	ssyncadd.s32 $0xFFFFFFFF  }
0xb6: {  	_ =	strace $0x90000051  }
0xb7: {  	_ =	sfence  }
0xb8: {  	s30 =	sld [smem:$0x0];
	_ =	sdelay $0x2  }
0xb9: {  	s31 =	sshll.u32 s1, $0xD;
	s1 =	sshrl.u32 s1, $0x2  }
0xba: {  	s3 =	sand.u32 $0x4000, s31;
	s1 =	sadd.s32 s1, s30  }
0xbb: {  	s0 =	sor.u32 s3, s0;
	s1 =	sshll.u32 s1, $0x11  }
0xbc: {  	s0 =	sor.u32 s1, s0  }
0xbd: {  	s0 =	sadd.s32 $0x8F2B, s0  }
0xbe: {  	[sflag:s0] =	ssyncadd.remote.s32 $0x1  }
0xbf: {  	_ =	sfence.sel $0xFFFF  }
0xc0: {  	[dreg:$0x0] =	wrdreg $0xFFFFFFFF;
	(pc) =	sbr.abs _section_cstart, $3  }
0xc1: {  	[dreg:$0x1] =	wrdreg $0xFFFFFFFF  }
0xc2: {  	_ =	task.clear_ibuf [dreg:s7], $0x2FFFF;
	_ =	strace $0x9FFFFFFF  }
0xc3: {  	(tm) =	ssettm $0x7FFFFFFF  }
tec
execute0_lowered:
.L_overlay_start_1:
0x0: {  	(tag) =	ssettag $0x1  }
0x1: {  	s5 =	rddreg [dreg:$0x0]  }
0x2: {  	s7 =	rddreg [dreg:$0x1];
	s0 =	stileid.u32  }
0x3: {  	s1 =	srdreg.scid;
	s2 =	rddreg [dreg:$0x2];
	s3 =	simm.s32 $0x0  }
0x4: {  	s16 =	simm.s32 $0xAC;
	s19 =	simm.s32 $0x3;
	s20 =	simm.s32 $0x3600  }
0x5: {  	s21 =	simm.s32 $0x6C00;
	s22 =	simm.s32 $0x50;
	s4 =	smul.u32 $0xAC, s0  }
0x6: {  	s23 =	simm.s32 $0x9400;
	s24 =	simm.s32 $0x1;
	s8 =	smul.u32 $0x50, s0  }
0x7: {  	s25 =	simm.s32 $0x2;
	s26 =	simm.s32 $0x0;
	s10 =	smul.u32 $0x13C00, s0  }
0x8: {  	s6 =	sand.u32 $0x1, s1;
	[smem:$0x7FF] =	sst s3;
	s29 =	smul.u32 $0x4F000, s0  }
0x9: {  	s9 =	smul.u32 $0x13C000, s6;
	p0 =	seq.s32 s6, $0x0;
	s30 =	ssub.s32 $0x2, s6  }
0xa: {  	_ =	strace $0x80000050;
	s8 =	sadd.s32 $0xAC0, s8;
	s6 =	sshrl.u32 s30, $0x1  }
0xb: {  	s31 =	sshrl.u32 s29, $0x2;
	s16 =	simm.s32 @!p0 $0x50;
	s8 =	smov.u32 @p0 s4  }
0xc: {  	s9 =	sadd.s32 s10, s9;
	s4 =	sadd.s32 $0x4000, s5;
	s18 =	ssub.s32 s30, s6  }
0xd: {  	s1 =	sadd.s32 $0xFFFFFFFF, s16;
	s8 =	smul.u32 $0xA, s8;
	s9 =	sshrl.u32 s9, $0x3  }
0xe: {  	s16 =	sshrl.u32 s16, $0x1;
	s18 =	smax.u32 s18, $0x1;
	s17 =	sadd.s32 s9, s5  }
0xf: {  	s11 =	sadd.s32 s8, s5;
	s5 =	sadd.s32 s31, s2;
	s7 =	sadd.s32 s7, s8  }
0x10: {  	s17 =	sadd.s32 $0x5D200, s17;
	s6 =	sadd.s32 $0x53000, s11;
	s8 =	sadd.s32 $0x2800, s5  }
0x11: {  	s9 =	sadd.s32 $0x5000, s5;
	s10 =	sadd.s32 $0x7800, s5;
	s11 =	sadd.s32 $0xA000, s5  }
0x12: {  	v0 =	vimm.f32 $0.0e+00;
	s12 =	sadd.s32 $0xC800, s5;
	s13 =	sadd.s32 $0xF000, s5;
	s14 =	sadd.s32 $0x11800, s5  }
.LBB2_1:
0x13: {  	[tilespmem:s3], [sflag:$0x3] =	stream.linear.gather [hbm4b:s6+s3], $0x35C0, $0x38;
	[tilespmem:$0x1F800] =	vst v63  }
0x14: {  	_ =	swait.ge [sflag:s19], $0x35C0  }
0x15: {  	[sflag:s19] =	ssyncset.done $0x0  }
0x16: {  	[sflag:s19] =	ssyncadd.s32 $0xFFFFCA40  }
0x17: {  	[tilespmem:s20], [sflag:$0x3] =	stream.linear.gather [hbm4b:s7+s3], $0x35C0, $0x38;
	[tilespmem:$0x1F800] =	vst v63  }
0x18: {  	s28 =	sand.u32 $0xFE00, s3;
	s29 =	sand.u32 $0x70, s3;
	_ =	swait.ge [sflag:s19], $0x35C0  }
0x19: {  	s30 =	sshrl.u32 s28, $0x2;
	s28 =	simm.s32 $0x40;
	[sflag:s19] =	ssyncset.done $0x0  }
0x1a: {  	s30 =	sor.u32 s29, s30;
	s29 =	simm.s32 $0x0;
	[sflag:s19] =	ssyncadd.s32 $0xFFFFCA40  }
.LBB2_2:
0x1b: {  	p0 =	sne.s32 s28, $0x9FC0  }
0x1c: {  	[tilespmem:s30+$0x6C00] =	vst v0;
	s29 =	sadd.s32 $0x10, s29;
	s30 =	smov.u32 s28;
	s28 =	sadd.s32 $0x40, s28  }
.Ltmp0:
0x1d: {  	(pc) =	sbr.rel @p0 .LBB2_2-.Ltmp0, $4  }
0x1e: {  	_ = 	snop  }
0x1f: {  	s30 =	sand.u32 $0xFE00, s30  }
0x20: {  	s31 =	sand.u32 $0x70, s29;
	s30 =	sshrl.u32 s30, $0x2  }
0x21: {  	s30 =	sor.u32 s31, s30  }
0x22: {  	[tilespmem:s30+$0x6C00] =	vst v0  }
0x23: {  	[spmem:s5] =	stream.linear.scatter [tilespmem:s21], [sflag:$0x3], $0x2800, $0x38;
	[tilespmem:$0x1F800] =	vst v63  }
0x24: {  	_ =	swait.ge [sflag:s19], $0x2800  }
0x25: {  	[sflag:s19] =	ssyncset.done $0x0  }
0x26: {  	[sflag:s19] =	ssyncadd.s32 $0xFFFFD800  }
0x27: {  	[spmem:s8] =	stream.linear.scatter [tilespmem:s21], [sflag:$0x3], $0x2800, $0x38;
	[tilespmem:$0x1F800] =	vst v63  }
0x28: {  	_ =	swait.ge [sflag:s19], $0x2800  }
0x29: {  	[sflag:s19] =	ssyncset.done $0x0  }
0x2a: {  	[sflag:s19] =	ssyncadd.s32 $0xFFFFD800  }
0x2b: {  	[spmem:s9] =	stream.linear.scatter [tilespmem:s21], [sflag:$0x3], $0x2800, $0x38;
	[tilespmem:$0x1F800] =	vst v63  }
0x2c: {  	_ =	swait.ge [sflag:s19], $0x2800  }
0x2d: {  	[sflag:s19] =	ssyncset.done $0x0  }
0x2e: {  	[sflag:s19] =	ssyncadd.s32 $0xFFFFD800  }
0x2f: {  	[spmem:s10] =	stream.linear.scatter [tilespmem:s21], [sflag:$0x3], $0x2800, $0x38;
	[tilespmem:$0x1F800] =	vst v63  }
0x30: {  	_ =	swait.ge [sflag:s19], $0x2800  }
0x31: {  	[sflag:s19] =	ssyncset.done $0x0  }
0x32: {  	[sflag:s19] =	ssyncadd.s32 $0xFFFFD800  }
0x33: {  	[spmem:s11] =	stream.linear.scatter [tilespmem:s21], [sflag:$0x3], $0x2800, $0x38;
	[tilespmem:$0x1F800] =	vst v63  }
0x34: {  	_ =	swait.ge [sflag:s19], $0x2800  }
0x35: {  	[sflag:s19] =	ssyncset.done $0x0  }
0x36: {  	[sflag:s19] =	ssyncadd.s32 $0xFFFFD800  }
0x37: {  	[spmem:s12] =	stream.linear.scatter [tilespmem:s21], [sflag:$0x3], $0x2800, $0x38;
	[tilespmem:$0x1F800] =	vst v63  }
0x38: {  	_ =	swait.ge [sflag:s19], $0x2800  }
0x39: {  	[sflag:s19] =	ssyncset.done $0x0  }
0x3a: {  	[sflag:s19] =	ssyncadd.s32 $0xFFFFD800  }
0x3b: {  	[spmem:s13] =	stream.linear.scatter [tilespmem:s21], [sflag:$0x3], $0x2800, $0x38;
	[tilespmem:$0x1F800] =	vst v63  }
0x3c: {  	_ =	swait.ge [sflag:s19], $0x2800  }
0x3d: {  	[sflag:s19] =	ssyncset.done $0x0  }
0x3e: {  	[sflag:s19] =	ssyncadd.s32 $0xFFFFD800  }
0x3f: {  	[spmem:s14] =	stream.linear.scatter [tilespmem:s21], [sflag:$0x3], $0x2400, $0x38;
	[tilespmem:$0x1F800] =	vst v63  }
0x40: {  	_ =	swait.ge [sflag:s19], $0x2400  }
0x41: {  	[sflag:s19] =	ssyncset.done $0x0  }
0x42: {  	[sflag:s19] =	ssyncadd.s32 $0xFFFFDC00  }
0x43: {  	s28 =	simm.s32 $0x50;
	[bflag:$0x0] =	sbarrier.arrive $0xFFFF  }
0x44: {  	[tilespmem:s21], [sflag:$0x1] =	stream.indirect.gather [hbm4b:s4+s28], $0x80, s3, s28, $0xb8;
	[tilespmem:$0x1F800] =	vst v63  }
0x45: {  	_ = 	snop  }
0x46: {  	[tilespmem:s23], [sflag:$0x2] =	stream.indirect.gather [hbm4b:s4+s22], $0x80, s28, s22, $0xb8;
	[tilespmem:$0x1F800] =	vst v63  }
0x47: {  	p0 =	sgt.s32 s1, $0x2;
	_ =	swait.ge [sflag:s24], $0x2800  }
0x48: {  	s30 =	smov.u32 s1;
	s28 =	simm.s32 $0x2;
	[sflag:s24] =	ssyncset.done $0x0  }
0x49: {  	s29 =	simm.s32 $0x3600;
	s30 =	smov.u32 @p0 s28;
	[sflag:s24] =	ssyncadd.s32 $0xFFFFD800  }
0x4a: {  	[spmem:s2] =	stream.indirect.scatter.add.f32 [tilespmem:s21], [sflag:$0x3], $0x80, s29, s22, $0xb8;
	[tilespmem:$0x1F800] =	vst v63  }
0x4b: {  	s30 =	smul.u32 $0x140, s30;
	_ =	swait.ge [sflag:s19], $0x2800  }
0x4c: {  	[sflag:s19] =	ssyncset.done $0x0  }
0x4d: {  	p0 =	sne.s32 s16, $0x1;
	s30 =	sshra.s32 s30, $0x2;
	[sflag:s19] =	ssyncadd.s32 $0xFFFFD800  }
0x4e: {  	[tilespmem:s21], [sflag:$0x1] =	stream.indirect.gather [hbm4b:s4+s22], $0x80, s30, s22, $0xb8;
	[tilespmem:$0x1F800] =	vst v63  }
.Ltmp1:
0x4f: {  	_ =	swait.ge [sflag:s25], $0x2800;
	(pc) =	sbr.rel @!p0 .LBB2_5-.Ltmp1, $4  }
0x50: {  	[sflag:s25] =	ssyncset.done $0x0  }
0x51: {  	s30 =	simm.s32 $0x3650;
	[sflag:s25] =	ssyncadd.s32 $0xFFFFD800  }
0x52: {  	[spmem:s2] =	stream.indirect.scatter.add.f32 [tilespmem:s23], [sflag:$0x3], $0x80, s30, s22, $0xb8;
	[tilespmem:$0x1F800] =	vst v63  }
0x53: {  	s31 =	simm.s32 $0xF0;
	s30 =	sadd.s32 $0xFFFFFFFF, s16;
	_ =	swait.ge [sflag:s19], $0x2800  }
.LBB2_4:
0x54: {  	[sflag:s19] =	ssyncset.done $0x0;
	s28 =	sadd.s32 $0x2, s28;
	s29 =	sadd.s32 $0xA0, s29  }
0x55: {  	p0 =	sne.s32 s30, $0x1;
	s30 =	sadd.s32 $0xFFFFFFFF, s30;
	[sflag:s19] =	ssyncadd.s32 $0xFFFFD800  }
0x56: {  	[tilespmem:s23], [sflag:$0x2] =	stream.indirect.gather [hbm4b:s4+s22], $0x80, s31, s22, $0xb8;
	[tilespmem:$0x1F800] =	vst v63  }
0x57: {  	_ =	swait.ge [sflag:s24], $0x2800  }
0x58: {  	[sflag:s24] =	ssyncset.done $0x0  }
0x59: {  	s15 =	smov.u32 s1;
	p1 =	slt.s32 s28, s1;
	[sflag:s24] =	ssyncadd.s32 $0xFFFFD800  }
0x5a: {  	[spmem:s2] =	stream.indirect.scatter.add.f32 [tilespmem:s21], [sflag:$0x3], $0x80, s29, s22, $0xb8;
	[tilespmem:$0x1F800] =	vst v63  }
0x5b: {  	s15 =	smov.u32 @p1 s28;
	_ =	swait.ge [sflag:s19], $0x2800  }
0x5c: {  	s15 =	smul.u32 $0x140, s15;
	[sflag:s19] =	ssyncset.done $0x0  }
0x5d: {  	[sflag:s19] =	ssyncadd.s32 $0xFFFFD800  }
0x5e: {  	s15 =	sshra.s32 s15, $0x2  }
0x5f: {  	[tilespmem:s21], [sflag:$0x1] =	stream.indirect.gather [hbm4b:s4+s22], $0x80, s15, s22, $0xb8;
	[tilespmem:$0x1F800] =	vst v63  }
.Ltmp2:
0x60: {  	_ =	swait.ge [sflag:s25], $0x2800;
	(pc) =	sbr.rel @p0 .LBB2_4-.Ltmp2, $4  }
0x61: {  	s15 =	sadd.s32 $0x50, s29;
	[sflag:s25] =	ssyncset.done $0x0  }
0x62: {  	[sflag:s25] =	ssyncadd.s32 $0xFFFFD800  }
0x63: {  	[spmem:s2] =	stream.indirect.scatter.add.f32 [tilespmem:s23], [sflag:$0x3], $0x80, s15, s22, $0xb8;
	[tilespmem:$0x1F800] =	vst v63  }
0x64: {  	s31 =	sadd.s32 $0xA0, s31;
	_ =	swait.ge [sflag:s19], $0x2800  }
.LBB2_5:
0x65: {  	[sflag:s19] =	ssyncset.done $0x0  }
0x66: {  	[sflag:s19] =	ssyncadd.s32 $0xFFFFD800  }
0x67: {  	_ =	swait.ge [sflag:s24], $0x2800  }
0x68: {  	s15 =	sshll.u32 s0, $0x6;
	s26 =	sadd.s32 $0x1, s26;
	[sflag:s24] =	ssyncset.done $0x0  }
0x69: {  	s28 =	sshrl.u32 s5, $0x3;
	p0 =	sne.s32 s26, s18;
	[sflag:s24] =	ssyncadd.s32 $0xFFFFD800  }
.Ltmp3:
0x6a: {  	s15 =	sor.u32 $0x1C03, s15;
	[bflag:$0x0] =	sbarrier.arrive $0xFFFF;
	(pc) =	sbr.rel @p0 .LBB2_1-.Ltmp3, $4  }
0x6b: {  	[hbm:s17], [sflag:s15] =	dma.local [spmem:s28], $0x2780  }
0x6c: {  	_ =	swait.ge [sflag:s19], $0x2780  }
0x6d: {  	[sflag:s19] =	ssyncset.done $0x0  }
0x6e: {  	[sflag:s19] =	ssyncadd.s32 $0xFFFFD880  }
0x6f: {  	_ =	sfence.sel $0x180000  }
0x70: {  	[bflag:$0x0] =	sbarrier.arrive $0xFFFF  }
0x71: {  	_ =	strace $0x90000050  }
0x72: {  	[bflag:$0x2] =	sbarrier.arrive $0xFFFF  }
0x73: {  	p0 =	sne.s32 s0, $0x0;
	s0 =	rddreg [dreg:$0x3]  }
0x74: {  	s0 =	sadd.s32 @!p0 $0x100000, s0  }
0x75: {  	[sflag:s0] =	ssyncadd.tile.s32 @!p0 $0x1;
	_ =	shalt  }
.Lfunc_end2:
_tile_overlayer_lowered:
.L_overlay_start_2:
0x76: {  	(tag) =	ssettag $0x2  }
0x77: {  	s0 =	rddreg [dreg:$0x0];
	s2 =	stileid.u32  }
0x78: {  	s1 =	rddreg [dreg:$0x1];
	p0 =	sne.s32 s2, $0x0  }
0x79: {  	s3 =	rddreg [dreg:$0x2];
	[bflag:$0x3] =	sbarrier.arrive $0xFFFF;
	s2 =	simm.s32 @!p0 $0x1C03  }
0x7a: {  	[timem:s3], [sflag:s2] =	dma.local @!p0 [hbm:s0], s1  }
0x7b: {  	s0 =	simm.s32 @!p0 $0x3  }
0x7c: {  	_ =	swait.ge @!p0 [sflag:s0], s1  }
0x7d: {  	s1 =	ssub.s32 @!p0 $0x0, s1;
	[sflag:s0] =	ssyncset.done @!p0 $0x0  }
0x7e: {  	[sflag:s0] =	ssyncadd.s32 @!p0 s1  }
0x7f: {  	[bflag:$0x3] =	sbarrier.arrive $0xFFFF  }
0x80: {  	_ =	shalt  }

</sc_bundles>
